<compile_context>
chip_gen: v7x
topology: tpu7x:2x2x1
jax: 0.10.2.dev20260603
libtpu: 0.0.44.dev20260713+nightly
codegen_flags: <defaults>
</compile_context>

<pallas_src>
import jax
import jax.numpy as jnp
from jax import lax
from jax.experimental import pallas as pl
from jax.experimental.pallas import tpu as pltpu
from jax.experimental.pallas import tpu_sc as plsc

N = 100000
D = 128
B = 256
L = 16
NC = 2
NS = 16
NW = NC * NS
T = 160
NT = N // T
TPW = (NT + NW - 1) // NW
KD = D // L
G = T // L


def _sc_body(x_hbm, bid_hbm, w_hbm, b_hbm, out_hbm,
             xbuf, bidbuf, acc, wbuf, bbuf, bidx, pbuf, shared, sems):
    cid = lax.axis_index("c")
    sid = lax.axis_index("s")
    wid = sid * NC + cid

    pltpu.sync_copy(w_hbm, wbuf)
    pltpu.sync_copy(b_hbm, bbuf)
    wvecs = [wbuf[pl.ds(L * k, L)] for k in range(KD)]
    bvec = bbuf[...]

    zero = jnp.zeros((L,), jnp.float32)

    def zero_acc(i, carry):
        for k in range(KD):
            acc[i, pl.ds(L * k, L)] = zero
        return carry

    lax.fori_loop(0, B, zero_acc, 0)

    iota = lax.iota(jnp.int32, L)
    biota = iota * L
    for h in range(2):
        for k in range(KD):
            bidx[h, pl.ds(L * k, L)] = iota + (128 * h + L * k)

    @pl.when(sid == 0)
    def _():
        pltpu.sync_copy(acc, shared)

    plsc.subcore_barrier()

    def slot_tile(s):
        return wid + s * NW

    def issue(s, half):
        t = slot_tile(s)

        @pl.when(t < NT)
        def _():
            base = t * T
            pltpu.async_copy(x_hbm.at[pl.ds(base, T)],
                             xbuf.at[pl.ds(half * T, T)], sems[2 * half])
            pltpu.async_copy(bid_hbm.at[pl.ds(base, T)],
                             bidbuf.at[pl.ds(half * T, T)],
                             sems[2 * half + 1])

    def drain(s, half):
        t = slot_tile(s)
        base = t * T
        pltpu.make_async_copy(x_hbm.at[pl.ds(base, T)],
                              xbuf.at[pl.ds(half * T, T)],
                              sems[2 * half]).wait()
        pltpu.make_async_copy(bid_hbm.at[pl.ds(base, T)],
                              bidbuf.at[pl.ds(half * T, T)],
                              sems[2 * half + 1]).wait()

    def process(s):
        pbase = (s & 1) * T

        bid0 = bidbuf[pl.ds(pbase, L)][0]

        def grp(g, carry):
            cur_bid, racc = carry
            rbase = pbase + L * g
            bidv = bidbuf[pl.ds(rbase, L)]
            b_first = bidv[0]
            b_last = bidv[L - 1]

            flushp = b_first != cur_bid
            for k in range(KD):
                plsc.addupdate(acc.at[cur_bid, pl.ds(L * k, L)],
                               jnp.where(flushp, racc[k], zero))
            racc = tuple(jnp.where(flushp, zero, racc[k])
                         for k in range(KD))

            def fast(racc_t):
                for j in range(L):
                    xk = [xbuf[rbase + j, pl.ds(L * k, L)]
                          for k in range(KD)]
                    pa = xk[0] * wvecs[0]
                    pb = xk[4] * wvecs[4]
                    for k in (1, 2, 3):
                        pa = pa + xk[k] * wvecs[k]
                    for k in (5, 6, 7):
                        pb = pb + xk[k] * wvecs[k]
                    pbuf[pl.ds(L * j, L)] = pa + pb
                cols = [plsc.load_gather(pbuf, [biota + l])
                        for l in range(L)]
                while len(cols) > 1:
                    cols = [cols[2 * i] + cols[2 * i + 1]
                            for i in range(len(cols) // 2)]
                y16 = 1.0 / (1.0 + jnp.exp(-(cols[0] + bvec)))
                for j in range(L):
                    yb = jnp.broadcast_to(y16[j], (L,))
                    xk = [xbuf[rbase + j, pl.ds(L * k, L)]
                          for k in range(KD)]
                    racc_t = tuple(racc_t[k] + xk[k] * yb
                                   for k in range(KD))
                return racc_t

            def slow(racc_t):
                def row(j, racc_r):
                    xk = [xbuf[rbase + j, pl.ds(L * k, L)]
                          for k in range(KD)]
                    pa = xk[0] * wvecs[0]
                    pb = xk[4] * wvecs[4]
                    for k in (1, 2, 3):
                        pa = pa + xk[k] * wvecs[k]
                    for k in (5, 6, 7):
                        pb = pb + xk[k] * wvecs[k]
                    zv = jnp.broadcast_to(jnp.sum(pa + pb), (L,)) + bvec
                    y = 1.0 / (1.0 + jnp.exp(-zv))
                    bi = bidbuf[pl.ds(rbase + j, L)][0]
                    match = bi == b_first
                    wx = [xk[k] * y for k in range(KD)]
                    for k in range(KD):
                        plsc.addupdate(acc.at[bi, pl.ds(L * k, L)],
                                       jnp.where(match, zero, wx[k]))
                    return tuple(racc_r[k] + jnp.where(match, wx[k], zero)
                                 for k in range(KD))

                return lax.fori_loop(0, L, row, racc_t)

            racc = lax.cond(b_first == b_last, fast, slow, racc)
            return (b_first, racc)

        cur_bid, racc = lax.fori_loop(
            0, G, grp, (bid0, tuple(zero for _ in range(KD))))

        for k in range(KD):
            plsc.addupdate(acc.at[cur_bid, pl.ds(L * k, L)], racc[k])

    NB = 2
    for s0 in range(NB):
        issue(s0, s0)

    def slot_body(s, carry):
        t = slot_tile(s)

        @pl.when(t < NT)
        def _():
            par = s & 1
            for h in range(NB):
                @pl.when(par == h)
                def _(h=h):
                    drain(s, h)

            process(s)

            for h in range(NB):
                @pl.when(par == h)
                def _(h=h):
                    issue(s + NB, h)

        return carry

    lax.fori_loop(0, TPW, slot_body, 0)

    plsc.subcore_barrier()

    for h in range(2):
        pltpu.sync_copy(acc.at[pl.ds(128 * h, 128)],
                        shared.at[bidx.at[h]], add=True)

    plsc.subcore_barrier()

    pltpu.sync_copy(shared.at[pl.ds(L * sid, L)],
                    out_hbm.at[cid, pl.ds(L * sid, L)])


_sc_pooling = pl.kernel(
    _sc_body,
    out_type=jax.ShapeDtypeStruct((NC, B, D), jnp.float32),
    mesh=plsc.VectorSubcoreMesh(core_axis_name="c", subcore_axis_name="s"),
    compiler_params=pltpu.CompilerParams(needs_layout_passes=False),
    scratch_types=[
        pltpu.VMEM((2 * T, D), jnp.float32),
        pltpu.VMEM((2 * T + L,), jnp.int32),
        pltpu.VMEM((B, D), jnp.float32),
        pltpu.VMEM((D,), jnp.float32),
        pltpu.VMEM((L,), jnp.float32),
        pltpu.VMEM((2, 128), jnp.int32),
        pltpu.VMEM((L * L,), jnp.float32),
        pltpu.VMEM_SHARED((B, D), jnp.float32),
        [pltpu.SemaphoreType.DMA] * 4,
    ],
)


def _combine_body(p_ref, o_ref):
    o_ref[...] = p_ref[0] + p_ref[1]


_combine = pl.pallas_call(
    _combine_body,
    out_shape=jax.ShapeDtypeStruct((B, D), jnp.float32),
)


def kernel(x, batch_id, batch_size, W, b):
    w = W.reshape(D)
    b16 = jnp.broadcast_to(b.reshape(()), (L,)).astype(jnp.float32)
    bid = batch_id.astype(jnp.int32)
    partial = _sc_pooling(x, bid, w, b16)
    return _combine(partial)

# --- scband reference (transcript-rebuilt; emitter-appended) ---
"""Pipeline reference for scband-attentive-readout-44040594653887 (READ-ONLY COPY).

The authoritative reference and input builder live on the scoring server;
editing this copy changes nothing except your own understanding.
"""

import jax, jax.numpy as jnp
import numpy as np

N, D, B = 100000, 128, 256

def setup_inputs(seed: int = 0) -> dict:
    key = jax.random.key(seed)
    k1, k2, k3 = jax.random.split(key, 3)
    x = jax.random.normal(k1, (N, D), dtype=jnp.float32)
    batch_id = jnp.sort(jax.random.randint(k2, (N,), 0, B))
    # gate = Linear(D, 1) followed by Sigmoid
    W = jax.random.normal(k3, (1, D), dtype=jnp.float32) * (1.0 / np.sqrt(D))
    b = jnp.zeros((1,), dtype=jnp.float32)
    return {"x": x, "batch_id": batch_id, "batch_size": B, "W": W, "b": b}

def reference(x, batch_id, batch_size, W, b):
    # weights = sigmoid(x @ W^T + b)  -> (N, 1)
    weights = jax.nn.sigmoid(jnp.dot(x, W.T) + b)
    weighted = x * weights  # (N, D)
    # scatter_add into (B, D) by graph membership
    out = jax.ops.segment_sum(weighted, batch_id, num_segments=B)
    return out + jnp.zeros((), out.dtype) * batch_size

if __name__ == "__main__":
    import jax
    _d = setup_inputs()
    print(jax.jit(kernel)(*tuple(_d.values())))

</pallas_src>

<mosaic_0001>
#map = affine_map<(d0, d1) -> (0, 0)>
#map1 = affine_map<(d0, d1) -> (0)>
#map2 = affine_map<(d0, d1) -> (0, 0, 0)>
module attributes {stable_mosaic.version = 14 : i64} {
  func.func @_sc_body(%arg0: i32, %arg1: i32, %arg2: memref<100000x128xf32, #tpu.memory_space<hbm>>, %arg3: memref<100000xi32, #tpu.memory_space<hbm>>, %arg4: memref<128xf32, #tpu.memory_space<hbm>>, %arg5: memref<16xf32, #tpu.memory_space<hbm>>, %arg6: memref<2x256x128xf32, #tpu.memory_space<hbm>>, %arg7: memref<320x128xf32, #tpu.memory_space<vmem>>, %arg8: memref<336xi32, #tpu.memory_space<vmem>>, %arg9: memref<256x128xf32, #tpu.memory_space<vmem>>, %arg10: memref<128xf32, #tpu.memory_space<vmem>>, %arg11: memref<16xf32, #tpu.memory_space<vmem>>, %arg12: memref<2x128xi32, #tpu.memory_space<vmem>>, %arg13: memref<256xf32, #tpu.memory_space<vmem>>, %arg14: memref<256x128xf32, #tpu.memory_space<vmem_shared>>, %arg15: memref<!tpu.dma_semaphore, #tpu.memory_space<semaphore_mem>>, %arg16: memref<!tpu.dma_semaphore, #tpu.memory_space<semaphore_mem>>, %arg17: memref<!tpu.dma_semaphore, #tpu.memory_space<semaphore_mem>>, %arg18: memref<!tpu.dma_semaphore, #tpu.memory_space<semaphore_mem>>) attributes {dimension_semantics = [#tpu.dimension_semantics<core_parallel>, #tpu.dimension_semantics<subcore_parallel>], iteration_bounds = array<i64: 2, 16>, scalar_prefetch = 0 : i64, scratch_operands = 12 : i64, tpu.core_type = #tpu.core_type<sc_vector_subcore>, window_params = [{transform_indices = #map}, {transform_indices = #map1}, {transform_indices = #map1}, {transform_indices = #map1}, {transform_indices = #map2}]} {
    %mul3A = arith.constant 2 : i32
    %mul3A_0 = arith.muli %arg1, %mul3A : i32
    %add3A = arith.addi %mul3A_0, %arg0 : i32
    "tpu.region"() ({
      %run_scoped3A_166 = tpu.sem_alloc : memref<!tpu.dma_semaphore, #tpu.memory_space<semaphore_mem>>
      tpu.enqueue_dma source(%arg4 : memref<128xf32, #tpu.memory_space<hbm>>) target(%arg10 : memref<128xf32, #tpu.memory_space<vmem>>) target_semaphore(%run_scoped3A_166 : memref<!tpu.dma_semaphore, #tpu.memory_space<semaphore_mem>>)
      tpu.wait_dma2 semaphore(%run_scoped3A_166 : memref<!tpu.dma_semaphore, #tpu.memory_space<semaphore_mem>>) src(%arg4 : memref<128xf32, #tpu.memory_space<hbm>>) dst(%arg10 : memref<128xf32, #tpu.memory_space<vmem>>)
      tpu.yield
    }) : () -> ()
    "tpu.region"() ({
      %run_scoped3A_166 = tpu.sem_alloc : memref<!tpu.dma_semaphore, #tpu.memory_space<semaphore_mem>>
      tpu.enqueue_dma source(%arg5 : memref<16xf32, #tpu.memory_space<hbm>>) target(%arg11 : memref<16xf32, #tpu.memory_space<vmem>>) target_semaphore(%run_scoped3A_166 : memref<!tpu.dma_semaphore, #tpu.memory_space<semaphore_mem>>)
      tpu.wait_dma2 semaphore(%run_scoped3A_166 : memref<!tpu.dma_semaphore, #tpu.memory_space<semaphore_mem>>) src(%arg5 : memref<16xf32, #tpu.memory_space<hbm>>) dst(%arg11 : memref<16xf32, #tpu.memory_space<vmem>>)
      tpu.yield
    }) : () -> ()
    %get3A = arith.constant 0 : index
    %get3A_1 = tpu.vector_load %arg10[%get3A] {strides = array<i32>} : memref<128xf32, #tpu.memory_space<vmem>>, vector<16xf32>,
    %get3A_2 = arith.constant 16 : index
    %get3A_3 = tpu.vector_load %arg10[%get3A_2] {strides = array<i32>} : memref<128xf32, #tpu.memory_space<vmem>>, vector<16xf32>,
    %get3A_4 = arith.constant 32 : index
    %get3A_5 = tpu.vector_load %arg10[%get3A_4] {strides = array<i32>} : memref<128xf32, #tpu.memory_space<vmem>>, vector<16xf32>,
    %get3A_6 = arith.constant 48 : index
    %get3A_7 = tpu.vector_load %arg10[%get3A_6] {strides = array<i32>} : memref<128xf32, #tpu.memory_space<vmem>>, vector<16xf32>,
    %get3A_8 = arith.constant 64 : index
    %get3A_9 = tpu.vector_load %arg10[%get3A_8] {strides = array<i32>} : memref<128xf32, #tpu.memory_space<vmem>>, vector<16xf32>,
    %get3A_10 = arith.constant 80 : index
    %get3A_11 = tpu.vector_load %arg10[%get3A_10] {strides = array<i32>} : memref<128xf32, #tpu.memory_space<vmem>>, vector<16xf32>,
    %get3A_12 = arith.constant 96 : index
    %get3A_13 = tpu.vector_load %arg10[%get3A_12] {strides = array<i32>} : memref<128xf32, #tpu.memory_space<vmem>>, vector<16xf32>,
    %get3A_14 = arith.constant 112 : index
    %get3A_15 = tpu.vector_load %arg10[%get3A_14] {strides = array<i32>} : memref<128xf32, #tpu.memory_space<vmem>>, vector<16xf32>,
    %get3A_16 = arith.constant 0 : index
    %get3A_17 = tpu.vector_load %arg11[%get3A_16] {strides = array<i32>} : memref<16xf32, #tpu.memory_space<vmem>>, vector<16xf32>,
    %broadcast_in_dim3A = arith.constant 0.000000e+00 : f32
    %broadcast_in_dim3A_18 = vector.broadcast %broadcast_in_dim3A : f32 to vector<16xf32>
    %scan3A = arith.constant 0 : i32
    %scan3A_19 = arith.constant 0 : i32
    %scan3A_20 = arith.constant 256 : i32
    %scan3A_21 = arith.addi %scan3A_19, %scan3A_20 : i32
    %scan3A_22 = arith.constant 1 : i32
    scf.for %scan3A_166 = %scan3A_19 to %scan3A_21 step %scan3A_22  : i32 {
      %swap3A_167 = arith.index_cast %scan3A_166 : i32 to index
      %swap3A_168 = arith.constant 0 : index
      %swap3A_169 = tpu.vector_load %arg9[%swap3A_167, %swap3A_168] {strides = array<i32>} : memref<256x128xf32, #tpu.memory_space<vmem>>, vector<16xf32>,
      tpu.vector_store %arg9[%swap3A_167, %swap3A_168], %broadcast_in_dim3A_18 {strides = array<i32>} : memref<256x128xf32, #tpu.memory_space<vmem>>, vector<16xf32>,
      %swap3A_170 = arith.index_cast %scan3A_166 : i32 to index
      %swap3A_171 = arith.constant 16 : index
      %swap3A_172 = tpu.vector_load %arg9[%swap3A_170, %swap3A_171] {strides = array<i32>} : memref<256x128xf32, #tpu.memory_space<vmem>>, vector<16xf32>,
      tpu.vector_store %arg9[%swap3A_170, %swap3A_171], %broadcast_in_dim3A_18 {strides = array<i32>} : memref<256x128xf32, #tpu.memory_space<vmem>>, vector<16xf32>,
      %swap3A_173 = arith.index_cast %scan3A_166 : i32 to index
      %swap3A_174 = arith.constant 32 : index
      %swap3A_175 = tpu.vector_load %arg9[%swap3A_173, %swap3A_174] {strides = array<i32>} : memref<256x128xf32, #tpu.memory_space<vmem>>, vector<16xf32>,
      tpu.vector_store %arg9[%swap3A_173, %swap3A_174], %broadcast_in_dim3A_18 {strides = array<i32>} : memref<256x128xf32, #tpu.memory_space<vmem>>, vector<16xf32>,
      %swap3A_176 = arith.index_cast %scan3A_166 : i32 to index
      %swap3A_177 = arith.constant 48 : index
      %swap3A_178 = tpu.vector_load %arg9[%swap3A_176, %swap3A_177] {strides = array<i32>} : memref<256x128xf32, #tpu.memory_space<vmem>>, vector<16xf32>,
      tpu.vector_store %arg9[%swap3A_176, %swap3A_177], %broadcast_in_dim3A_18 {strides = array<i32>} : memref<256x128xf32, #tpu.memory_space<vmem>>, vector<16xf32>,
      %swap3A_179 = arith.index_cast %scan3A_166 : i32 to index
      %swap3A_180 = arith.constant 64 : index
      %swap3A_181 = tpu.vector_load %arg9[%swap3A_179, %swap3A_180] {strides = array<i32>} : memref<256x128xf32, #tpu.memory_space<vmem>>, vector<16xf32>,
      tpu.vector_store %arg9[%swap3A_179, %swap3A_180], %broadcast_in_dim3A_18 {strides = array<i32>} : memref<256x128xf32, #tpu.memory_space<vmem>>, vector<16xf32>,
      %swap3A_182 = arith.index_cast %scan3A_166 : i32 to index
      %swap3A_183 = arith.constant 80 : index
      %swap3A_184 = tpu.vector_load %arg9[%swap3A_182, %swap3A_183] {strides = array<i32>} : memref<256x128xf32, #tpu.memory_space<vmem>>, vector<16xf32>,
      tpu.vector_store %arg9[%swap3A_182, %swap3A_183], %broadcast_in_dim3A_18 {strides = array<i32>} : memref<256x128xf32, #tpu.memory_space<vmem>>, vector<16xf32>,
      %swap3A_185 = arith.index_cast %scan3A_166 : i32 to index
      %swap3A_186 = arith.constant 96 : index
      %swap3A_187 = tpu.vector_load %arg9[%swap3A_185, %swap3A_186] {strides = array<i32>} : memref<256x128xf32, #tpu.memory_space<vmem>>, vector<16xf32>,
      tpu.vector_store %arg9[%swap3A_185, %swap3A_186], %broadcast_in_dim3A_18 {strides = array<i32>} : memref<256x128xf32, #tpu.memory_space<vmem>>, vector<16xf32>,
      %swap3A_188 = arith.index_cast %scan3A_166 : i32 to index
      %swap3A_189 = arith.constant 112 : index
      %swap3A_190 = tpu.vector_load %arg9[%swap3A_188, %swap3A_189] {strides = array<i32>} : memref<256x128xf32, #tpu.memory_space<vmem>>, vector<16xf32>,
      tpu.vector_store %arg9[%swap3A_188, %swap3A_189], %broadcast_in_dim3A_18 {strides = array<i32>} : memref<256x128xf32, #tpu.memory_space<vmem>>, vector<16xf32>,
    }
    %scan3A_23 = arith.constant 256 : i32
    %iota3A = tpu.iota {dimensions = array<i32: 0>} : vector<16xi32>
    %mul3A_24 = arith.constant 16 : i32
    %mul3A_25 = vector.broadcast %mul3A_24 : i32 to vector<16xi32>
    %mul3A_26 = arith.muli %iota3A, %mul3A_25 : vector<16xi32>
    %add3A_27 = arith.constant 0 : i32
    %add3A_28 = vector.broadcast %add3A_27 : i32 to vector<16xi32>
    %add3A_29 = arith.addi %iota3A, %add3A_28 : vector<16xi32>
    %swap3A = arith.constant 0 : i32
    %swap3A_30 = arith.index_cast %swap3A : i32 to index
    %swap3A_31 = arith.constant 0 : index
    %swap3A_32 = tpu.vector_load %arg12[%swap3A_30, %swap3A_31] {strides = array<i32>} : memref<2x128xi32, #tpu.memory_space<vmem>>, vector<16xi32>,
    tpu.vector_store %arg12[%swap3A_30, %swap3A_31], %add3A_29 {strides = array<i32>} : memref<2x128xi32, #tpu.memory_space<vmem>>, vector<16xi32>,
    %add3A_33 = arith.constant 16 : i32
    %add3A_34 = vector.broadcast %add3A_33 : i32 to vector<16xi32>
    %add3A_35 = arith.addi %iota3A, %add3A_34 : vector<16xi32>
    %swap3A_36 = arith.constant 0 : i32
    %swap3A_37 = arith.index_cast %swap3A_36 : i32 to index
    %swap3A_38 = arith.constant 16 : index
    %swap3A_39 = tpu.vector_load %arg12[%swap3A_37, %swap3A_38] {strides = array<i32>} : memref<2x128xi32, #tpu.memory_space<vmem>>, vector<16xi32>,
    tpu.vector_store %arg12[%swap3A_37, %swap3A_38], %add3A_35 {strides = array<i32>} : memref<2x128xi32, #tpu.memory_space<vmem>>, vector<16xi32>,
    %add3A_40 = arith.constant 32 : i32
    %add3A_41 = vector.broadcast %add3A_40 : i32 to vector<16xi32>
    %add3A_42 = arith.addi %iota3A, %add3A_41 : vector<16xi32>
    %swap3A_43 = arith.constant 0 : i32
    %swap3A_44 = arith.index_cast %swap3A_43 : i32 to index
    %swap3A_45 = arith.constant 32 : index
    %swap3A_46 = tpu.vector_load %arg12[%swap3A_44, %swap3A_45] {strides = array<i32>} : memref<2x128xi32, #tpu.memory_space<vmem>>, vector<16xi32>,
    tpu.vector_store %arg12[%swap3A_44, %swap3A_45], %add3A_42 {strides = array<i32>} : memref<2x128xi32, #tpu.memory_space<vmem>>, vector<16xi32>,
    %add3A_47 = arith.constant 48 : i32
    %add3A_48 = vector.broadcast %add3A_47 : i32 to vector<16xi32>
    %add3A_49 = arith.addi %iota3A, %add3A_48 : vector<16xi32>
    %swap3A_50 = arith.constant 0 : i32
    %swap3A_51 = arith.index_cast %swap3A_50 : i32 to index
    %swap3A_52 = arith.constant 48 : index
    %swap3A_53 = tpu.vector_load %arg12[%swap3A_51, %swap3A_52] {strides = array<i32>} : memref<2x128xi32, #tpu.memory_space<vmem>>, vector<16xi32>,
    tpu.vector_store %arg12[%swap3A_51, %swap3A_52], %add3A_49 {strides = array<i32>} : memref<2x128xi32, #tpu.memory_space<vmem>>, vector<16xi32>,
    %add3A_54 = arith.constant 64 : i32
    %add3A_55 = vector.broadcast %add3A_54 : i32 to vector<16xi32>
    %add3A_56 = arith.addi %iota3A, %add3A_55 : vector<16xi32>
    %swap3A_57 = arith.constant 0 : i32
    %swap3A_58 = arith.index_cast %swap3A_57 : i32 to index
    %swap3A_59 = arith.constant 64 : index
    %swap3A_60 = tpu.vector_load %arg12[%swap3A_58, %swap3A_59] {strides = array<i32>} : memref<2x128xi32, #tpu.memory_space<vmem>>, vector<16xi32>,
    tpu.vector_store %arg12[%swap3A_58, %swap3A_59], %add3A_56 {strides = array<i32>} : memref<2x128xi32, #tpu.memory_space<vmem>>, vector<16xi32>,
    %add3A_61 = arith.constant 80 : i32
    %add3A_62 = vector.broadcast %add3A_61 : i32 to vector<16xi32>
    %add3A_63 = arith.addi %iota3A, %add3A_62 : vector<16xi32>
    %swap3A_64 = arith.constant 0 : i32
    %swap3A_65 = arith.index_cast %swap3A_64 : i32 to index
    %swap3A_66 = arith.constant 80 : index
    %swap3A_67 = tpu.vector_load %arg12[%swap3A_65, %swap3A_66] {strides = array<i32>} : memref<2x128xi32, #tpu.memory_space<vmem>>, vector<16xi32>,
    tpu.vector_store %arg12[%swap3A_65, %swap3A_66], %add3A_63 {strides = array<i32>} : memref<2x128xi32, #tpu.memory_space<vmem>>, vector<16xi32>,
    %add3A_68 = arith.constant 96 : i32
    %add3A_69 = vector.broadcast %add3A_68 : i32 to vector<16xi32>
    %add3A_70 = arith.addi %iota3A, %add3A_69 : vector<16xi32>
    %swap3A_71 = arith.constant 0 : i32
    %swap3A_72 = arith.index_cast %swap3A_71 : i32 to index
    %swap3A_73 = arith.constant 96 : index
    %swap3A_74 = tpu.vector_load %arg12[%swap3A_72, %swap3A_73] {strides = array<i32>} : memref<2x128xi32, #tpu.memory_space<vmem>>, vector<16xi32>,
    tpu.vector_store %arg12[%swap3A_72, %swap3A_73], %add3A_70 {strides = array<i32>} : memref<2x128xi32, #tpu.memory_space<vmem>>, vector<16xi32>,
    %add3A_75 = arith.constant 112 : i32
    %add3A_76 = vector.broadcast %add3A_75 : i32 to vector<16xi32>
    %add3A_77 = arith.addi %iota3A, %add3A_76 : vector<16xi32>
    %swap3A_78 = arith.constant 0 : i32
    %swap3A_79 = arith.index_cast %swap3A_78 : i32 to index
    %swap3A_80 = arith.constant 112 : index
    %swap3A_81 = tpu.vector_load %arg12[%swap3A_79, %swap3A_80] {strides = array<i32>} : memref<2x128xi32, #tpu.memory_space<vmem>>, vector<16xi32>,
    tpu.vector_store %arg12[%swap3A_79, %swap3A_80], %add3A_77 {strides = array<i32>} : memref<2x128xi32, #tpu.memory_space<vmem>>, vector<16xi32>,
    %add3A_82 = arith.constant 128 : i32
    %add3A_83 = vector.broadcast %add3A_82 : i32 to vector<16xi32>
    %add3A_84 = arith.addi %iota3A, %add3A_83 : vector<16xi32>
    %swap3A_85 = arith.constant 1 : i32
    %swap3A_86 = arith.index_cast %swap3A_85 : i32 to index
    %swap3A_87 = arith.constant 0 : index
    %swap3A_88 = tpu.vector_load %arg12[%swap3A_86, %swap3A_87] {strides = array<i32>} : memref<2x128xi32, #tpu.memory_space<vmem>>, vector<16xi32>,
    tpu.vector_store %arg12[%swap3A_86, %swap3A_87], %add3A_84 {strides = array<i32>} : memref<2x128xi32, #tpu.memory_space<vmem>>, vector<16xi32>,
    %add3A_89 = arith.constant 144 : i32
    %add3A_90 = vector.broadcast %add3A_89 : i32 to vector<16xi32>
    %add3A_91 = arith.addi %iota3A, %add3A_90 : vector<16xi32>
    %swap3A_92 = arith.constant 1 : i32
    %swap3A_93 = arith.index_cast %swap3A_92 : i32 to index
    %swap3A_94 = arith.constant 16 : index
    %swap3A_95 = tpu.vector_load %arg12[%swap3A_93, %swap3A_94] {strides = array<i32>} : memref<2x128xi32, #tpu.memory_space<vmem>>, vector<16xi32>,
    tpu.vector_store %arg12[%swap3A_93, %swap3A_94], %add3A_91 {strides = array<i32>} : memref<2x128xi32, #tpu.memory_space<vmem>>, vector<16xi32>,
    %add3A_96 = arith.constant 160 : i32
    %add3A_97 = vector.broadcast %add3A_96 : i32 to vector<16xi32>
    %add3A_98 = arith.addi %iota3A, %add3A_97 : vector<16xi32>
    %swap3A_99 = arith.constant 1 : i32
    %swap3A_100 = arith.index_cast %swap3A_99 : i32 to index
    %swap3A_101 = arith.constant 32 : index
    %swap3A_102 = tpu.vector_load %arg12[%swap3A_100, %swap3A_101] {strides = array<i32>} : memref<2x128xi32, #tpu.memory_space<vmem>>, vector<16xi32>,
    tpu.vector_store %arg12[%swap3A_100, %swap3A_101], %add3A_98 {strides = array<i32>} : memref<2x128xi32, #tpu.memory_space<vmem>>, vector<16xi32>,
    %add3A_103 = arith.constant 176 : i32
    %add3A_104 = vector.broadcast %add3A_103 : i32 to vector<16xi32>
    %add3A_105 = arith.addi %iota3A, %add3A_104 : vector<16xi32>
    %swap3A_106 = arith.constant 1 : i32
    %swap3A_107 = arith.index_cast %swap3A_106 : i32 to index
    %swap3A_108 = arith.constant 48 : index
    %swap3A_109 = tpu.vector_load %arg12[%swap3A_107, %swap3A_108] {strides = array<i32>} : memref<2x128xi32, #tpu.memory_space<vmem>>, vector<16xi32>,
    tpu.vector_store %arg12[%swap3A_107, %swap3A_108], %add3A_105 {strides = array<i32>} : memref<2x128xi32, #tpu.memory_space<vmem>>, vector<16xi32>,
    %add3A_110 = arith.constant 192 : i32
    %add3A_111 = vector.broadcast %add3A_110 : i32 to vector<16xi32>
    %add3A_112 = arith.addi %iota3A, %add3A_111 : vector<16xi32>
    %swap3A_113 = arith.constant 1 : i32
    %swap3A_114 = arith.index_cast %swap3A_113 : i32 to index
    %swap3A_115 = arith.constant 64 : index
    %swap3A_116 = tpu.vector_load %arg12[%swap3A_114, %swap3A_115] {strides = array<i32>} : memref<2x128xi32, #tpu.memory_space<vmem>>, vector<16xi32>,
    tpu.vector_store %arg12[%swap3A_114, %swap3A_115], %add3A_112 {strides = array<i32>} : memref<2x128xi32, #tpu.memory_space<vmem>>, vector<16xi32>,
    %add3A_117 = arith.constant 208 : i32
    %add3A_118 = vector.broadcast %add3A_117 : i32 to vector<16xi32>
    %add3A_119 = arith.addi %iota3A, %add3A_118 : vector<16xi32>
    %swap3A_120 = arith.constant 1 : i32
    %swap3A_121 = arith.index_cast %swap3A_120 : i32 to index
    %swap3A_122 = arith.constant 80 : index
    %swap3A_123 = tpu.vector_load %arg12[%swap3A_121, %swap3A_122] {strides = array<i32>} : memref<2x128xi32, #tpu.memory_space<vmem>>, vector<16xi32>,
    tpu.vector_store %arg12[%swap3A_121, %swap3A_122], %add3A_119 {strides = array<i32>} : memref<2x128xi32, #tpu.memory_space<vmem>>, vector<16xi32>,
    %add3A_124 = arith.constant 224 : i32
    %add3A_125 = vector.broadcast %add3A_124 : i32 to vector<16xi32>
    %add3A_126 = arith.addi %iota3A, %add3A_125 : vector<16xi32>
    %swap3A_127 = arith.constant 1 : i32
    %swap3A_128 = arith.index_cast %swap3A_127 : i32 to index
    %swap3A_129 = arith.constant 96 : index
    %swap3A_130 = tpu.vector_load %arg12[%swap3A_128, %swap3A_129] {strides = array<i32>} : memref<2x128xi32, #tpu.memory_space<vmem>>, vector<16xi32>,
    tpu.vector_store %arg12[%swap3A_128, %swap3A_129], %add3A_126 {strides = array<i32>} : memref<2x128xi32, #tpu.memory_space<vmem>>, vector<16xi32>,
    %add3A_131 = arith.constant 240 : i32
    %add3A_132 = vector.broadcast %add3A_131 : i32 to vector<16xi32>
    %add3A_133 = arith.addi %iota3A, %add3A_132 : vector<16xi32>
    %swap3A_134 = arith.constant 1 : i32
    %swap3A_135 = arith.index_cast %swap3A_134 : i32 to index
    %swap3A_136 = arith.constant 112 : index
    %swap3A_137 = tpu.vector_load %arg12[%swap3A_135, %swap3A_136] {strides = array<i32>} : memref<2x128xi32, #tpu.memory_space<vmem>>, vector<16xi32>,
    tpu.vector_store %arg12[%swap3A_135, %swap3A_136], %add3A_133 {strides = array<i32>} : memref<2x128xi32, #tpu.memory_space<vmem>>, vector<16xi32>,
    %eq3A = arith.constant 0 : i32
    %eq3A_138 = arith.cmpi eq, %arg1, %eq3A : i32
    %convert_element_type3A = arith.extui %eq3A_138 : i1 to i32
    %cond3A = arith.constant 0 : i32
    %cond3A_139 = arith.cmpi ne, %convert_element_type3A, %cond3A : i32
    scf.if %cond3A_139 {
      "tpu.region"() ({
        %run_scoped3A_166 = tpu.sem_alloc : memref<!tpu.dma_semaphore, #tpu.memory_space<semaphore_mem>>
        tpu.enqueue_dma source(%arg9 : memref<256x128xf32, #tpu.memory_space<vmem>>) target(%arg14 : memref<256x128xf32, #tpu.memory_space<vmem_shared>>) target_semaphore(%run_scoped3A_166 : memref<!tpu.dma_semaphore, #tpu.memory_space<semaphore_mem>>)
        tpu.wait_dma2 semaphore(%run_scoped3A_166 : memref<!tpu.dma_semaphore, #tpu.memory_space<semaphore_mem>>) src(%arg9 : memref<256x128xf32, #tpu.memory_space<vmem>>) dst(%arg14 : memref<256x128xf32, #tpu.memory_space<vmem_shared>>)
        tpu.yield
      }) : () -> ()
    } else {
    }
    %barrier3A = arith.constant 0 : index
    tpu.barrier barrier_id(%barrier3A)
    %add3A_140 = arith.constant 0 : i32
    %add3A_141 = arith.addi %add3A, %add3A_140 : i32
    %lt3A = arith.constant 625 : i32
    %lt3A_142 = arith.cmpi slt, %add3A_141, %lt3A : i32
    %convert_element_type3A_143 = arith.extui %lt3A_142 : i1 to i32
    %cond3A_144 = arith.constant 0 : i32
    %cond3A_145 = arith.cmpi ne, %convert_element_type3A_143, %cond3A_144 : i32
    scf.if %cond3A_145 {
      %mul3A_166 = arith.constant 160 : i32
      %mul3A_167 = arith.muli %add3A_141, %mul3A_166 : i32
      %dma_start3A = arith.constant 0 : i32
      %dma_start3A_168 = arith.constant 0 : i32
      %dma_start3A_169 = tpu.memref_slice %arg7[%dma_start3A, %dma_start3A_168] : memref<320x128xf32, #tpu.memory_space<vmem>> -> memref<160x128xf32, #tpu.memory_space<vmem>>
      %dma_start3A_170 = arith.constant 0 : i32
      %dma_start3A_171 = tpu.memref_slice %arg2[%mul3A_167, %dma_start3A_170] : memref<100000x128xf32, #tpu.memory_space<hbm>> -> memref<160x128xf32, #tpu.memory_space<hbm>>
      %dma_start3A_172 = arith.constant 0 : i32
      %dma_start3A_173 = arith.constant 0 : i32
      %dma_start3A_174 = tpu.memref_slice %arg7[%dma_start3A_172, %dma_start3A_173] : memref<320x128xf32, #tpu.memory_space<vmem>> -> memref<160x128xf32, #tpu.memory_space<vmem>>
      %dma_start3A_175 = arith.constant 0 : i32
      %dma_start3A_176 = tpu.memref_slice %arg2[%mul3A_167, %dma_start3A_175] : memref<100000x128xf32, #tpu.memory_space<hbm>> -> memref<160x128xf32, #tpu.memory_space<hbm>>
      tpu.enqueue_dma source(%dma_start3A_176 : memref<160x128xf32, #tpu.memory_space<hbm>>) target(%dma_start3A_174 : memref<160x128xf32, #tpu.memory_space<vmem>>) target_semaphore(%arg15 : memref<!tpu.dma_semaphore, #tpu.memory_space<semaphore_mem>>)
      %dma_start3A_177 = arith.constant 0 : i32
      %dma_start3A_178 = tpu.memref_slice %arg8[%dma_start3A_177] : memref<336xi32, #tpu.memory_space<vmem>> -> memref<160xi32, #tpu.memory_space<vmem>>
      %dma_start3A_179 = tpu.memref_slice %arg3[%mul3A_167] : memref<100000xi32, #tpu.memory_space<hbm>> -> memref<160xi32, #tpu.memory_space<hbm>>
      %dma_start3A_180 = arith.constant 0 : i32
      %dma_start3A_181 = tpu.memref_slice %arg8[%dma_start3A_180] : memref<336xi32, #tpu.memory_space<vmem>> -> memref<160xi32, #tpu.memory_space<vmem>>
      %dma_start3A_182 = tpu.memref_slice %arg3[%mul3A_167] : memref<100000xi32, #tpu.memory_space<hbm>> -> memref<160xi32, #tpu.memory_space<hbm>>
      tpu.enqueue_dma source(%dma_start3A_182 : memref<160xi32, #tpu.memory_space<hbm>>) target(%dma_start3A_181 : memref<160xi32, #tpu.memory_space<vmem>>) target_semaphore(%arg16 : memref<!tpu.dma_semaphore, #tpu.memory_space<semaphore_mem>>)
    } else {
    }
    %add3A_146 = arith.constant 32 : i32
    %add3A_147 = arith.addi %add3A, %add3A_146 : i32
    %lt3A_148 = arith.constant 625 : i32
    %lt3A_149 = arith.cmpi slt, %add3A_147, %lt3A_148 : i32
    %convert_element_type3A_150 = arith.extui %lt3A_149 : i1 to i32
    %cond3A_151 = arith.constant 0 : i32
    %cond3A_152 = arith.cmpi ne, %convert_element_type3A_150, %cond3A_151 : i32
    scf.if %cond3A_152 {
      %mul3A_166 = arith.constant 160 : i32
      %mul3A_167 = arith.muli %add3A_147, %mul3A_166 : i32
      %dma_start3A = arith.constant 160 : i32
      %dma_start3A_168 = arith.constant 0 : i32
      %dma_start3A_169 = tpu.memref_slice %arg7[%dma_start3A, %dma_start3A_168] : memref<320x128xf32, #tpu.memory_space<vmem>> -> memref<160x128xf32, #tpu.memory_space<vmem>>
      %dma_start3A_170 = arith.constant 0 : i32
      %dma_start3A_171 = tpu.memref_slice %arg2[%mul3A_167, %dma_start3A_170] : memref<100000x128xf32, #tpu.memory_space<hbm>> -> memref<160x128xf32, #tpu.memory_space<hbm>>
      %dma_start3A_172 = arith.constant 160 : i32
      %dma_start3A_173 = arith.constant 0 : i32
      %dma_start3A_174 = tpu.memref_slice %arg7[%dma_start3A_172, %dma_start3A_173] : memref<320x128xf32, #tpu.memory_space<vmem>> -> memref<160x128xf32, #tpu.memory_space<vmem>>
      %dma_start3A_175 = arith.constant 0 : i32
      %dma_start3A_176 = tpu.memref_slice %arg2[%mul3A_167, %dma_start3A_175] : memref<100000x128xf32, #tpu.memory_space<hbm>> -> memref<160x128xf32, #tpu.memory_space<hbm>>
      tpu.enqueue_dma source(%dma_start3A_176 : memref<160x128xf32, #tpu.memory_space<hbm>>) target(%dma_start3A_174 : memref<160x128xf32, #tpu.memory_space<vmem>>) target_semaphore(%arg17 : memref<!tpu.dma_semaphore, #tpu.memory_space<semaphore_mem>>)
      %dma_start3A_177 = arith.constant 160 : i32
      %dma_start3A_178 = tpu.memref_slice %arg8[%dma_start3A_177] : memref<336xi32, #tpu.memory_space<vmem>> -> memref<160xi32, #tpu.memory_space<vmem>>
      %dma_start3A_179 = tpu.memref_slice %arg3[%mul3A_167] : memref<100000xi32, #tpu.memory_space<hbm>> -> memref<160xi32, #tpu.memory_space<hbm>>
      %dma_start3A_180 = arith.constant 160 : i32
      %dma_start3A_181 = tpu.memref_slice %arg8[%dma_start3A_180] : memref<336xi32, #tpu.memory_space<vmem>> -> memref<160xi32, #tpu.memory_space<vmem>>
      %dma_start3A_182 = tpu.memref_slice %arg3[%mul3A_167] : memref<100000xi32, #tpu.memory_space<hbm>> -> memref<160xi32, #tpu.memory_space<hbm>>
      tpu.enqueue_dma source(%dma_start3A_182 : memref<160xi32, #tpu.memory_space<hbm>>) target(%dma_start3A_181 : memref<160xi32, #tpu.memory_space<vmem>>) target_semaphore(%arg18 : memref<!tpu.dma_semaphore, #tpu.memory_space<semaphore_mem>>)
    } else {
    }
    %scan3A_153 = arith.constant 0 : i32
    %scan3A_154 = arith.constant 0 : i32
    %scan3A_155 = arith.constant 20 : i32
    %scan3A_156 = arith.addi %scan3A_154, %scan3A_155 : i32
    %scan3A_157 = arith.constant 1 : i32
    scf.for %scan3A_166 = %scan3A_154 to %scan3A_156 step %scan3A_157  : i32 {
      %mul3A_167 = arith.constant 32 : i32
      %mul3A_168 = arith.muli %scan3A_166, %mul3A_167 : i32
      %add3A_169 = arith.addi %add3A, %mul3A_168 : i32
      %lt3A_170 = arith.constant 625 : i32
      %lt3A_171 = arith.cmpi slt, %add3A_169, %lt3A_170 : i32
      %convert_element_type3A_172 = arith.extui %lt3A_171 : i1 to i32
      %cond3A_173 = arith.constant 0 : i32
      %cond3A_174 = arith.cmpi ne, %convert_element_type3A_172, %cond3A_173 : i32
      scf.if %cond3A_174 {
        %and3A = arith.constant 1 : i32
        %and3A_175 = arith.andi %scan3A_166, %and3A : i32
        %eq3A_176 = arith.constant 0 : i32
        %eq3A_177 = arith.cmpi eq, %and3A_175, %eq3A_176 : i32
        %convert_element_type3A_178 = arith.extui %eq3A_177 : i1 to i32
        %cond3A_179 = arith.constant 0 : i32
        %cond3A_180 = arith.cmpi ne, %convert_element_type3A_178, %cond3A_179 : i32
        scf.if %cond3A_180 {
          %mul3A_232 = arith.constant 32 : i32
          %mul3A_233 = arith.muli %scan3A_166, %mul3A_232 : i32
          %add3A_234 = arith.addi %add3A, %mul3A_233 : i32
          %mul3A_235 = arith.constant 160 : i32
          %mul3A_236 = arith.muli %add3A_234, %mul3A_235 : i32
          %dma_wait3A = arith.constant 0 : i32
          %dma_wait3A_237 = arith.constant 0 : i32
          %dma_wait3A_238 = tpu.memref_slice %arg7[%dma_wait3A, %dma_wait3A_237] : memref<320x128xf32, #tpu.memory_space<vmem>> -> memref<160x128xf32, #tpu.memory_space<vmem>>
          %dma_wait3A_239 = arith.constant 0 : i32
          %dma_wait3A_240 = tpu.memref_slice %arg2[%mul3A_236, %dma_wait3A_239] : memref<100000x128xf32, #tpu.memory_space<hbm>> -> memref<160x128xf32, #tpu.memory_space<hbm>>
          %dma_wait3A_241 = arith.constant 0 : i32
          %dma_wait3A_242 = arith.constant 0 : i32
          %dma_wait3A_243 = tpu.memref_slice %arg7[%dma_wait3A_241, %dma_wait3A_242] : memref<320x128xf32, #tpu.memory_space<vmem>> -> memref<160x128xf32, #tpu.memory_space<vmem>>
          %dma_wait3A_244 = arith.constant 0 : i32
          %dma_wait3A_245 = tpu.memref_slice %arg2[%mul3A_236, %dma_wait3A_244] : memref<100000x128xf32, #tpu.memory_space<hbm>> -> memref<160x128xf32, #tpu.memory_space<hbm>>
          tpu.wait_dma2 semaphore(%arg15 : memref<!tpu.dma_semaphore, #tpu.memory_space<semaphore_mem>>) src(%dma_wait3A_245 : memref<160x128xf32, #tpu.memory_space<hbm>>) dst(%dma_wait3A_243 : memref<160x128xf32, #tpu.memory_space<vmem>>)
          %dma_wait3A_246 = arith.constant 0 : i32
          %dma_wait3A_247 = tpu.memref_slice %arg8[%dma_wait3A_246] : memref<336xi32, #tpu.memory_space<vmem>> -> memref<160xi32, #tpu.memory_space<vmem>>
          %dma_wait3A_248 = tpu.memref_slice %arg3[%mul3A_236] : memref<100000xi32, #tpu.memory_space<hbm>> -> memref<160xi32, #tpu.memory_space<hbm>>
          %dma_wait3A_249 = arith.constant 0 : i32
          %dma_wait3A_250 = tpu.memref_slice %arg8[%dma_wait3A_249] : memref<336xi32, #tpu.memory_space<vmem>> -> memref<160xi32, #tpu.memory_space<vmem>>
          %dma_wait3A_251 = tpu.memref_slice %arg3[%mul3A_236] : memref<100000xi32, #tpu.memory_space<hbm>> -> memref<160xi32, #tpu.memory_space<hbm>>
          tpu.wait_dma2 semaphore(%arg16 : memref<!tpu.dma_semaphore, #tpu.memory_space<semaphore_mem>>) src(%dma_wait3A_251 : memref<160xi32, #tpu.memory_space<hbm>>) dst(%dma_wait3A_250 : memref<160xi32, #tpu.memory_space<vmem>>)
        } else {
        }
        %eq3A_181 = arith.constant 1 : i32
        %eq3A_182 = arith.cmpi eq, %and3A_175, %eq3A_181 : i32
        %convert_element_type3A_183 = arith.extui %eq3A_182 : i1 to i32
        %cond3A_184 = arith.constant 0 : i32
        %cond3A_185 = arith.cmpi ne, %convert_element_type3A_183, %cond3A_184 : i32
        scf.if %cond3A_185 {
          %mul3A_232 = arith.constant 32 : i32
          %mul3A_233 = arith.muli %scan3A_166, %mul3A_232 : i32
          %add3A_234 = arith.addi %add3A, %mul3A_233 : i32
          %mul3A_235 = arith.constant 160 : i32
          %mul3A_236 = arith.muli %add3A_234, %mul3A_235 : i32
          %dma_wait3A = arith.constant 160 : i32
          %dma_wait3A_237 = arith.constant 0 : i32
          %dma_wait3A_238 = tpu.memref_slice %arg7[%dma_wait3A, %dma_wait3A_237] : memref<320x128xf32, #tpu.memory_space<vmem>> -> memref<160x128xf32, #tpu.memory_space<vmem>>
          %dma_wait3A_239 = arith.constant 0 : i32
          %dma_wait3A_240 = tpu.memref_slice %arg2[%mul3A_236, %dma_wait3A_239] : memref<100000x128xf32, #tpu.memory_space<hbm>> -> memref<160x128xf32, #tpu.memory_space<hbm>>
          %dma_wait3A_241 = arith.constant 160 : i32
          %dma_wait3A_242 = arith.constant 0 : i32
          %dma_wait3A_243 = tpu.memref_slice %arg7[%dma_wait3A_241, %dma_wait3A_242] : memref<320x128xf32, #tpu.memory_space<vmem>> -> memref<160x128xf32, #tpu.memory_space<vmem>>
          %dma_wait3A_244 = arith.constant 0 : i32
          %dma_wait3A_245 = tpu.memref_slice %arg2[%mul3A_236, %dma_wait3A_244] : memref<100000x128xf32, #tpu.memory_space<hbm>> -> memref<160x128xf32, #tpu.memory_space<hbm>>
          tpu.wait_dma2 semaphore(%arg17 : memref<!tpu.dma_semaphore, #tpu.memory_space<semaphore_mem>>) src(%dma_wait3A_245 : memref<160x128xf32, #tpu.memory_space<hbm>>) dst(%dma_wait3A_243 : memref<160x128xf32, #tpu.memory_space<vmem>>)
          %dma_wait3A_246 = arith.constant 160 : i32
          %dma_wait3A_247 = tpu.memref_slice %arg8[%dma_wait3A_246] : memref<336xi32, #tpu.memory_space<vmem>> -> memref<160xi32, #tpu.memory_space<vmem>>
          %dma_wait3A_248 = tpu.memref_slice %arg3[%mul3A_236] : memref<100000xi32, #tpu.memory_space<hbm>> -> memref<160xi32, #tpu.memory_space<hbm>>
          %dma_wait3A_249 = arith.constant 160 : i32
          %dma_wait3A_250 = tpu.memref_slice %arg8[%dma_wait3A_249] : memref<336xi32, #tpu.memory_space<vmem>> -> memref<160xi32, #tpu.memory_space<vmem>>
          %dma_wait3A_251 = tpu.memref_slice %arg3[%mul3A_236] : memref<100000xi32, #tpu.memory_space<hbm>> -> memref<160xi32, #tpu.memory_space<hbm>>
          tpu.wait_dma2 semaphore(%arg18 : memref<!tpu.dma_semaphore, #tpu.memory_space<semaphore_mem>>) src(%dma_wait3A_251 : memref<160xi32, #tpu.memory_space<hbm>>) dst(%dma_wait3A_250 : memref<160xi32, #tpu.memory_space<vmem>>)
        } else {
        }
        %and3A_186 = arith.constant 1 : i32
        %and3A_187 = arith.andi %scan3A_166, %and3A_186 : i32
        %mul3A_188 = arith.constant 160 : i32
        %mul3A_189 = arith.muli %and3A_187, %mul3A_188 : i32
        %get3A_190 = arith.index_cast %mul3A_189 : i32 to index
        %get3A_191 = tpu.vector_load %arg8[%get3A_190] {strides = array<i32>} : memref<336xi32, #tpu.memory_space<vmem>>, vector<16xi32>,
        %slice3A = vector.extract_strided_slice %get3A_191 {offsets = [0], sizes = [1], strides = [1]} : vector<16xi32> to vector<1xi32>
        %squeeze3A = vector.extract %slice3A[0] : i32 from vector<1xi32>
        %scan3A_192 = arith.constant 0 : i32
        %scan3A_193 = arith.constant 10 : i32
        %scan3A_194 = arith.addi %scan3A_192, %scan3A_193 : i32
        %scan3A_195 = arith.constant 1 : i32
        %scan3A_196:9 = scf.for %scan3A_232 = %scan3A_192 to %scan3A_194 step %scan3A_195 iter_args(%scan3A_233 = %squeeze3A, %scan3A_234 = %broadcast_in_dim3A_18, %scan3A_235 = %broadcast_in_dim3A_18, %scan3A_236 = %broadcast_in_dim3A_18, %scan3A_237 = %broadcast_in_dim3A_18, %scan3A_238 = %broadcast_in_dim3A_18, %scan3A_239 = %broadcast_in_dim3A_18, %scan3A_240 = %broadcast_in_dim3A_18, %scan3A_241 = %broadcast_in_dim3A_18) -> (i32, vector<16xf32>, vector<16xf32>, vector<16xf32>, vector<16xf32>, vector<16xf32>, vector<16xf32>, vector<16xf32>, vector<16xf32>)  : i32 {
          %mul3A_242 = arith.constant 16 : i32
          %mul3A_243 = arith.muli %mul3A_242, %scan3A_232 : i32
          %add3A_244 = arith.addi %mul3A_189, %mul3A_243 : i32
          %get3A_245 = arith.index_cast %add3A_244 : i32 to index
          %get3A_246 = tpu.vector_load %arg8[%get3A_245] {strides = array<i32>} : memref<336xi32, #tpu.memory_space<vmem>>, vector<16xi32>,
          %slice3A_247 = vector.extract_strided_slice %get3A_246 {offsets = [0], sizes = [1], strides = [1]} : vector<16xi32> to vector<1xi32>
          %squeeze3A_248 = vector.extract %slice3A_247[0] : i32 from vector<1xi32>
          %slice3A_249 = vector.extract_strided_slice %get3A_246 {offsets = [15], sizes = [1], strides = [1]} : vector<16xi32> to vector<1xi32>
          %squeeze3A_250 = vector.extract %slice3A_249[0] : i32 from vector<1xi32>
          %ne3A = arith.cmpi ne, %squeeze3A_248, %scan3A_233 : i32
          %select_n3A = arith.select %ne3A, %scan3A_234, %broadcast_in_dim3A_18 : vector<16xf32>
          %swap3A_251 = arith.index_cast %scan3A_233 : i32 to index
          %swap3A_252 = arith.constant 0 : index
          %swap3A_253 = tpu.vector_load %arg9[%swap3A_251, %swap3A_252] {strides = array<i32>} : memref<256x128xf32, #tpu.memory_space<vmem>>, vector<16xf32>,
          tpu.vector_store %arg9[%swap3A_251, %swap3A_252], %select_n3A {add = true, strides = array<i32>} : memref<256x128xf32, #tpu.memory_space<vmem>>, vector<16xf32>,
          %select_n3A_254 = arith.select %ne3A, %scan3A_235, %broadcast_in_dim3A_18 : vector<16xf32>
          %swap3A_255 = arith.index_cast %scan3A_233 : i32 to index
          %swap3A_256 = arith.constant 16 : index
          %swap3A_257 = tpu.vector_load %arg9[%swap3A_255, %swap3A_256] {strides = array<i32>} : memref<256x128xf32, #tpu.memory_space<vmem>>, vector<16xf32>,
          tpu.vector_store %arg9[%swap3A_255, %swap3A_256], %select_n3A_254 {add = true, strides = array<i32>} : memref<256x128xf32, #tpu.memory_space<vmem>>, vector<16xf32>,
          %select_n3A_258 = arith.select %ne3A, %scan3A_236, %broadcast_in_dim3A_18 : vector<16xf32>
          %swap3A_259 = arith.index_cast %scan3A_233 : i32 to index
          %swap3A_260 = arith.constant 32 : index
          %swap3A_261 = tpu.vector_load %arg9[%swap3A_259, %swap3A_260] {strides = array<i32>} : memref<256x128xf32, #tpu.memory_space<vmem>>, vector<16xf32>,
          tpu.vector_store %arg9[%swap3A_259, %swap3A_260], %select_n3A_258 {add = true, strides = array<i32>} : memref<256x128xf32, #tpu.memory_space<vmem>>, vector<16xf32>,
          %select_n3A_262 = arith.select %ne3A, %scan3A_237, %broadcast_in_dim3A_18 : vector<16xf32>
          %swap3A_263 = arith.index_cast %scan3A_233 : i32 to index
          %swap3A_264 = arith.constant 48 : index
          %swap3A_265 = tpu.vector_load %arg9[%swap3A_263, %swap3A_264] {strides = array<i32>} : memref<256x128xf32, #tpu.memory_space<vmem>>, vector<16xf32>,
          tpu.vector_store %arg9[%swap3A_263, %swap3A_264], %select_n3A_262 {add = true, strides = array<i32>} : memref<256x128xf32, #tpu.memory_space<vmem>>, vector<16xf32>,
          %select_n3A_266 = arith.select %ne3A, %scan3A_238, %broadcast_in_dim3A_18 : vector<16xf32>
          %swap3A_267 = arith.index_cast %scan3A_233 : i32 to index
          %swap3A_268 = arith.constant 64 : index
          %swap3A_269 = tpu.vector_load %arg9[%swap3A_267, %swap3A_268] {strides = array<i32>} : memref<256x128xf32, #tpu.memory_space<vmem>>, vector<16xf32>,
          tpu.vector_store %arg9[%swap3A_267, %swap3A_268], %select_n3A_266 {add = true, strides = array<i32>} : memref<256x128xf32, #tpu.memory_space<vmem>>, vector<16xf32>,
          %select_n3A_270 = arith.select %ne3A, %scan3A_239, %broadcast_in_dim3A_18 : vector<16xf32>
          %swap3A_271 = arith.index_cast %scan3A_233 : i32 to index
          %swap3A_272 = arith.constant 80 : index
          %swap3A_273 = tpu.vector_load %arg9[%swap3A_271, %swap3A_272] {strides = array<i32>} : memref<256x128xf32, #tpu.memory_space<vmem>>, vector<16xf32>,
          tpu.vector_store %arg9[%swap3A_271, %swap3A_272], %select_n3A_270 {add = true, strides = array<i32>} : memref<256x128xf32, #tpu.memory_space<vmem>>, vector<16xf32>,
          %select_n3A_274 = arith.select %ne3A, %scan3A_240, %broadcast_in_dim3A_18 : vector<16xf32>
          %swap3A_275 = arith.index_cast %scan3A_233 : i32 to index
          %swap3A_276 = arith.constant 96 : index
          %swap3A_277 = tpu.vector_load %arg9[%swap3A_275, %swap3A_276] {strides = array<i32>} : memref<256x128xf32, #tpu.memory_space<vmem>>, vector<16xf32>,
          tpu.vector_store %arg9[%swap3A_275, %swap3A_276], %select_n3A_274 {add = true, strides = array<i32>} : memref<256x128xf32, #tpu.memory_space<vmem>>, vector<16xf32>,
          %select_n3A_278 = arith.select %ne3A, %scan3A_241, %broadcast_in_dim3A_18 : vector<16xf32>
          %swap3A_279 = arith.index_cast %scan3A_233 : i32 to index
          %swap3A_280 = arith.constant 112 : index
          %swap3A_281 = tpu.vector_load %arg9[%swap3A_279, %swap3A_280] {strides = array<i32>} : memref<256x128xf32, #tpu.memory_space<vmem>>, vector<16xf32>,
          tpu.vector_store %arg9[%swap3A_279, %swap3A_280], %select_n3A_278 {add = true, strides = array<i32>} : memref<256x128xf32, #tpu.memory_space<vmem>>, vector<16xf32>,
          %select_n3A_282 = arith.select %ne3A, %broadcast_in_dim3A_18, %scan3A_234 : vector<16xf32>
          %select_n3A_283 = arith.select %ne3A, %broadcast_in_dim3A_18, %scan3A_235 : vector<16xf32>
          %select_n3A_284 = arith.select %ne3A, %broadcast_in_dim3A_18, %scan3A_236 : vector<16xf32>
          %select_n3A_285 = arith.select %ne3A, %broadcast_in_dim3A_18, %scan3A_237 : vector<16xf32>
          %select_n3A_286 = arith.select %ne3A, %broadcast_in_dim3A_18, %scan3A_238 : vector<16xf32>
          %select_n3A_287 = arith.select %ne3A, %broadcast_in_dim3A_18, %scan3A_239 : vector<16xf32>
          %select_n3A_288 = arith.select %ne3A, %broadcast_in_dim3A_18, %scan3A_240 : vector<16xf32>
          %select_n3A_289 = arith.select %ne3A, %broadcast_in_dim3A_18, %scan3A_241 : vector<16xf32>
          %eq3A_290 = arith.cmpi eq, %squeeze3A_248, %squeeze3A_250 : i32
          %convert_element_type3A_291 = arith.extui %eq3A_290 : i1 to i32
          %cond3A_292 = arith.constant 0 : i32
          %cond3A_293 = arith.cmpi ne, %convert_element_type3A_291, %cond3A_292 : i32
          %cond3A_294:8 = scf.if %cond3A_293 -> (vector<16xf32>, vector<16xf32>, vector<16xf32>, vector<16xf32>, vector<16xf32>, vector<16xf32>, vector<16xf32>, vector<16xf32>) {
            %add3A_295 = arith.constant 0 : i32
            %add3A_296 = arith.addi %add3A_244, %add3A_295 : i32
            %get3A_297 = arith.index_cast %add3A_296 : i32 to index
            %get3A_298 = arith.constant 0 : index
            %get3A_299 = tpu.vector_load %arg7[%get3A_297, %get3A_298] {strides = array<i32>} : memref<320x128xf32, #tpu.memory_space<vmem>>, vector<16xf32>,
            %add3A_300 = arith.constant 0 : i32
            %add3A_301 = arith.addi %add3A_244, %add3A_300 : i32
            %get3A_302 = arith.index_cast %add3A_301 : i32 to index
            %get3A_303 = arith.constant 16 : index
            %get3A_304 = tpu.vector_load %arg7[%get3A_302, %get3A_303] {strides = array<i32>} : memref<320x128xf32, #tpu.memory_space<vmem>>, vector<16xf32>,
            %add3A_305 = arith.constant 0 : i32
            %add3A_306 = arith.addi %add3A_244, %add3A_305 : i32
            %get3A_307 = arith.index_cast %add3A_306 : i32 to index
            %get3A_308 = arith.constant 32 : index
            %get3A_309 = tpu.vector_load %arg7[%get3A_307, %get3A_308] {strides = array<i32>} : memref<320x128xf32, #tpu.memory_space<vmem>>, vector<16xf32>,
            %add3A_310 = arith.constant 0 : i32
            %add3A_311 = arith.addi %add3A_244, %add3A_310 : i32
            %get3A_312 = arith.index_cast %add3A_311 : i32 to index
            %get3A_313 = arith.constant 48 : index
            %get3A_314 = tpu.vector_load %arg7[%get3A_312, %get3A_313] {strides = array<i32>} : memref<320x128xf32, #tpu.memory_space<vmem>>, vector<16xf32>,
            %add3A_315 = arith.constant 0 : i32
            %add3A_316 = arith.addi %add3A_244, %add3A_315 : i32
            %get3A_317 = arith.index_cast %add3A_316 : i32 to index
            %get3A_318 = arith.constant 64 : index
            %get3A_319 = tpu.vector_load %arg7[%get3A_317, %get3A_318] {strides = array<i32>} : memref<320x128xf32, #tpu.memory_space<vmem>>, vector<16xf32>,
            %add3A_320 = arith.constant 0 : i32
            %add3A_321 = arith.addi %add3A_244, %add3A_320 : i32
            %get3A_322 = arith.index_cast %add3A_321 : i32 to index
            %get3A_323 = arith.constant 80 : index
            %get3A_324 = tpu.vector_load %arg7[%get3A_322, %get3A_323] {strides = array<i32>} : memref<320x128xf32, #tpu.memory_space<vmem>>, vector<16xf32>,
            %add3A_325 = arith.constant 0 : i32
            %add3A_326 = arith.addi %add3A_244, %add3A_325 : i32
            %get3A_327 = arith.index_cast %add3A_326 : i32 to index
            %get3A_328 = arith.constant 96 : index
            %get3A_329 = tpu.vector_load %arg7[%get3A_327, %get3A_328] {strides = array<i32>} : memref<320x128xf32, #tpu.memory_space<vmem>>, vector<16xf32>,
            %add3A_330 = arith.constant 0 : i32
            %add3A_331 = arith.addi %add3A_244, %add3A_330 : i32
            %get3A_332 = arith.index_cast %add3A_331 : i32 to index
            %get3A_333 = arith.constant 112 : index
            %get3A_334 = tpu.vector_load %arg7[%get3A_332, %get3A_333] {strides = array<i32>} : memref<320x128xf32, #tpu.memory_space<vmem>>, vector<16xf32>,
            %mul3A_335 = arith.mulf %get3A_299, %get3A_1 : vector<16xf32>
            %mul3A_336 = arith.mulf %get3A_319, %get3A_9 : vector<16xf32>
            %mul3A_337 = arith.mulf %get3A_304, %get3A_3 : vector<16xf32>
            %add3A_338 = arith.addf %mul3A_335, %mul3A_337 : vector<16xf32>
            %mul3A_339 = arith.mulf %get3A_309, %get3A_5 : vector<16xf32>
            %add3A_340 = arith.addf %add3A_338, %mul3A_339 : vector<16xf32>
            %mul3A_341 = arith.mulf %get3A_314, %get3A_7 : vector<16xf32>
            %add3A_342 = arith.addf %add3A_340, %mul3A_341 : vector<16xf32>
            %mul3A_343 = arith.mulf %get3A_324, %get3A_11 : vector<16xf32>
            %add3A_344 = arith.addf %mul3A_336, %mul3A_343 : vector<16xf32>
            %mul3A_345 = arith.mulf %get3A_329, %get3A_13 : vector<16xf32>
            %add3A_346 = arith.addf %add3A_344, %mul3A_345 : vector<16xf32>
            %mul3A_347 = arith.mulf %get3A_334, %get3A_15 : vector<16xf32>
            %add3A_348 = arith.addf %add3A_346, %mul3A_347 : vector<16xf32>
            %add3A_349 = arith.addf %add3A_342, %add3A_348 : vector<16xf32>
            %swap3A_350 = arith.constant 0 : index
            %swap3A_351 = tpu.vector_load %arg13[%swap3A_350] {strides = array<i32>} : memref<256xf32, #tpu.memory_space<vmem>>, vector<16xf32>,
            tpu.vector_store %arg13[%swap3A_350], %add3A_349 {strides = array<i32>} : memref<256xf32, #tpu.memory_space<vmem>>, vector<16xf32>,
            %add3A_352 = arith.constant 1 : i32
            %add3A_353 = arith.addi %add3A_244, %add3A_352 : i32
            %get3A_354 = arith.index_cast %add3A_353 : i32 to index
            %get3A_355 = arith.constant 0 : index
            %get3A_356 = tpu.vector_load %arg7[%get3A_354, %get3A_355] {strides = array<i32>} : memref<320x128xf32, #tpu.memory_space<vmem>>, vector<16xf32>,
            %add3A_357 = arith.constant 1 : i32
            %add3A_358 = arith.addi %add3A_244, %add3A_357 : i32
            %get3A_359 = arith.index_cast %add3A_358 : i32 to index
            %get3A_360 = arith.constant 16 : index
            %get3A_361 = tpu.vector_load %arg7[%get3A_359, %get3A_360] {strides = array<i32>} : memref<320x128xf32, #tpu.memory_space<vmem>>, vector<16xf32>,
            %add3A_362 = arith.constant 1 : i32
            %add3A_363 = arith.addi %add3A_244, %add3A_362 : i32
            %get3A_364 = arith.index_cast %add3A_363 : i32 to index
            %get3A_365 = arith.constant 32 : index
            %get3A_366 = tpu.vector_load %arg7[%get3A_364, %get3A_365] {strides = array<i32>} : memref<320x128xf32, #tpu.memory_space<vmem>>, vector<16xf32>,
            %add3A_367 = arith.constant 1 : i32
            %add3A_368 = arith.addi %add3A_244, %add3A_367 : i32
            %get3A_369 = arith.index_cast %add3A_368 : i32 to index
            %get3A_370 = arith.constant 48 : index
            %get3A_371 = tpu.vector_load %arg7[%get3A_369, %get3A_370] {strides = array<i32>} : memref<320x128xf32, #tpu.memory_space<vmem>>, vector<16xf32>,
            %add3A_372 = arith.constant 1 : i32
            %add3A_373 = arith.addi %add3A_244, %add3A_372 : i32
            %get3A_374 = arith.index_cast %add3A_373 : i32 to index
            %get3A_375 = arith.constant 64 : index
            %get3A_376 = tpu.vector_load %arg7[%get3A_374, %get3A_375] {strides = array<i32>} : memref<320x128xf32, #tpu.memory_space<vmem>>, vector<16xf32>,
            %add3A_377 = arith.constant 1 : i32
            %add3A_378 = arith.addi %add3A_244, %add3A_377 : i32
            %get3A_379 = arith.index_cast %add3A_378 : i32 to index
            %get3A_380 = arith.constant 80 : index
            %get3A_381 = tpu.vector_load %arg7[%get3A_379, %get3A_380] {strides = array<i32>} : memref<320x128xf32, #tpu.memory_space<vmem>>, vector<16xf32>,
            %add3A_382 = arith.constant 1 : i32
            %add3A_383 = arith.addi %add3A_244, %add3A_382 : i32
            %get3A_384 = arith.index_cast %add3A_383 : i32 to index
            %get3A_385 = arith.constant 96 : index
            %get3A_386 = tpu.vector_load %arg7[%get3A_384, %get3A_385] {strides = array<i32>} : memref<320x128xf32, #tpu.memory_space<vmem>>, vector<16xf32>,
            %add3A_387 = arith.constant 1 : i32
            %add3A_388 = arith.addi %add3A_244, %add3A_387 : i32
            %get3A_389 = arith.index_cast %add3A_388 : i32 to index
            %get3A_390 = arith.constant 112 : index
            %get3A_391 = tpu.vector_load %arg7[%get3A_389, %get3A_390] {strides = array<i32>} : memref<320x128xf32, #tpu.memory_space<vmem>>, vector<16xf32>,
            %mul3A_392 = arith.mulf %get3A_356, %get3A_1 : vector<16xf32>
            %mul3A_393 = arith.mulf %get3A_376, %get3A_9 : vector<16xf32>
            %mul3A_394 = arith.mulf %get3A_361, %get3A_3 : vector<16xf32>
            %add3A_395 = arith.addf %mul3A_392, %mul3A_394 : vector<16xf32>
            %mul3A_396 = arith.mulf %get3A_366, %get3A_5 : vector<16xf32>
            %add3A_397 = arith.addf %add3A_395, %mul3A_396 : vector<16xf32>
            %mul3A_398 = arith.mulf %get3A_371, %get3A_7 : vector<16xf32>
            %add3A_399 = arith.addf %add3A_397, %mul3A_398 : vector<16xf32>
            %mul3A_400 = arith.mulf %get3A_381, %get3A_11 : vector<16xf32>
            %add3A_401 = arith.addf %mul3A_393, %mul3A_400 : vector<16xf32>
            %mul3A_402 = arith.mulf %get3A_386, %get3A_13 : vector<16xf32>
            %add3A_403 = arith.addf %add3A_401, %mul3A_402 : vector<16xf32>
            %mul3A_404 = arith.mulf %get3A_391, %get3A_15 : vector<16xf32>
            %add3A_405 = arith.addf %add3A_403, %mul3A_404 : vector<16xf32>
            %add3A_406 = arith.addf %add3A_399, %add3A_405 : vector<16xf32>
            %swap3A_407 = arith.constant 16 : index
            %swap3A_408 = tpu.vector_load %arg13[%swap3A_407] {strides = array<i32>} : memref<256xf32, #tpu.memory_space<vmem>>, vector<16xf32>,
            tpu.vector_store %arg13[%swap3A_407], %add3A_406 {strides = array<i32>} : memref<256xf32, #tpu.memory_space<vmem>>, vector<16xf32>,
            %add3A_409 = arith.constant 2 : i32
            %add3A_410 = arith.addi %add3A_244, %add3A_409 : i32
            %get3A_411 = arith.index_cast %add3A_410 : i32 to index
            %get3A_412 = arith.constant 0 : index
            %get3A_413 = tpu.vector_load %arg7[%get3A_411, %get3A_412] {strides = array<i32>} : memref<320x128xf32, #tpu.memory_space<vmem>>, vector<16xf32>,
            %add3A_414 = arith.constant 2 : i32
            %add3A_415 = arith.addi %add3A_244, %add3A_414 : i32
            %get3A_416 = arith.index_cast %add3A_415 : i32 to index
            %get3A_417 = arith.constant 16 : index
            %get3A_418 = tpu.vector_load %arg7[%get3A_416, %get3A_417] {strides = array<i32>} : memref<320x128xf32, #tpu.memory_space<vmem>>, vector<16xf32>,
            %add3A_419 = arith.constant 2 : i32
            %add3A_420 = arith.addi %add3A_244, %add3A_419 : i32
            %get3A_421 = arith.index_cast %add3A_420 : i32 to index
            %get3A_422 = arith.constant 32 : index
            %get3A_423 = tpu.vector_load %arg7[%get3A_421, %get3A_422] {strides = array<i32>} : memref<320x128xf32, #tpu.memory_space<vmem>>, vector<16xf32>,
            %add3A_424 = arith.constant 2 : i32
            %add3A_425 = arith.addi %add3A_244, %add3A_424 : i32
            %get3A_426 = arith.index_cast %add3A_425 : i32 to index
            %get3A_427 = arith.constant 48 : index
            %get3A_428 = tpu.vector_load %arg7[%get3A_426, %get3A_427] {strides = array<i32>} : memref<320x128xf32, #tpu.memory_space<vmem>>, vector<16xf32>,
            %add3A_429 = arith.constant 2 : i32
            %add3A_430 = arith.addi %add3A_244, %add3A_429 : i32
            %get3A_431 = arith.index_cast %add3A_430 : i32 to index
            %get3A_432 = arith.constant 64 : index
            %get3A_433 = tpu.vector_load %arg7[%get3A_431, %get3A_432] {strides = array<i32>} : memref<320x128xf32, #tpu.memory_space<vmem>>, vector<16xf32>,
            %add3A_434 = arith.constant 2 : i32
            %add3A_435 = arith.addi %add3A_244, %add3A_434 : i32
            %get3A_436 = arith.index_cast %add3A_435 : i32 to index
            %get3A_437 = arith.constant 80 : index
            %get3A_438 = tpu.vector_load %arg7[%get3A_436, %get3A_437] {strides = array<i32>} : memref<320x128xf32, #tpu.memory_space<vmem>>, vector<16xf32>,
            %add3A_439 = arith.constant 2 : i32
            %add3A_440 = arith.addi %add3A_244, %add3A_439 : i32
            %get3A_441 = arith.index_cast %add3A_440 : i32 to index
            %get3A_442 = arith.constant 96 : index
            %get3A_443 = tpu.vector_load %arg7[%get3A_441, %get3A_442] {strides = array<i32>} : memref<320x128xf32, #tpu.memory_space<vmem>>, vector<16xf32>,
            %add3A_444 = arith.constant 2 : i32
            %add3A_445 = arith.addi %add3A_244, %add3A_444 : i32
            %get3A_446 = arith.index_cast %add3A_445 : i32 to index
            %get3A_447 = arith.constant 112 : index
            %get3A_448 = tpu.vector_load %arg7[%get3A_446, %get3A_447] {strides = array<i32>} : memref<320x128xf32, #tpu.memory_space<vmem>>, vector<16xf32>,
            %mul3A_449 = arith.mulf %get3A_413, %get3A_1 : vector<16xf32>
            %mul3A_450 = arith.mulf %get3A_433, %get3A_9 : vector<16xf32>
            %mul3A_451 = arith.mulf %get3A_418, %get3A_3 : vector<16xf32>
            %add3A_452 = arith.addf %mul3A_449, %mul3A_451 : vector<16xf32>
            %mul3A_453 = arith.mulf %get3A_423, %get3A_5 : vector<16xf32>
            %add3A_454 = arith.addf %add3A_452, %mul3A_453 : vector<16xf32>
            %mul3A_455 = arith.mulf %get3A_428, %get3A_7 : vector<16xf32>
            %add3A_456 = arith.addf %add3A_454, %mul3A_455 : vector<16xf32>
            %mul3A_457 = arith.mulf %get3A_438, %get3A_11 : vector<16xf32>
            %add3A_458 = arith.addf %mul3A_450, %mul3A_457 : vector<16xf32>
            %mul3A_459 = arith.mulf %get3A_443, %get3A_13 : vector<16xf32>
            %add3A_460 = arith.addf %add3A_458, %mul3A_459 : vector<16xf32>
            %mul3A_461 = arith.mulf %get3A_448, %get3A_15 : vector<16xf32>
            %add3A_462 = arith.addf %add3A_460, %mul3A_461 : vector<16xf32>
            %add3A_463 = arith.addf %add3A_456, %add3A_462 : vector<16xf32>
            %swap3A_464 = arith.constant 32 : index
            %swap3A_465 = tpu.vector_load %arg13[%swap3A_464] {strides = array<i32>} : memref<256xf32, #tpu.memory_space<vmem>>, vector<16xf32>,
            tpu.vector_store %arg13[%swap3A_464], %add3A_463 {strides = array<i32>} : memref<256xf32, #tpu.memory_space<vmem>>, vector<16xf32>,
            %add3A_466 = arith.constant 3 : i32
            %add3A_467 = arith.addi %add3A_244, %add3A_466 : i32
            %get3A_468 = arith.index_cast %add3A_467 : i32 to index
            %get3A_469 = arith.constant 0 : index
            %get3A_470 = tpu.vector_load %arg7[%get3A_468, %get3A_469] {strides = array<i32>} : memref<320x128xf32, #tpu.memory_space<vmem>>, vector<16xf32>,
            %add3A_471 = arith.constant 3 : i32
            %add3A_472 = arith.addi %add3A_244, %add3A_471 : i32
            %get3A_473 = arith.index_cast %add3A_472 : i32 to index
            %get3A_474 = arith.constant 16 : index
            %get3A_475 = tpu.vector_load %arg7[%get3A_473, %get3A_474] {strides = array<i32>} : memref<320x128xf32, #tpu.memory_space<vmem>>, vector<16xf32>,
            %add3A_476 = arith.constant 3 : i32
            %add3A_477 = arith.addi %add3A_244, %add3A_476 : i32
            %get3A_478 = arith.index_cast %add3A_477 : i32 to index
            %get3A_479 = arith.constant 32 : index
            %get3A_480 = tpu.vector_load %arg7[%get3A_478, %get3A_479] {strides = array<i32>} : memref<320x128xf32, #tpu.memory_space<vmem>>, vector<16xf32>,
            %add3A_481 = arith.constant 3 : i32
            %add3A_482 = arith.addi %add3A_244, %add3A_481 : i32
            %get3A_483 = arith.index_cast %add3A_482 : i32 to index
            %get3A_484 = arith.constant 48 : index
            %get3A_485 = tpu.vector_load %arg7[%get3A_483, %get3A_484] {strides = array<i32>} : memref<320x128xf32, #tpu.memory_space<vmem>>, vector<16xf32>,
            %add3A_486 = arith.constant 3 : i32
            %add3A_487 = arith.addi %add3A_244, %add3A_486 : i32
            %get3A_488 = arith.index_cast %add3A_487 : i32 to index
            %get3A_489 = arith.constant 64 : index
            %get3A_490 = tpu.vector_load %arg7[%get3A_488, %get3A_489] {strides = array<i32>} : memref<320x128xf32, #tpu.memory_space<vmem>>, vector<16xf32>,
            %add3A_491 = arith.constant 3 : i32
            %add3A_492 = arith.addi %add3A_244, %add3A_491 : i32
            %get3A_493 = arith.index_cast %add3A_492 : i32 to index
            %get3A_494 = arith.constant 80 : index
            %get3A_495 = tpu.vector_load %arg7[%get3A_493, %get3A_494] {strides = array<i32>} : memref<320x128xf32, #tpu.memory_space<vmem>>, vector<16xf32>,
            %add3A_496 = arith.constant 3 : i32
            %add3A_497 = arith.addi %add3A_244, %add3A_496 : i32
            %get3A_498 = arith.index_cast %add3A_497 : i32 to index
            %get3A_499 = arith.constant 96 : index
            %get3A_500 = tpu.vector_load %arg7[%get3A_498, %get3A_499] {strides = array<i32>} : memref<320x128xf32, #tpu.memory_space<vmem>>, vector<16xf32>,
            %add3A_501 = arith.constant 3 : i32
            %add3A_502 = arith.addi %add3A_244, %add3A_501 : i32
            %get3A_503 = arith.index_cast %add3A_502 : i32 to index
            %get3A_504 = arith.constant 112 : index
            %get3A_505 = tpu.vector_load %arg7[%get3A_503, %get3A_504] {strides = array<i32>} : memref<320x128xf32, #tpu.memory_space<vmem>>, vector<16xf32>,
            %mul3A_506 = arith.mulf %get3A_470, %get3A_1 : vector<16xf32>
            %mul3A_507 = arith.mulf %get3A_490, %get3A_9 : vector<16xf32>
            %mul3A_508 = arith.mulf %get3A_475, %get3A_3 : vector<16xf32>
            %add3A_509 = arith.addf %mul3A_506, %mul3A_508 : vector<16xf32>
            %mul3A_510 = arith.mulf %get3A_480, %get3A_5 : vector<16xf32>
            %add3A_511 = arith.addf %add3A_509, %mul3A_510 : vector<16xf32>
            %mul3A_512 = arith.mulf %get3A_485, %get3A_7 : vector<16xf32>
            %add3A_513 = arith.addf %add3A_511, %mul3A_512 : vector<16xf32>
            %mul3A_514 = arith.mulf %get3A_495, %get3A_11 : vector<16xf32>
            %add3A_515 = arith.addf %mul3A_507, %mul3A_514 : vector<16xf32>
            %mul3A_516 = arith.mulf %get3A_500, %get3A_13 : vector<16xf32>
            %add3A_517 = arith.addf %add3A_515, %mul3A_516 : vector<16xf32>
            %mul3A_518 = arith.mulf %get3A_505, %get3A_15 : vector<16xf32>
            %add3A_519 = arith.addf %add3A_517, %mul3A_518 : vector<16xf32>
            %add3A_520 = arith.addf %add3A_513, %add3A_519 : vector<16xf32>
            %swap3A_521 = arith.constant 48 : index
            %swap3A_522 = tpu.vector_load %arg13[%swap3A_521] {strides = array<i32>} : memref<256xf32, #tpu.memory_space<vmem>>, vector<16xf32>,
            tpu.vector_store %arg13[%swap3A_521], %add3A_520 {strides = array<i32>} : memref<256xf32, #tpu.memory_space<vmem>>, vector<16xf32>,
            %add3A_523 = arith.constant 4 : i32
            %add3A_524 = arith.addi %add3A_244, %add3A_523 : i32
            %get3A_525 = arith.index_cast %add3A_524 : i32 to index
            %get3A_526 = arith.constant 0 : index
            %get3A_527 = tpu.vector_load %arg7[%get3A_525, %get3A_526] {strides = array<i32>} : memref<320x128xf32, #tpu.memory_space<vmem>>, vector<16xf32>,
            %add3A_528 = arith.constant 4 : i32
            %add3A_529 = arith.addi %add3A_244, %add3A_528 : i32
            %get3A_530 = arith.index_cast %add3A_529 : i32 to index
            %get3A_531 = arith.constant 16 : index
            %get3A_532 = tpu.vector_load %arg7[%get3A_530, %get3A_531] {strides = array<i32>} : memref<320x128xf32, #tpu.memory_space<vmem>>, vector<16xf32>,
            %add3A_533 = arith.constant 4 : i32
            %add3A_534 = arith.addi %add3A_244, %add3A_533 : i32
            %get3A_535 = arith.index_cast %add3A_534 : i32 to index
            %get3A_536 = arith.constant 32 : index
            %get3A_537 = tpu.vector_load %arg7[%get3A_535, %get3A_536] {strides = array<i32>} : memref<320x128xf32, #tpu.memory_space<vmem>>, vector<16xf32>,
            %add3A_538 = arith.constant 4 : i32
            %add3A_539 = arith.addi %add3A_244, %add3A_538 : i32
            %get3A_540 = arith.index_cast %add3A_539 : i32 to index
            %get3A_541 = arith.constant 48 : index
            %get3A_542 = tpu.vector_load %arg7[%get3A_540, %get3A_541] {strides = array<i32>} : memref<320x128xf32, #tpu.memory_space<vmem>>, vector<16xf32>,
            %add3A_543 = arith.constant 4 : i32
            %add3A_544 = arith.addi %add3A_244, %add3A_543 : i32
            %get3A_545 = arith.index_cast %add3A_544 : i32 to index
            %get3A_546 = arith.constant 64 : index
            %get3A_547 = tpu.vector_load %arg7[%get3A_545, %get3A_546] {strides = array<i32>} : memref<320x128xf32, #tpu.memory_space<vmem>>, vector<16xf32>,
            %add3A_548 = arith.constant 4 : i32
            %add3A_549 = arith.addi %add3A_244, %add3A_548 : i32
            %get3A_550 = arith.index_cast %add3A_549 : i32 to index
            %get3A_551 = arith.constant 80 : index
            %get3A_552 = tpu.vector_load %arg7[%get3A_550, %get3A_551] {strides = array<i32>} : memref<320x128xf32, #tpu.memory_space<vmem>>, vector<16xf32>,
            %add3A_553 = arith.constant 4 : i32
            %add3A_554 = arith.addi %add3A_244, %add3A_553 : i32
            %get3A_555 = arith.index_cast %add3A_554 : i32 to index
            %get3A_556 = arith.constant 96 : index
            %get3A_557 = tpu.vector_load %arg7[%get3A_555, %get3A_556] {strides = array<i32>} : memref<320x128xf32, #tpu.memory_space<vmem>>, vector<16xf32>,
            %add3A_558 = arith.constant 4 : i32
            %add3A_559 = arith.addi %add3A_244, %add3A_558 : i32
            %get3A_560 = arith.index_cast %add3A_559 : i32 to index
            %get3A_561 = arith.constant 112 : index
            %get3A_562 = tpu.vector_load %arg7[%get3A_560, %get3A_561] {strides = array<i32>} : memref<320x128xf32, #tpu.memory_space<vmem>>, vector<16xf32>,
            %mul3A_563 = arith.mulf %get3A_527, %get3A_1 : vector<16xf32>
            %mul3A_564 = arith.mulf %get3A_547, %get3A_9 : vector<16xf32>
            %mul3A_565 = arith.mulf %get3A_532, %get3A_3 : vector<16xf32>
            %add3A_566 = arith.addf %mul3A_563, %mul3A_565 : vector<16xf32>
            %mul3A_567 = arith.mulf %get3A_537, %get3A_5 : vector<16xf32>
            %add3A_568 = arith.addf %add3A_566, %mul3A_567 : vector<16xf32>
            %mul3A_569 = arith.mulf %get3A_542, %get3A_7 : vector<16xf32>
            %add3A_570 = arith.addf %add3A_568, %mul3A_569 : vector<16xf32>
            %mul3A_571 = arith.mulf %get3A_552, %get3A_11 : vector<16xf32>
            %add3A_572 = arith.addf %mul3A_564, %mul3A_571 : vector<16xf32>
            %mul3A_573 = arith.mulf %get3A_557, %get3A_13 : vector<16xf32>
            %add3A_574 = arith.addf %add3A_572, %mul3A_573 : vector<16xf32>
            %mul3A_575 = arith.mulf %get3A_562, %get3A_15 : vector<16xf32>
            %add3A_576 = arith.addf %add3A_574, %mul3A_575 : vector<16xf32>
            %add3A_577 = arith.addf %add3A_570, %add3A_576 : vector<16xf32>
            %swap3A_578 = arith.constant 64 : index
            %swap3A_579 = tpu.vector_load %arg13[%swap3A_578] {strides = array<i32>} : memref<256xf32, #tpu.memory_space<vmem>>, vector<16xf32>,
            tpu.vector_store %arg13[%swap3A_578], %add3A_577 {strides = array<i32>} : memref<256xf32, #tpu.memory_space<vmem>>, vector<16xf32>,
            %add3A_580 = arith.constant 5 : i32
            %add3A_581 = arith.addi %add3A_244, %add3A_580 : i32
            %get3A_582 = arith.index_cast %add3A_581 : i32 to index
            %get3A_583 = arith.constant 0 : index
            %get3A_584 = tpu.vector_load %arg7[%get3A_582, %get3A_583] {strides = array<i32>} : memref<320x128xf32, #tpu.memory_space<vmem>>, vector<16xf32>,
            %add3A_585 = arith.constant 5 : i32
            %add3A_586 = arith.addi %add3A_244, %add3A_585 : i32
            %get3A_587 = arith.index_cast %add3A_586 : i32 to index
            %get3A_588 = arith.constant 16 : index
            %get3A_589 = tpu.vector_load %arg7[%get3A_587, %get3A_588] {strides = array<i32>} : memref<320x128xf32, #tpu.memory_space<vmem>>, vector<16xf32>,
            %add3A_590 = arith.constant 5 : i32
            %add3A_591 = arith.addi %add3A_244, %add3A_590 : i32
            %get3A_592 = arith.index_cast %add3A_591 : i32 to index
            %get3A_593 = arith.constant 32 : index
            %get3A_594 = tpu.vector_load %arg7[%get3A_592, %get3A_593] {strides = array<i32>} : memref<320x128xf32, #tpu.memory_space<vmem>>, vector<16xf32>,
            %add3A_595 = arith.constant 5 : i32
            %add3A_596 = arith.addi %add3A_244, %add3A_595 : i32
            %get3A_597 = arith.index_cast %add3A_596 : i32 to index
            %get3A_598 = arith.constant 48 : index
            %get3A_599 = tpu.vector_load %arg7[%get3A_597, %get3A_598] {strides = array<i32>} : memref<320x128xf32, #tpu.memory_space<vmem>>, vector<16xf32>,
            %add3A_600 = arith.constant 5 : i32
            %add3A_601 = arith.addi %add3A_244, %add3A_600 : i32
            %get3A_602 = arith.index_cast %add3A_601 : i32 to index
            %get3A_603 = arith.constant 64 : index
            %get3A_604 = tpu.vector_load %arg7[%get3A_602, %get3A_603] {strides = array<i32>} : memref<320x128xf32, #tpu.memory_space<vmem>>, vector<16xf32>,
            %add3A_605 = arith.constant 5 : i32
            %add3A_606 = arith.addi %add3A_244, %add3A_605 : i32
            %get3A_607 = arith.index_cast %add3A_606 : i32 to index
            %get3A_608 = arith.constant 80 : index
            %get3A_609 = tpu.vector_load %arg7[%get3A_607, %get3A_608] {strides = array<i32>} : memref<320x128xf32, #tpu.memory_space<vmem>>, vector<16xf32>,
            %add3A_610 = arith.constant 5 : i32
            %add3A_611 = arith.addi %add3A_244, %add3A_610 : i32
            %get3A_612 = arith.index_cast %add3A_611 : i32 to index
            %get3A_613 = arith.constant 96 : index
            %get3A_614 = tpu.vector_load %arg7[%get3A_612, %get3A_613] {strides = array<i32>} : memref<320x128xf32, #tpu.memory_space<vmem>>, vector<16xf32>,
            %add3A_615 = arith.constant 5 : i32
            %add3A_616 = arith.addi %add3A_244, %add3A_615 : i32
            %get3A_617 = arith.index_cast %add3A_616 : i32 to index
            %get3A_618 = arith.constant 112 : index
            %get3A_619 = tpu.vector_load %arg7[%get3A_617, %get3A_618] {strides = array<i32>} : memref<320x128xf32, #tpu.memory_space<vmem>>, vector<16xf32>,
            %mul3A_620 = arith.mulf %get3A_584, %get3A_1 : vector<16xf32>
            %mul3A_621 = arith.mulf %get3A_604, %get3A_9 : vector<16xf32>
            %mul3A_622 = arith.mulf %get3A_589, %get3A_3 : vector<16xf32>
            %add3A_623 = arith.addf %mul3A_620, %mul3A_622 : vector<16xf32>
            %mul3A_624 = arith.mulf %get3A_594, %get3A_5 : vector<16xf32>
            %add3A_625 = arith.addf %add3A_623, %mul3A_624 : vector<16xf32>
            %mul3A_626 = arith.mulf %get3A_599, %get3A_7 : vector<16xf32>
            %add3A_627 = arith.addf %add3A_625, %mul3A_626 : vector<16xf32>
            %mul3A_628 = arith.mulf %get3A_609, %get3A_11 : vector<16xf32>
            %add3A_629 = arith.addf %mul3A_621, %mul3A_628 : vector<16xf32>
            %mul3A_630 = arith.mulf %get3A_614, %get3A_13 : vector<16xf32>
            %add3A_631 = arith.addf %add3A_629, %mul3A_630 : vector<16xf32>
            %mul3A_632 = arith.mulf %get3A_619, %get3A_15 : vector<16xf32>
            %add3A_633 = arith.addf %add3A_631, %mul3A_632 : vector<16xf32>
            %add3A_634 = arith.addf %add3A_627, %add3A_633 : vector<16xf32>
            %swap3A_635 = arith.constant 80 : index
            %swap3A_636 = tpu.vector_load %arg13[%swap3A_635] {strides = array<i32>} : memref<256xf32, #tpu.memory_space<vmem>>, vector<16xf32>,
            tpu.vector_store %arg13[%swap3A_635], %add3A_634 {strides = array<i32>} : memref<256xf32, #tpu.memory_space<vmem>>, vector<16xf32>,
            %add3A_637 = arith.constant 6 : i32
            %add3A_638 = arith.addi %add3A_244, %add3A_637 : i32
            %get3A_639 = arith.index_cast %add3A_638 : i32 to index
            %get3A_640 = arith.constant 0 : index
            %get3A_641 = tpu.vector_load %arg7[%get3A_639, %get3A_640] {strides = array<i32>} : memref<320x128xf32, #tpu.memory_space<vmem>>, vector<16xf32>,
            %add3A_642 = arith.constant 6 : i32
            %add3A_643 = arith.addi %add3A_244, %add3A_642 : i32
            %get3A_644 = arith.index_cast %add3A_643 : i32 to index
            %get3A_645 = arith.constant 16 : index
            %get3A_646 = tpu.vector_load %arg7[%get3A_644, %get3A_645] {strides = array<i32>} : memref<320x128xf32, #tpu.memory_space<vmem>>, vector<16xf32>,
            %add3A_647 = arith.constant 6 : i32
            %add3A_648 = arith.addi %add3A_244, %add3A_647 : i32
            %get3A_649 = arith.index_cast %add3A_648 : i32 to index
            %get3A_650 = arith.constant 32 : index
            %get3A_651 = tpu.vector_load %arg7[%get3A_649, %get3A_650] {strides = array<i32>} : memref<320x128xf32, #tpu.memory_space<vmem>>, vector<16xf32>,
            %add3A_652 = arith.constant 6 : i32
            %add3A_653 = arith.addi %add3A_244, %add3A_652 : i32
            %get3A_654 = arith.index_cast %add3A_653 : i32 to index
            %get3A_655 = arith.constant 48 : index
            %get3A_656 = tpu.vector_load %arg7[%get3A_654, %get3A_655] {strides = array<i32>} : memref<320x128xf32, #tpu.memory_space<vmem>>, vector<16xf32>,
            %add3A_657 = arith.constant 6 : i32
            %add3A_658 = arith.addi %add3A_244, %add3A_657 : i32
            %get3A_659 = arith.index_cast %add3A_658 : i32 to index
            %get3A_660 = arith.constant 64 : index
            %get3A_661 = tpu.vector_load %arg7[%get3A_659, %get3A_660] {strides = array<i32>} : memref<320x128xf32, #tpu.memory_space<vmem>>, vector<16xf32>,
            %add3A_662 = arith.constant 6 : i32
            %add3A_663 = arith.addi %add3A_244, %add3A_662 : i32
            %get3A_664 = arith.index_cast %add3A_663 : i32 to index
            %get3A_665 = arith.constant 80 : index
            %get3A_666 = tpu.vector_load %arg7[%get3A_664, %get3A_665] {strides = array<i32>} : memref<320x128xf32, #tpu.memory_space<vmem>>, vector<16xf32>,
            %add3A_667 = arith.constant 6 : i32
            %add3A_668 = arith.addi %add3A_244, %add3A_667 : i32
            %get3A_669 = arith.index_cast %add3A_668 : i32 to index
            %get3A_670 = arith.constant 96 : index
            %get3A_671 = tpu.vector_load %arg7[%get3A_669, %get3A_670] {strides = array<i32>} : memref<320x128xf32, #tpu.memory_space<vmem>>, vector<16xf32>,
            %add3A_672 = arith.constant 6 : i32
            %add3A_673 = arith.addi %add3A_244, %add3A_672 : i32
            %get3A_674 = arith.index_cast %add3A_673 : i32 to index
            %get3A_675 = arith.constant 112 : index
            %get3A_676 = tpu.vector_load %arg7[%get3A_674, %get3A_675] {strides = array<i32>} : memref<320x128xf32, #tpu.memory_space<vmem>>, vector<16xf32>,
            %mul3A_677 = arith.mulf %get3A_641, %get3A_1 : vector<16xf32>
            %mul3A_678 = arith.mulf %get3A_661, %get3A_9 : vector<16xf32>
            %mul3A_679 = arith.mulf %get3A_646, %get3A_3 : vector<16xf32>
            %add3A_680 = arith.addf %mul3A_677, %mul3A_679 : vector<16xf32>
            %mul3A_681 = arith.mulf %get3A_651, %get3A_5 : vector<16xf32>
            %add3A_682 = arith.addf %add3A_680, %mul3A_681 : vector<16xf32>
            %mul3A_683 = arith.mulf %get3A_656, %get3A_7 : vector<16xf32>
            %add3A_684 = arith.addf %add3A_682, %mul3A_683 : vector<16xf32>
            %mul3A_685 = arith.mulf %get3A_666, %get3A_11 : vector<16xf32>
            %add3A_686 = arith.addf %mul3A_678, %mul3A_685 : vector<16xf32>
            %mul3A_687 = arith.mulf %get3A_671, %get3A_13 : vector<16xf32>
            %add3A_688 = arith.addf %add3A_686, %mul3A_687 : vector<16xf32>
            %mul3A_689 = arith.mulf %get3A_676, %get3A_15 : vector<16xf32>
            %add3A_690 = arith.addf %add3A_688, %mul3A_689 : vector<16xf32>
            %add3A_691 = arith.addf %add3A_684, %add3A_690 : vector<16xf32>
            %swap3A_692 = arith.constant 96 : index
            %swap3A_693 = tpu.vector_load %arg13[%swap3A_692] {strides = array<i32>} : memref<256xf32, #tpu.memory_space<vmem>>, vector<16xf32>,
            tpu.vector_store %arg13[%swap3A_692], %add3A_691 {strides = array<i32>} : memref<256xf32, #tpu.memory_space<vmem>>, vector<16xf32>,
            %add3A_694 = arith.constant 7 : i32
            %add3A_695 = arith.addi %add3A_244, %add3A_694 : i32
            %get3A_696 = arith.index_cast %add3A_695 : i32 to index
            %get3A_697 = arith.constant 0 : index
            %get3A_698 = tpu.vector_load %arg7[%get3A_696, %get3A_697] {strides = array<i32>} : memref<320x128xf32, #tpu.memory_space<vmem>>, vector<16xf32>,
            %add3A_699 = arith.constant 7 : i32
            %add3A_700 = arith.addi %add3A_244, %add3A_699 : i32
            %get3A_701 = arith.index_cast %add3A_700 : i32 to index
            %get3A_702 = arith.constant 16 : index
            %get3A_703 = tpu.vector_load %arg7[%get3A_701, %get3A_702] {strides = array<i32>} : memref<320x128xf32, #tpu.memory_space<vmem>>, vector<16xf32>,
            %add3A_704 = arith.constant 7 : i32
            %add3A_705 = arith.addi %add3A_244, %add3A_704 : i32
            %get3A_706 = arith.index_cast %add3A_705 : i32 to index
            %get3A_707 = arith.constant 32 : index
            %get3A_708 = tpu.vector_load %arg7[%get3A_706, %get3A_707] {strides = array<i32>} : memref<320x128xf32, #tpu.memory_space<vmem>>, vector<16xf32>,
            %add3A_709 = arith.constant 7 : i32
            %add3A_710 = arith.addi %add3A_244, %add3A_709 : i32
            %get3A_711 = arith.index_cast %add3A_710 : i32 to index
            %get3A_712 = arith.constant 48 : index
            %get3A_713 = tpu.vector_load %arg7[%get3A_711, %get3A_712] {strides = array<i32>} : memref<320x128xf32, #tpu.memory_space<vmem>>, vector<16xf32>,
            %add3A_714 = arith.constant 7 : i32
            %add3A_715 = arith.addi %add3A_244, %add3A_714 : i32
            %get3A_716 = arith.index_cast %add3A_715 : i32 to index
            %get3A_717 = arith.constant 64 : index
            %get3A_718 = tpu.vector_load %arg7[%get3A_716, %get3A_717] {strides = array<i32>} : memref<320x128xf32, #tpu.memory_space<vmem>>, vector<16xf32>,
            %add3A_719 = arith.constant 7 : i32
            %add3A_720 = arith.addi %add3A_244, %add3A_719 : i32
            %get3A_721 = arith.index_cast %add3A_720 : i32 to index
            %get3A_722 = arith.constant 80 : index
            %get3A_723 = tpu.vector_load %arg7[%get3A_721, %get3A_722] {strides = array<i32>} : memref<320x128xf32, #tpu.memory_space<vmem>>, vector<16xf32>,
            %add3A_724 = arith.constant 7 : i32
            %add3A_725 = arith.addi %add3A_244, %add3A_724 : i32
            %get3A_726 = arith.index_cast %add3A_725 : i32 to index
            %get3A_727 = arith.constant 96 : index
            %get3A_728 = tpu.vector_load %arg7[%get3A_726, %get3A_727] {strides = array<i32>} : memref<320x128xf32, #tpu.memory_space<vmem>>, vector<16xf32>,
            %add3A_729 = arith.constant 7 : i32
            %add3A_730 = arith.addi %add3A_244, %add3A_729 : i32
            %get3A_731 = arith.index_cast %add3A_730 : i32 to index
            %get3A_732 = arith.constant 112 : index
            %get3A_733 = tpu.vector_load %arg7[%get3A_731, %get3A_732] {strides = array<i32>} : memref<320x128xf32, #tpu.memory_space<vmem>>, vector<16xf32>,
            %mul3A_734 = arith.mulf %get3A_698, %get3A_1 : vector<16xf32>
            %mul3A_735 = arith.mulf %get3A_718, %get3A_9 : vector<16xf32>
            %mul3A_736 = arith.mulf %get3A_703, %get3A_3 : vector<16xf32>
            %add3A_737 = arith.addf %mul3A_734, %mul3A_736 : vector<16xf32>
            %mul3A_738 = arith.mulf %get3A_708, %get3A_5 : vector<16xf32>
            %add3A_739 = arith.addf %add3A_737, %mul3A_738 : vector<16xf32>
            %mul3A_740 = arith.mulf %get3A_713, %get3A_7 : vector<16xf32>
            %add3A_741 = arith.addf %add3A_739, %mul3A_740 : vector<16xf32>
            %mul3A_742 = arith.mulf %get3A_723, %get3A_11 : vector<16xf32>
            %add3A_743 = arith.addf %mul3A_735, %mul3A_742 : vector<16xf32>
            %mul3A_744 = arith.mulf %get3A_728, %get3A_13 : vector<16xf32>
            %add3A_745 = arith.addf %add3A_743, %mul3A_744 : vector<16xf32>
            %mul3A_746 = arith.mulf %get3A_733, %get3A_15 : vector<16xf32>
            %add3A_747 = arith.addf %add3A_745, %mul3A_746 : vector<16xf32>
            %add3A_748 = arith.addf %add3A_741, %add3A_747 : vector<16xf32>
            %swap3A_749 = arith.constant 112 : index
            %swap3A_750 = tpu.vector_load %arg13[%swap3A_749] {strides = array<i32>} : memref<256xf32, #tpu.memory_space<vmem>>, vector<16xf32>,
            tpu.vector_store %arg13[%swap3A_749], %add3A_748 {strides = array<i32>} : memref<256xf32, #tpu.memory_space<vmem>>, vector<16xf32>,
            %add3A_751 = arith.constant 8 : i32
            %add3A_752 = arith.addi %add3A_244, %add3A_751 : i32
            %get3A_753 = arith.index_cast %add3A_752 : i32 to index
            %get3A_754 = arith.constant 0 : index
            %get3A_755 = tpu.vector_load %arg7[%get3A_753, %get3A_754] {strides = array<i32>} : memref<320x128xf32, #tpu.memory_space<vmem>>, vector<16xf32>,
            %add3A_756 = arith.constant 8 : i32
            %add3A_757 = arith.addi %add3A_244, %add3A_756 : i32
            %get3A_758 = arith.index_cast %add3A_757 : i32 to index
            %get3A_759 = arith.constant 16 : index
            %get3A_760 = tpu.vector_load %arg7[%get3A_758, %get3A_759] {strides = array<i32>} : memref<320x128xf32, #tpu.memory_space<vmem>>, vector<16xf32>,
            %add3A_761 = arith.constant 8 : i32
            %add3A_762 = arith.addi %add3A_244, %add3A_761 : i32
            %get3A_763 = arith.index_cast %add3A_762 : i32 to index
            %get3A_764 = arith.constant 32 : index
            %get3A_765 = tpu.vector_load %arg7[%get3A_763, %get3A_764] {strides = array<i32>} : memref<320x128xf32, #tpu.memory_space<vmem>>, vector<16xf32>,
            %add3A_766 = arith.constant 8 : i32
            %add3A_767 = arith.addi %add3A_244, %add3A_766 : i32
            %get3A_768 = arith.index_cast %add3A_767 : i32 to index
            %get3A_769 = arith.constant 48 : index
            %get3A_770 = tpu.vector_load %arg7[%get3A_768, %get3A_769] {strides = array<i32>} : memref<320x128xf32, #tpu.memory_space<vmem>>, vector<16xf32>,
            %add3A_771 = arith.constant 8 : i32
            %add3A_772 = arith.addi %add3A_244, %add3A_771 : i32
            %get3A_773 = arith.index_cast %add3A_772 : i32 to index
            %get3A_774 = arith.constant 64 : index
            %get3A_775 = tpu.vector_load %arg7[%get3A_773, %get3A_774] {strides = array<i32>} : memref<320x128xf32, #tpu.memory_space<vmem>>, vector<16xf32>,
            %add3A_776 = arith.constant 8 : i32
            %add3A_777 = arith.addi %add3A_244, %add3A_776 : i32
            %get3A_778 = arith.index_cast %add3A_777 : i32 to index
            %get3A_779 = arith.constant 80 : index
            %get3A_780 = tpu.vector_load %arg7[%get3A_778, %get3A_779] {strides = array<i32>} : memref<320x128xf32, #tpu.memory_space<vmem>>, vector<16xf32>,
            %add3A_781 = arith.constant 8 : i32
            %add3A_782 = arith.addi %add3A_244, %add3A_781 : i32
            %get3A_783 = arith.index_cast %add3A_782 : i32 to index
            %get3A_784 = arith.constant 96 : index
            %get3A_785 = tpu.vector_load %arg7[%get3A_783, %get3A_784] {strides = array<i32>} : memref<320x128xf32, #tpu.memory_space<vmem>>, vector<16xf32>,
            %add3A_786 = arith.constant 8 : i32
            %add3A_787 = arith.addi %add3A_244, %add3A_786 : i32
            %get3A_788 = arith.index_cast %add3A_787 : i32 to index
            %get3A_789 = arith.constant 112 : index
            %get3A_790 = tpu.vector_load %arg7[%get3A_788, %get3A_789] {strides = array<i32>} : memref<320x128xf32, #tpu.memory_space<vmem>>, vector<16xf32>,
            %mul3A_791 = arith.mulf %get3A_755, %get3A_1 : vector<16xf32>
            %mul3A_792 = arith.mulf %get3A_775, %get3A_9 : vector<16xf32>
            %mul3A_793 = arith.mulf %get3A_760, %get3A_3 : vector<16xf32>
            %add3A_794 = arith.addf %mul3A_791, %mul3A_793 : vector<16xf32>
            %mul3A_795 = arith.mulf %get3A_765, %get3A_5 : vector<16xf32>
            %add3A_796 = arith.addf %add3A_794, %mul3A_795 : vector<16xf32>
            %mul3A_797 = arith.mulf %get3A_770, %get3A_7 : vector<16xf32>
            %add3A_798 = arith.addf %add3A_796, %mul3A_797 : vector<16xf32>
            %mul3A_799 = arith.mulf %get3A_780, %get3A_11 : vector<16xf32>
            %add3A_800 = arith.addf %mul3A_792, %mul3A_799 : vector<16xf32>
            %mul3A_801 = arith.mulf %get3A_785, %get3A_13 : vector<16xf32>
            %add3A_802 = arith.addf %add3A_800, %mul3A_801 : vector<16xf32>
            %mul3A_803 = arith.mulf %get3A_790, %get3A_15 : vector<16xf32>
            %add3A_804 = arith.addf %add3A_802, %mul3A_803 : vector<16xf32>
            %add3A_805 = arith.addf %add3A_798, %add3A_804 : vector<16xf32>
            %swap3A_806 = arith.constant 128 : index
            %swap3A_807 = tpu.vector_load %arg13[%swap3A_806] {strides = array<i32>} : memref<256xf32, #tpu.memory_space<vmem>>, vector<16xf32>,
            tpu.vector_store %arg13[%swap3A_806], %add3A_805 {strides = array<i32>} : memref<256xf32, #tpu.memory_space<vmem>>, vector<16xf32>,
            %add3A_808 = arith.constant 9 : i32
            %add3A_809 = arith.addi %add3A_244, %add3A_808 : i32
            %get3A_810 = arith.index_cast %add3A_809 : i32 to index
            %get3A_811 = arith.constant 0 : index
            %get3A_812 = tpu.vector_load %arg7[%get3A_810, %get3A_811] {strides = array<i32>} : memref<320x128xf32, #tpu.memory_space<vmem>>, vector<16xf32>,
            %add3A_813 = arith.constant 9 : i32
            %add3A_814 = arith.addi %add3A_244, %add3A_813 : i32
            %get3A_815 = arith.index_cast %add3A_814 : i32 to index
            %get3A_816 = arith.constant 16 : index
            %get3A_817 = tpu.vector_load %arg7[%get3A_815, %get3A_816] {strides = array<i32>} : memref<320x128xf32, #tpu.memory_space<vmem>>, vector<16xf32>,
            %add3A_818 = arith.constant 9 : i32
            %add3A_819 = arith.addi %add3A_244, %add3A_818 : i32
            %get3A_820 = arith.index_cast %add3A_819 : i32 to index
            %get3A_821 = arith.constant 32 : index
            %get3A_822 = tpu.vector_load %arg7[%get3A_820, %get3A_821] {strides = array<i32>} : memref<320x128xf32, #tpu.memory_space<vmem>>, vector<16xf32>,
            %add3A_823 = arith.constant 9 : i32
            %add3A_824 = arith.addi %add3A_244, %add3A_823 : i32
            %get3A_825 = arith.index_cast %add3A_824 : i32 to index
            %get3A_826 = arith.constant 48 : index
            %get3A_827 = tpu.vector_load %arg7[%get3A_825, %get3A_826] {strides = array<i32>} : memref<320x128xf32, #tpu.memory_space<vmem>>, vector<16xf32>,
            %add3A_828 = arith.constant 9 : i32
            %add3A_829 = arith.addi %add3A_244, %add3A_828 : i32
            %get3A_830 = arith.index_cast %add3A_829 : i32 to index
            %get3A_831 = arith.constant 64 : index
            %get3A_832 = tpu.vector_load %arg7[%get3A_830, %get3A_831] {strides = array<i32>} : memref<320x128xf32, #tpu.memory_space<vmem>>, vector<16xf32>,
            %add3A_833 = arith.constant 9 : i32
            %add3A_834 = arith.addi %add3A_244, %add3A_833 : i32
            %get3A_835 = arith.index_cast %add3A_834 : i32 to index
            %get3A_836 = arith.constant 80 : index
            %get3A_837 = tpu.vector_load %arg7[%get3A_835, %get3A_836] {strides = array<i32>} : memref<320x128xf32, #tpu.memory_space<vmem>>, vector<16xf32>,
            %add3A_838 = arith.constant 9 : i32
            %add3A_839 = arith.addi %add3A_244, %add3A_838 : i32
            %get3A_840 = arith.index_cast %add3A_839 : i32 to index
            %get3A_841 = arith.constant 96 : index
            %get3A_842 = tpu.vector_load %arg7[%get3A_840, %get3A_841] {strides = array<i32>} : memref<320x128xf32, #tpu.memory_space<vmem>>, vector<16xf32>,
            %add3A_843 = arith.constant 9 : i32
            %add3A_844 = arith.addi %add3A_244, %add3A_843 : i32
            %get3A_845 = arith.index_cast %add3A_844 : i32 to index
            %get3A_846 = arith.constant 112 : index
            %get3A_847 = tpu.vector_load %arg7[%get3A_845, %get3A_846] {strides = array<i32>} : memref<320x128xf32, #tpu.memory_space<vmem>>, vector<16xf32>,
            %mul3A_848 = arith.mulf %get3A_812, %get3A_1 : vector<16xf32>
            %mul3A_849 = arith.mulf %get3A_832, %get3A_9 : vector<16xf32>
            %mul3A_850 = arith.mulf %get3A_817, %get3A_3 : vector<16xf32>
            %add3A_851 = arith.addf %mul3A_848, %mul3A_850 : vector<16xf32>
            %mul3A_852 = arith.mulf %get3A_822, %get3A_5 : vector<16xf32>
            %add3A_853 = arith.addf %add3A_851, %mul3A_852 : vector<16xf32>
            %mul3A_854 = arith.mulf %get3A_827, %get3A_7 : vector<16xf32>
            %add3A_855 = arith.addf %add3A_853, %mul3A_854 : vector<16xf32>
            %mul3A_856 = arith.mulf %get3A_837, %get3A_11 : vector<16xf32>
            %add3A_857 = arith.addf %mul3A_849, %mul3A_856 : vector<16xf32>
            %mul3A_858 = arith.mulf %get3A_842, %get3A_13 : vector<16xf32>
            %add3A_859 = arith.addf %add3A_857, %mul3A_858 : vector<16xf32>
            %mul3A_860 = arith.mulf %get3A_847, %get3A_15 : vector<16xf32>
            %add3A_861 = arith.addf %add3A_859, %mul3A_860 : vector<16xf32>
            %add3A_862 = arith.addf %add3A_855, %add3A_861 : vector<16xf32>
            %swap3A_863 = arith.constant 144 : index
            %swap3A_864 = tpu.vector_load %arg13[%swap3A_863] {strides = array<i32>} : memref<256xf32, #tpu.memory_space<vmem>>, vector<16xf32>,
            tpu.vector_store %arg13[%swap3A_863], %add3A_862 {strides = array<i32>} : memref<256xf32, #tpu.memory_space<vmem>>, vector<16xf32>,
            %add3A_865 = arith.constant 10 : i32
            %add3A_866 = arith.addi %add3A_244, %add3A_865 : i32
            %get3A_867 = arith.index_cast %add3A_866 : i32 to index
            %get3A_868 = arith.constant 0 : index
            %get3A_869 = tpu.vector_load %arg7[%get3A_867, %get3A_868] {strides = array<i32>} : memref<320x128xf32, #tpu.memory_space<vmem>>, vector<16xf32>,
            %add3A_870 = arith.constant 10 : i32
            %add3A_871 = arith.addi %add3A_244, %add3A_870 : i32
            %get3A_872 = arith.index_cast %add3A_871 : i32 to index
            %get3A_873 = arith.constant 16 : index
            %get3A_874 = tpu.vector_load %arg7[%get3A_872, %get3A_873] {strides = array<i32>} : memref<320x128xf32, #tpu.memory_space<vmem>>, vector<16xf32>,
            %add3A_875 = arith.constant 10 : i32
            %add3A_876 = arith.addi %add3A_244, %add3A_875 : i32
            %get3A_877 = arith.index_cast %add3A_876 : i32 to index
            %get3A_878 = arith.constant 32 : index
            %get3A_879 = tpu.vector_load %arg7[%get3A_877, %get3A_878] {strides = array<i32>} : memref<320x128xf32, #tpu.memory_space<vmem>>, vector<16xf32>,
            %add3A_880 = arith.constant 10 : i32
            %add3A_881 = arith.addi %add3A_244, %add3A_880 : i32
            %get3A_882 = arith.index_cast %add3A_881 : i32 to index
            %get3A_883 = arith.constant 48 : index
            %get3A_884 = tpu.vector_load %arg7[%get3A_882, %get3A_883] {strides = array<i32>} : memref<320x128xf32, #tpu.memory_space<vmem>>, vector<16xf32>,
            %add3A_885 = arith.constant 10 : i32
            %add3A_886 = arith.addi %add3A_244, %add3A_885 : i32
            %get3A_887 = arith.index_cast %add3A_886 : i32 to index
            %get3A_888 = arith.constant 64 : index
            %get3A_889 = tpu.vector_load %arg7[%get3A_887, %get3A_888] {strides = array<i32>} : memref<320x128xf32, #tpu.memory_space<vmem>>, vector<16xf32>,
            %add3A_890 = arith.constant 10 : i32
            %add3A_891 = arith.addi %add3A_244, %add3A_890 : i32
            %get3A_892 = arith.index_cast %add3A_891 : i32 to index
            %get3A_893 = arith.constant 80 : index
            %get3A_894 = tpu.vector_load %arg7[%get3A_892, %get3A_893] {strides = array<i32>} : memref<320x128xf32, #tpu.memory_space<vmem>>, vector<16xf32>,
            %add3A_895 = arith.constant 10 : i32
            %add3A_896 = arith.addi %add3A_244, %add3A_895 : i32
            %get3A_897 = arith.index_cast %add3A_896 : i32 to index
            %get3A_898 = arith.constant 96 : index
            %get3A_899 = tpu.vector_load %arg7[%get3A_897, %get3A_898] {strides = array<i32>} : memref<320x128xf32, #tpu.memory_space<vmem>>, vector<16xf32>,
            %add3A_900 = arith.constant 10 : i32
            %add3A_901 = arith.addi %add3A_244, %add3A_900 : i32
            %get3A_902 = arith.index_cast %add3A_901 : i32 to index
            %get3A_903 = arith.constant 112 : index
            %get3A_904 = tpu.vector_load %arg7[%get3A_902, %get3A_903] {strides = array<i32>} : memref<320x128xf32, #tpu.memory_space<vmem>>, vector<16xf32>,
            %mul3A_905 = arith.mulf %get3A_869, %get3A_1 : vector<16xf32>
            %mul3A_906 = arith.mulf %get3A_889, %get3A_9 : vector<16xf32>
            %mul3A_907 = arith.mulf %get3A_874, %get3A_3 : vector<16xf32>
            %add3A_908 = arith.addf %mul3A_905, %mul3A_907 : vector<16xf32>
            %mul3A_909 = arith.mulf %get3A_879, %get3A_5 : vector<16xf32>
            %add3A_910 = arith.addf %add3A_908, %mul3A_909 : vector<16xf32>
            %mul3A_911 = arith.mulf %get3A_884, %get3A_7 : vector<16xf32>
            %add3A_912 = arith.addf %add3A_910, %mul3A_911 : vector<16xf32>
            %mul3A_913 = arith.mulf %get3A_894, %get3A_11 : vector<16xf32>
            %add3A_914 = arith.addf %mul3A_906, %mul3A_913 : vector<16xf32>
            %mul3A_915 = arith.mulf %get3A_899, %get3A_13 : vector<16xf32>
            %add3A_916 = arith.addf %add3A_914, %mul3A_915 : vector<16xf32>
            %mul3A_917 = arith.mulf %get3A_904, %get3A_15 : vector<16xf32>
            %add3A_918 = arith.addf %add3A_916, %mul3A_917 : vector<16xf32>
            %add3A_919 = arith.addf %add3A_912, %add3A_918 : vector<16xf32>
            %swap3A_920 = arith.constant 160 : index
            %swap3A_921 = tpu.vector_load %arg13[%swap3A_920] {strides = array<i32>} : memref<256xf32, #tpu.memory_space<vmem>>, vector<16xf32>,
            tpu.vector_store %arg13[%swap3A_920], %add3A_919 {strides = array<i32>} : memref<256xf32, #tpu.memory_space<vmem>>, vector<16xf32>,
            %add3A_922 = arith.constant 11 : i32
            %add3A_923 = arith.addi %add3A_244, %add3A_922 : i32
            %get3A_924 = arith.index_cast %add3A_923 : i32 to index
            %get3A_925 = arith.constant 0 : index
            %get3A_926 = tpu.vector_load %arg7[%get3A_924, %get3A_925] {strides = array<i32>} : memref<320x128xf32, #tpu.memory_space<vmem>>, vector<16xf32>,
            %add3A_927 = arith.constant 11 : i32
            %add3A_928 = arith.addi %add3A_244, %add3A_927 : i32
            %get3A_929 = arith.index_cast %add3A_928 : i32 to index
            %get3A_930 = arith.constant 16 : index
            %get3A_931 = tpu.vector_load %arg7[%get3A_929, %get3A_930] {strides = array<i32>} : memref<320x128xf32, #tpu.memory_space<vmem>>, vector<16xf32>,
            %add3A_932 = arith.constant 11 : i32
            %add3A_933 = arith.addi %add3A_244, %add3A_932 : i32
            %get3A_934 = arith.index_cast %add3A_933 : i32 to index
            %get3A_935 = arith.constant 32 : index
            %get3A_936 = tpu.vector_load %arg7[%get3A_934, %get3A_935] {strides = array<i32>} : memref<320x128xf32, #tpu.memory_space<vmem>>, vector<16xf32>,
            %add3A_937 = arith.constant 11 : i32
            %add3A_938 = arith.addi %add3A_244, %add3A_937 : i32
            %get3A_939 = arith.index_cast %add3A_938 : i32 to index
            %get3A_940 = arith.constant 48 : index
            %get3A_941 = tpu.vector_load %arg7[%get3A_939, %get3A_940] {strides = array<i32>} : memref<320x128xf32, #tpu.memory_space<vmem>>, vector<16xf32>,
            %add3A_942 = arith.constant 11 : i32
            %add3A_943 = arith.addi %add3A_244, %add3A_942 : i32
            %get3A_944 = arith.index_cast %add3A_943 : i32 to index
            %get3A_945 = arith.constant 64 : index
            %get3A_946 = tpu.vector_load %arg7[%get3A_944, %get3A_945] {strides = array<i32>} : memref<320x128xf32, #tpu.memory_space<vmem>>, vector<16xf32>,
            %add3A_947 = arith.constant 11 : i32
            %add3A_948 = arith.addi %add3A_244, %add3A_947 : i32
            %get3A_949 = arith.index_cast %add3A_948 : i32 to index
            %get3A_950 = arith.constant 80 : index
            %get3A_951 = tpu.vector_load %arg7[%get3A_949, %get3A_950] {strides = array<i32>} : memref<320x128xf32, #tpu.memory_space<vmem>>, vector<16xf32>,
            %add3A_952 = arith.constant 11 : i32
            %add3A_953 = arith.addi %add3A_244, %add3A_952 : i32
            %get3A_954 = arith.index_cast %add3A_953 : i32 to index
            %get3A_955 = arith.constant 96 : index
            %get3A_956 = tpu.vector_load %arg7[%get3A_954, %get3A_955] {strides = array<i32>} : memref<320x128xf32, #tpu.memory_space<vmem>>, vector<16xf32>,
            %add3A_957 = arith.constant 11 : i32
            %add3A_958 = arith.addi %add3A_244, %add3A_957 : i32
            %get3A_959 = arith.index_cast %add3A_958 : i32 to index
            %get3A_960 = arith.constant 112 : index
            %get3A_961 = tpu.vector_load %arg7[%get3A_959, %get3A_960] {strides = array<i32>} : memref<320x128xf32, #tpu.memory_space<vmem>>, vector<16xf32>,
            %mul3A_962 = arith.mulf %get3A_926, %get3A_1 : vector<16xf32>
            %mul3A_963 = arith.mulf %get3A_946, %get3A_9 : vector<16xf32>
            %mul3A_964 = arith.mulf %get3A_931, %get3A_3 : vector<16xf32>
            %add3A_965 = arith.addf %mul3A_962, %mul3A_964 : vector<16xf32>
            %mul3A_966 = arith.mulf %get3A_936, %get3A_5 : vector<16xf32>
            %add3A_967 = arith.addf %add3A_965, %mul3A_966 : vector<16xf32>
            %mul3A_968 = arith.mulf %get3A_941, %get3A_7 : vector<16xf32>
            %add3A_969 = arith.addf %add3A_967, %mul3A_968 : vector<16xf32>
            %mul3A_970 = arith.mulf %get3A_951, %get3A_11 : vector<16xf32>
            %add3A_971 = arith.addf %mul3A_963, %mul3A_970 : vector<16xf32>
            %mul3A_972 = arith.mulf %get3A_956, %get3A_13 : vector<16xf32>
            %add3A_973 = arith.addf %add3A_971, %mul3A_972 : vector<16xf32>
            %mul3A_974 = arith.mulf %get3A_961, %get3A_15 : vector<16xf32>
            %add3A_975 = arith.addf %add3A_973, %mul3A_974 : vector<16xf32>
            %add3A_976 = arith.addf %add3A_969, %add3A_975 : vector<16xf32>
            %swap3A_977 = arith.constant 176 : index
            %swap3A_978 = tpu.vector_load %arg13[%swap3A_977] {strides = array<i32>} : memref<256xf32, #tpu.memory_space<vmem>>, vector<16xf32>,
            tpu.vector_store %arg13[%swap3A_977], %add3A_976 {strides = array<i32>} : memref<256xf32, #tpu.memory_space<vmem>>, vector<16xf32>,
            %add3A_979 = arith.constant 12 : i32
            %add3A_980 = arith.addi %add3A_244, %add3A_979 : i32
            %get3A_981 = arith.index_cast %add3A_980 : i32 to index
            %get3A_982 = arith.constant 0 : index
            %get3A_983 = tpu.vector_load %arg7[%get3A_981, %get3A_982] {strides = array<i32>} : memref<320x128xf32, #tpu.memory_space<vmem>>, vector<16xf32>,
            %add3A_984 = arith.constant 12 : i32
            %add3A_985 = arith.addi %add3A_244, %add3A_984 : i32
            %get3A_986 = arith.index_cast %add3A_985 : i32 to index
            %get3A_987 = arith.constant 16 : index
            %get3A_988 = tpu.vector_load %arg7[%get3A_986, %get3A_987] {strides = array<i32>} : memref<320x128xf32, #tpu.memory_space<vmem>>, vector<16xf32>,
            %add3A_989 = arith.constant 12 : i32
            %add3A_990 = arith.addi %add3A_244, %add3A_989 : i32
            %get3A_991 = arith.index_cast %add3A_990 : i32 to index
            %get3A_992 = arith.constant 32 : index
            %get3A_993 = tpu.vector_load %arg7[%get3A_991, %get3A_992] {strides = array<i32>} : memref<320x128xf32, #tpu.memory_space<vmem>>, vector<16xf32>,
            %add3A_994 = arith.constant 12 : i32
            %add3A_995 = arith.addi %add3A_244, %add3A_994 : i32
            %get3A_996 = arith.index_cast %add3A_995 : i32 to index
            %get3A_997 = arith.constant 48 : index
            %get3A_998 = tpu.vector_load %arg7[%get3A_996, %get3A_997] {strides = array<i32>} : memref<320x128xf32, #tpu.memory_space<vmem>>, vector<16xf32>,
            %add3A_999 = arith.constant 12 : i32
            %add3A_1000 = arith.addi %add3A_244, %add3A_999 : i32
            %get3A_1001 = arith.index_cast %add3A_1000 : i32 to index
            %get3A_1002 = arith.constant 64 : index
            %get3A_1003 = tpu.vector_load %arg7[%get3A_1001, %get3A_1002] {strides = array<i32>} : memref<320x128xf32, #tpu.memory_space<vmem>>, vector<16xf32>,
            %add3A_1004 = arith.constant 12 : i32
            %add3A_1005 = arith.addi %add3A_244, %add3A_1004 : i32
            %get3A_1006 = arith.index_cast %add3A_1005 : i32 to index
            %get3A_1007 = arith.constant 80 : index
            %get3A_1008 = tpu.vector_load %arg7[%get3A_1006, %get3A_1007] {strides = array<i32>} : memref<320x128xf32, #tpu.memory_space<vmem>>, vector<16xf32>,
            %add3A_1009 = arith.constant 12 : i32
            %add3A_1010 = arith.addi %add3A_244, %add3A_1009 : i32
            %get3A_1011 = arith.index_cast %add3A_1010 : i32 to index
            %get3A_1012 = arith.constant 96 : index
            %get3A_1013 = tpu.vector_load %arg7[%get3A_1011, %get3A_1012] {strides = array<i32>} : memref<320x128xf32, #tpu.memory_space<vmem>>, vector<16xf32>,
            %add3A_1014 = arith.constant 12 : i32
            %add3A_1015 = arith.addi %add3A_244, %add3A_1014 : i32
            %get3A_1016 = arith.index_cast %add3A_1015 : i32 to index
            %get3A_1017 = arith.constant 112 : index
            %get3A_1018 = tpu.vector_load %arg7[%get3A_1016, %get3A_1017] {strides = array<i32>} : memref<320x128xf32, #tpu.memory_space<vmem>>, vector<16xf32>,
            %mul3A_1019 = arith.mulf %get3A_983, %get3A_1 : vector<16xf32>
            %mul3A_1020 = arith.mulf %get3A_1003, %get3A_9 : vector<16xf32>
            %mul3A_1021 = arith.mulf %get3A_988, %get3A_3 : vector<16xf32>
            %add3A_1022 = arith.addf %mul3A_1019, %mul3A_1021 : vector<16xf32>
            %mul3A_1023 = arith.mulf %get3A_993, %get3A_5 : vector<16xf32>
            %add3A_1024 = arith.addf %add3A_1022, %mul3A_1023 : vector<16xf32>
            %mul3A_1025 = arith.mulf %get3A_998, %get3A_7 : vector<16xf32>
            %add3A_1026 = arith.addf %add3A_1024, %mul3A_1025 : vector<16xf32>
            %mul3A_1027 = arith.mulf %get3A_1008, %get3A_11 : vector<16xf32>
            %add3A_1028 = arith.addf %mul3A_1020, %mul3A_1027 : vector<16xf32>
            %mul3A_1029 = arith.mulf %get3A_1013, %get3A_13 : vector<16xf32>
            %add3A_1030 = arith.addf %add3A_1028, %mul3A_1029 : vector<16xf32>
            %mul3A_1031 = arith.mulf %get3A_1018, %get3A_15 : vector<16xf32>
            %add3A_1032 = arith.addf %add3A_1030, %mul3A_1031 : vector<16xf32>
            %add3A_1033 = arith.addf %add3A_1026, %add3A_1032 : vector<16xf32>
            %swap3A_1034 = arith.constant 192 : index
            %swap3A_1035 = tpu.vector_load %arg13[%swap3A_1034] {strides = array<i32>} : memref<256xf32, #tpu.memory_space<vmem>>, vector<16xf32>,
            tpu.vector_store %arg13[%swap3A_1034], %add3A_1033 {strides = array<i32>} : memref<256xf32, #tpu.memory_space<vmem>>, vector<16xf32>,
            %add3A_1036 = arith.constant 13 : i32
            %add3A_1037 = arith.addi %add3A_244, %add3A_1036 : i32
            %get3A_1038 = arith.index_cast %add3A_1037 : i32 to index
            %get3A_1039 = arith.constant 0 : index
            %get3A_1040 = tpu.vector_load %arg7[%get3A_1038, %get3A_1039] {strides = array<i32>} : memref<320x128xf32, #tpu.memory_space<vmem>>, vector<16xf32>,
            %add3A_1041 = arith.constant 13 : i32
            %add3A_1042 = arith.addi %add3A_244, %add3A_1041 : i32
            %get3A_1043 = arith.index_cast %add3A_1042 : i32 to index
            %get3A_1044 = arith.constant 16 : index
            %get3A_1045 = tpu.vector_load %arg7[%get3A_1043, %get3A_1044] {strides = array<i32>} : memref<320x128xf32, #tpu.memory_space<vmem>>, vector<16xf32>,
            %add3A_1046 = arith.constant 13 : i32
            %add3A_1047 = arith.addi %add3A_244, %add3A_1046 : i32
            %get3A_1048 = arith.index_cast %add3A_1047 : i32 to index
            %get3A_1049 = arith.constant 32 : index
            %get3A_1050 = tpu.vector_load %arg7[%get3A_1048, %get3A_1049] {strides = array<i32>} : memref<320x128xf32, #tpu.memory_space<vmem>>, vector<16xf32>,
            %add3A_1051 = arith.constant 13 : i32
            %add3A_1052 = arith.addi %add3A_244, %add3A_1051 : i32
            %get3A_1053 = arith.index_cast %add3A_1052 : i32 to index
            %get3A_1054 = arith.constant 48 : index
            %get3A_1055 = tpu.vector_load %arg7[%get3A_1053, %get3A_1054] {strides = array<i32>} : memref<320x128xf32, #tpu.memory_space<vmem>>, vector<16xf32>,
            %add3A_1056 = arith.constant 13 : i32
            %add3A_1057 = arith.addi %add3A_244, %add3A_1056 : i32
            %get3A_1058 = arith.index_cast %add3A_1057 : i32 to index
            %get3A_1059 = arith.constant 64 : index
            %get3A_1060 = tpu.vector_load %arg7[%get3A_1058, %get3A_1059] {strides = array<i32>} : memref<320x128xf32, #tpu.memory_space<vmem>>, vector<16xf32>,
            %add3A_1061 = arith.constant 13 : i32
            %add3A_1062 = arith.addi %add3A_244, %add3A_1061 : i32
            %get3A_1063 = arith.index_cast %add3A_1062 : i32 to index
            %get3A_1064 = arith.constant 80 : index
            %get3A_1065 = tpu.vector_load %arg7[%get3A_1063, %get3A_1064] {strides = array<i32>} : memref<320x128xf32, #tpu.memory_space<vmem>>, vector<16xf32>,
            %add3A_1066 = arith.constant 13 : i32
            %add3A_1067 = arith.addi %add3A_244, %add3A_1066 : i32
            %get3A_1068 = arith.index_cast %add3A_1067 : i32 to index
            %get3A_1069 = arith.constant 96 : index
            %get3A_1070 = tpu.vector_load %arg7[%get3A_1068, %get3A_1069] {strides = array<i32>} : memref<320x128xf32, #tpu.memory_space<vmem>>, vector<16xf32>,
            %add3A_1071 = arith.constant 13 : i32
            %add3A_1072 = arith.addi %add3A_244, %add3A_1071 : i32
            %get3A_1073 = arith.index_cast %add3A_1072 : i32 to index
            %get3A_1074 = arith.constant 112 : index
            %get3A_1075 = tpu.vector_load %arg7[%get3A_1073, %get3A_1074] {strides = array<i32>} : memref<320x128xf32, #tpu.memory_space<vmem>>, vector<16xf32>,
            %mul3A_1076 = arith.mulf %get3A_1040, %get3A_1 : vector<16xf32>
            %mul3A_1077 = arith.mulf %get3A_1060, %get3A_9 : vector<16xf32>
            %mul3A_1078 = arith.mulf %get3A_1045, %get3A_3 : vector<16xf32>
            %add3A_1079 = arith.addf %mul3A_1076, %mul3A_1078 : vector<16xf32>
            %mul3A_1080 = arith.mulf %get3A_1050, %get3A_5 : vector<16xf32>
            %add3A_1081 = arith.addf %add3A_1079, %mul3A_1080 : vector<16xf32>
            %mul3A_1082 = arith.mulf %get3A_1055, %get3A_7 : vector<16xf32>
            %add3A_1083 = arith.addf %add3A_1081, %mul3A_1082 : vector<16xf32>
            %mul3A_1084 = arith.mulf %get3A_1065, %get3A_11 : vector<16xf32>
            %add3A_1085 = arith.addf %mul3A_1077, %mul3A_1084 : vector<16xf32>
            %mul3A_1086 = arith.mulf %get3A_1070, %get3A_13 : vector<16xf32>
            %add3A_1087 = arith.addf %add3A_1085, %mul3A_1086 : vector<16xf32>
            %mul3A_1088 = arith.mulf %get3A_1075, %get3A_15 : vector<16xf32>
            %add3A_1089 = arith.addf %add3A_1087, %mul3A_1088 : vector<16xf32>
            %add3A_1090 = arith.addf %add3A_1083, %add3A_1089 : vector<16xf32>
            %swap3A_1091 = arith.constant 208 : index
            %swap3A_1092 = tpu.vector_load %arg13[%swap3A_1091] {strides = array<i32>} : memref<256xf32, #tpu.memory_space<vmem>>, vector<16xf32>,
            tpu.vector_store %arg13[%swap3A_1091], %add3A_1090 {strides = array<i32>} : memref<256xf32, #tpu.memory_space<vmem>>, vector<16xf32>,
            %add3A_1093 = arith.constant 14 : i32
            %add3A_1094 = arith.addi %add3A_244, %add3A_1093 : i32
            %get3A_1095 = arith.index_cast %add3A_1094 : i32 to index
            %get3A_1096 = arith.constant 0 : index
            %get3A_1097 = tpu.vector_load %arg7[%get3A_1095, %get3A_1096] {strides = array<i32>} : memref<320x128xf32, #tpu.memory_space<vmem>>, vector<16xf32>,
            %add3A_1098 = arith.constant 14 : i32
            %add3A_1099 = arith.addi %add3A_244, %add3A_1098 : i32
            %get3A_1100 = arith.index_cast %add3A_1099 : i32 to index
            %get3A_1101 = arith.constant 16 : index
            %get3A_1102 = tpu.vector_load %arg7[%get3A_1100, %get3A_1101] {strides = array<i32>} : memref<320x128xf32, #tpu.memory_space<vmem>>, vector<16xf32>,
            %add3A_1103 = arith.constant 14 : i32
            %add3A_1104 = arith.addi %add3A_244, %add3A_1103 : i32
            %get3A_1105 = arith.index_cast %add3A_1104 : i32 to index
            %get3A_1106 = arith.constant 32 : index
            %get3A_1107 = tpu.vector_load %arg7[%get3A_1105, %get3A_1106] {strides = array<i32>} : memref<320x128xf32, #tpu.memory_space<vmem>>, vector<16xf32>,
            %add3A_1108 = arith.constant 14 : i32
            %add3A_1109 = arith.addi %add3A_244, %add3A_1108 : i32
            %get3A_1110 = arith.index_cast %add3A_1109 : i32 to index
            %get3A_1111 = arith.constant 48 : index
            %get3A_1112 = tpu.vector_load %arg7[%get3A_1110, %get3A_1111] {strides = array<i32>} : memref<320x128xf32, #tpu.memory_space<vmem>>, vector<16xf32>,
            %add3A_1113 = arith.constant 14 : i32
            %add3A_1114 = arith.addi %add3A_244, %add3A_1113 : i32
            %get3A_1115 = arith.index_cast %add3A_1114 : i32 to index
            %get3A_1116 = arith.constant 64 : index
            %get3A_1117 = tpu.vector_load %arg7[%get3A_1115, %get3A_1116] {strides = array<i32>} : memref<320x128xf32, #tpu.memory_space<vmem>>, vector<16xf32>,
            %add3A_1118 = arith.constant 14 : i32
            %add3A_1119 = arith.addi %add3A_244, %add3A_1118 : i32
            %get3A_1120 = arith.index_cast %add3A_1119 : i32 to index
            %get3A_1121 = arith.constant 80 : index
            %get3A_1122 = tpu.vector_load %arg7[%get3A_1120, %get3A_1121] {strides = array<i32>} : memref<320x128xf32, #tpu.memory_space<vmem>>, vector<16xf32>,
            %add3A_1123 = arith.constant 14 : i32
            %add3A_1124 = arith.addi %add3A_244, %add3A_1123 : i32
            %get3A_1125 = arith.index_cast %add3A_1124 : i32 to index
            %get3A_1126 = arith.constant 96 : index
            %get3A_1127 = tpu.vector_load %arg7[%get3A_1125, %get3A_1126] {strides = array<i32>} : memref<320x128xf32, #tpu.memory_space<vmem>>, vector<16xf32>,
            %add3A_1128 = arith.constant 14 : i32
            %add3A_1129 = arith.addi %add3A_244, %add3A_1128 : i32
            %get3A_1130 = arith.index_cast %add3A_1129 : i32 to index
            %get3A_1131 = arith.constant 112 : index
            %get3A_1132 = tpu.vector_load %arg7[%get3A_1130, %get3A_1131] {strides = array<i32>} : memref<320x128xf32, #tpu.memory_space<vmem>>, vector<16xf32>,
            %mul3A_1133 = arith.mulf %get3A_1097, %get3A_1 : vector<16xf32>
            %mul3A_1134 = arith.mulf %get3A_1117, %get3A_9 : vector<16xf32>
            %mul3A_1135 = arith.mulf %get3A_1102, %get3A_3 : vector<16xf32>
            %add3A_1136 = arith.addf %mul3A_1133, %mul3A_1135 : vector<16xf32>
            %mul3A_1137 = arith.mulf %get3A_1107, %get3A_5 : vector<16xf32>
            %add3A_1138 = arith.addf %add3A_1136, %mul3A_1137 : vector<16xf32>
            %mul3A_1139 = arith.mulf %get3A_1112, %get3A_7 : vector<16xf32>
            %add3A_1140 = arith.addf %add3A_1138, %mul3A_1139 : vector<16xf32>
            %mul3A_1141 = arith.mulf %get3A_1122, %get3A_11 : vector<16xf32>
            %add3A_1142 = arith.addf %mul3A_1134, %mul3A_1141 : vector<16xf32>
            %mul3A_1143 = arith.mulf %get3A_1127, %get3A_13 : vector<16xf32>
            %add3A_1144 = arith.addf %add3A_1142, %mul3A_1143 : vector<16xf32>
            %mul3A_1145 = arith.mulf %get3A_1132, %get3A_15 : vector<16xf32>
            %add3A_1146 = arith.addf %add3A_1144, %mul3A_1145 : vector<16xf32>
            %add3A_1147 = arith.addf %add3A_1140, %add3A_1146 : vector<16xf32>
            %swap3A_1148 = arith.constant 224 : index
            %swap3A_1149 = tpu.vector_load %arg13[%swap3A_1148] {strides = array<i32>} : memref<256xf32, #tpu.memory_space<vmem>>, vector<16xf32>,
            tpu.vector_store %arg13[%swap3A_1148], %add3A_1147 {strides = array<i32>} : memref<256xf32, #tpu.memory_space<vmem>>, vector<16xf32>,
            %add3A_1150 = arith.constant 15 : i32
            %add3A_1151 = arith.addi %add3A_244, %add3A_1150 : i32
            %get3A_1152 = arith.index_cast %add3A_1151 : i32 to index
            %get3A_1153 = arith.constant 0 : index
            %get3A_1154 = tpu.vector_load %arg7[%get3A_1152, %get3A_1153] {strides = array<i32>} : memref<320x128xf32, #tpu.memory_space<vmem>>, vector<16xf32>,
            %add3A_1155 = arith.constant 15 : i32
            %add3A_1156 = arith.addi %add3A_244, %add3A_1155 : i32
            %get3A_1157 = arith.index_cast %add3A_1156 : i32 to index
            %get3A_1158 = arith.constant 16 : index
            %get3A_1159 = tpu.vector_load %arg7[%get3A_1157, %get3A_1158] {strides = array<i32>} : memref<320x128xf32, #tpu.memory_space<vmem>>, vector<16xf32>,
            %add3A_1160 = arith.constant 15 : i32
            %add3A_1161 = arith.addi %add3A_244, %add3A_1160 : i32
            %get3A_1162 = arith.index_cast %add3A_1161 : i32 to index
            %get3A_1163 = arith.constant 32 : index
            %get3A_1164 = tpu.vector_load %arg7[%get3A_1162, %get3A_1163] {strides = array<i32>} : memref<320x128xf32, #tpu.memory_space<vmem>>, vector<16xf32>,
            %add3A_1165 = arith.constant 15 : i32
            %add3A_1166 = arith.addi %add3A_244, %add3A_1165 : i32
            %get3A_1167 = arith.index_cast %add3A_1166 : i32 to index
            %get3A_1168 = arith.constant 48 : index
            %get3A_1169 = tpu.vector_load %arg7[%get3A_1167, %get3A_1168] {strides = array<i32>} : memref<320x128xf32, #tpu.memory_space<vmem>>, vector<16xf32>,
            %add3A_1170 = arith.constant 15 : i32
            %add3A_1171 = arith.addi %add3A_244, %add3A_1170 : i32
            %get3A_1172 = arith.index_cast %add3A_1171 : i32 to index
            %get3A_1173 = arith.constant 64 : index
            %get3A_1174 = tpu.vector_load %arg7[%get3A_1172, %get3A_1173] {strides = array<i32>} : memref<320x128xf32, #tpu.memory_space<vmem>>, vector<16xf32>,
            %add3A_1175 = arith.constant 15 : i32
            %add3A_1176 = arith.addi %add3A_244, %add3A_1175 : i32
            %get3A_1177 = arith.index_cast %add3A_1176 : i32 to index
            %get3A_1178 = arith.constant 80 : index
            %get3A_1179 = tpu.vector_load %arg7[%get3A_1177, %get3A_1178] {strides = array<i32>} : memref<320x128xf32, #tpu.memory_space<vmem>>, vector<16xf32>,
            %add3A_1180 = arith.constant 15 : i32
            %add3A_1181 = arith.addi %add3A_244, %add3A_1180 : i32
            %get3A_1182 = arith.index_cast %add3A_1181 : i32 to index
            %get3A_1183 = arith.constant 96 : index
            %get3A_1184 = tpu.vector_load %arg7[%get3A_1182, %get3A_1183] {strides = array<i32>} : memref<320x128xf32, #tpu.memory_space<vmem>>, vector<16xf32>,
            %add3A_1185 = arith.constant 15 : i32
            %add3A_1186 = arith.addi %add3A_244, %add3A_1185 : i32
            %get3A_1187 = arith.index_cast %add3A_1186 : i32 to index
            %get3A_1188 = arith.constant 112 : index
            %get3A_1189 = tpu.vector_load %arg7[%get3A_1187, %get3A_1188] {strides = array<i32>} : memref<320x128xf32, #tpu.memory_space<vmem>>, vector<16xf32>,
            %mul3A_1190 = arith.mulf %get3A_1154, %get3A_1 : vector<16xf32>
            %mul3A_1191 = arith.mulf %get3A_1174, %get3A_9 : vector<16xf32>
            %mul3A_1192 = arith.mulf %get3A_1159, %get3A_3 : vector<16xf32>
            %add3A_1193 = arith.addf %mul3A_1190, %mul3A_1192 : vector<16xf32>
            %mul3A_1194 = arith.mulf %get3A_1164, %get3A_5 : vector<16xf32>
            %add3A_1195 = arith.addf %add3A_1193, %mul3A_1194 : vector<16xf32>
            %mul3A_1196 = arith.mulf %get3A_1169, %get3A_7 : vector<16xf32>
            %add3A_1197 = arith.addf %add3A_1195, %mul3A_1196 : vector<16xf32>
            %mul3A_1198 = arith.mulf %get3A_1179, %get3A_11 : vector<16xf32>
            %add3A_1199 = arith.addf %mul3A_1191, %mul3A_1198 : vector<16xf32>
            %mul3A_1200 = arith.mulf %get3A_1184, %get3A_13 : vector<16xf32>
            %add3A_1201 = arith.addf %add3A_1199, %mul3A_1200 : vector<16xf32>
            %mul3A_1202 = arith.mulf %get3A_1189, %get3A_15 : vector<16xf32>
            %add3A_1203 = arith.addf %add3A_1201, %mul3A_1202 : vector<16xf32>
            %add3A_1204 = arith.addf %add3A_1197, %add3A_1203 : vector<16xf32>
            %swap3A_1205 = arith.constant 240 : index
            %swap3A_1206 = tpu.vector_load %arg13[%swap3A_1205] {strides = array<i32>} : memref<256xf32, #tpu.memory_space<vmem>>, vector<16xf32>,
            tpu.vector_store %arg13[%swap3A_1205], %add3A_1204 {strides = array<i32>} : memref<256xf32, #tpu.memory_space<vmem>>, vector<16xf32>,
            %add3A_1207 = arith.constant 0 : i32
            %add3A_1208 = vector.broadcast %add3A_1207 : i32 to vector<16xi32>
            %add3A_1209 = arith.addi %mul3A_26, %add3A_1208 : vector<16xi32>
            %gather3A = tpu.vector_load_idx %arg13[%add3A_1209] : memref<256xf32, #tpu.memory_space<vmem>>[vector<16xi32>], vector<16xf32>,
            %add3A_1210 = arith.constant 1 : i32
            %add3A_1211 = vector.broadcast %add3A_1210 : i32 to vector<16xi32>
            %add3A_1212 = arith.addi %mul3A_26, %add3A_1211 : vector<16xi32>
            %gather3A_1213 = tpu.vector_load_idx %arg13[%add3A_1212] : memref<256xf32, #tpu.memory_space<vmem>>[vector<16xi32>], vector<16xf32>,
            %add3A_1214 = arith.constant 2 : i32
            %add3A_1215 = vector.broadcast %add3A_1214 : i32 to vector<16xi32>
            %add3A_1216 = arith.addi %mul3A_26, %add3A_1215 : vector<16xi32>
            %gather3A_1217 = tpu.vector_load_idx %arg13[%add3A_1216] : memref<256xf32, #tpu.memory_space<vmem>>[vector<16xi32>], vector<16xf32>,
            %add3A_1218 = arith.constant 3 : i32
            %add3A_1219 = vector.broadcast %add3A_1218 : i32 to vector<16xi32>
            %add3A_1220 = arith.addi %mul3A_26, %add3A_1219 : vector<16xi32>
            %gather3A_1221 = tpu.vector_load_idx %arg13[%add3A_1220] : memref<256xf32, #tpu.memory_space<vmem>>[vector<16xi32>], vector<16xf32>,
            %add3A_1222 = arith.constant 4 : i32
            %add3A_1223 = vector.broadcast %add3A_1222 : i32 to vector<16xi32>
            %add3A_1224 = arith.addi %mul3A_26, %add3A_1223 : vector<16xi32>
            %gather3A_1225 = tpu.vector_load_idx %arg13[%add3A_1224] : memref<256xf32, #tpu.memory_space<vmem>>[vector<16xi32>], vector<16xf32>,
            %add3A_1226 = arith.constant 5 : i32
            %add3A_1227 = vector.broadcast %add3A_1226 : i32 to vector<16xi32>
            %add3A_1228 = arith.addi %mul3A_26, %add3A_1227 : vector<16xi32>
            %gather3A_1229 = tpu.vector_load_idx %arg13[%add3A_1228] : memref<256xf32, #tpu.memory_space<vmem>>[vector<16xi32>], vector<16xf32>,
            %add3A_1230 = arith.constant 6 : i32
            %add3A_1231 = vector.broadcast %add3A_1230 : i32 to vector<16xi32>
            %add3A_1232 = arith.addi %mul3A_26, %add3A_1231 : vector<16xi32>
            %gather3A_1233 = tpu.vector_load_idx %arg13[%add3A_1232] : memref<256xf32, #tpu.memory_space<vmem>>[vector<16xi32>], vector<16xf32>,
            %add3A_1234 = arith.constant 7 : i32
            %add3A_1235 = vector.broadcast %add3A_1234 : i32 to vector<16xi32>
            %add3A_1236 = arith.addi %mul3A_26, %add3A_1235 : vector<16xi32>
            %gather3A_1237 = tpu.vector_load_idx %arg13[%add3A_1236] : memref<256xf32, #tpu.memory_space<vmem>>[vector<16xi32>], vector<16xf32>,
            %add3A_1238 = arith.constant 8 : i32
            %add3A_1239 = vector.broadcast %add3A_1238 : i32 to vector<16xi32>
            %add3A_1240 = arith.addi %mul3A_26, %add3A_1239 : vector<16xi32>
            %gather3A_1241 = tpu.vector_load_idx %arg13[%add3A_1240] : memref<256xf32, #tpu.memory_space<vmem>>[vector<16xi32>], vector<16xf32>,
            %add3A_1242 = arith.constant 9 : i32
            %add3A_1243 = vector.broadcast %add3A_1242 : i32 to vector<16xi32>
            %add3A_1244 = arith.addi %mul3A_26, %add3A_1243 : vector<16xi32>
            %gather3A_1245 = tpu.vector_load_idx %arg13[%add3A_1244] : memref<256xf32, #tpu.memory_space<vmem>>[vector<16xi32>], vector<16xf32>,
            %add3A_1246 = arith.constant 10 : i32
            %add3A_1247 = vector.broadcast %add3A_1246 : i32 to vector<16xi32>
            %add3A_1248 = arith.addi %mul3A_26, %add3A_1247 : vector<16xi32>
            %gather3A_1249 = tpu.vector_load_idx %arg13[%add3A_1248] : memref<256xf32, #tpu.memory_space<vmem>>[vector<16xi32>], vector<16xf32>,
            %add3A_1250 = arith.constant 11 : i32
            %add3A_1251 = vector.broadcast %add3A_1250 : i32 to vector<16xi32>
            %add3A_1252 = arith.addi %mul3A_26, %add3A_1251 : vector<16xi32>
            %gather3A_1253 = tpu.vector_load_idx %arg13[%add3A_1252] : memref<256xf32, #tpu.memory_space<vmem>>[vector<16xi32>], vector<16xf32>,
            %add3A_1254 = arith.constant 12 : i32
            %add3A_1255 = vector.broadcast %add3A_1254 : i32 to vector<16xi32>
            %add3A_1256 = arith.addi %mul3A_26, %add3A_1255 : vector<16xi32>
            %gather3A_1257 = tpu.vector_load_idx %arg13[%add3A_1256] : memref<256xf32, #tpu.memory_space<vmem>>[vector<16xi32>], vector<16xf32>,
            %add3A_1258 = arith.constant 13 : i32
            %add3A_1259 = vector.broadcast %add3A_1258 : i32 to vector<16xi32>
            %add3A_1260 = arith.addi %mul3A_26, %add3A_1259 : vector<16xi32>
            %gather3A_1261 = tpu.vector_load_idx %arg13[%add3A_1260] : memref<256xf32, #tpu.memory_space<vmem>>[vector<16xi32>], vector<16xf32>,
            %add3A_1262 = arith.constant 14 : i32
            %add3A_1263 = vector.broadcast %add3A_1262 : i32 to vector<16xi32>
            %add3A_1264 = arith.addi %mul3A_26, %add3A_1263 : vector<16xi32>
            %gather3A_1265 = tpu.vector_load_idx %arg13[%add3A_1264] : memref<256xf32, #tpu.memory_space<vmem>>[vector<16xi32>], vector<16xf32>,
            %add3A_1266 = arith.constant 15 : i32
            %add3A_1267 = vector.broadcast %add3A_1266 : i32 to vector<16xi32>
            %add3A_1268 = arith.addi %mul3A_26, %add3A_1267 : vector<16xi32>
            %gather3A_1269 = tpu.vector_load_idx %arg13[%add3A_1268] : memref<256xf32, #tpu.memory_space<vmem>>[vector<16xi32>], vector<16xf32>,
            %add3A_1270 = arith.addf %gather3A, %gather3A_1213 : vector<16xf32>
            %add3A_1271 = arith.addf %gather3A_1217, %gather3A_1221 : vector<16xf32>
            %add3A_1272 = arith.addf %gather3A_1225, %gather3A_1229 : vector<16xf32>
            %add3A_1273 = arith.addf %gather3A_1233, %gather3A_1237 : vector<16xf32>
            %add3A_1274 = arith.addf %gather3A_1241, %gather3A_1245 : vector<16xf32>
            %add3A_1275 = arith.addf %gather3A_1249, %gather3A_1253 : vector<16xf32>
            %add3A_1276 = arith.addf %gather3A_1257, %gather3A_1261 : vector<16xf32>
            %add3A_1277 = arith.addf %gather3A_1265, %gather3A_1269 : vector<16xf32>
            %add3A_1278 = arith.addf %add3A_1270, %add3A_1271 : vector<16xf32>
            %add3A_1279 = arith.addf %add3A_1272, %add3A_1273 : vector<16xf32>
            %add3A_1280 = arith.addf %add3A_1274, %add3A_1275 : vector<16xf32>
            %add3A_1281 = arith.addf %add3A_1276, %add3A_1277 : vector<16xf32>
            %add3A_1282 = arith.addf %add3A_1278, %add3A_1279 : vector<16xf32>
            %add3A_1283 = arith.addf %add3A_1280, %add3A_1281 : vector<16xf32>
            %add3A_1284 = arith.addf %add3A_1282, %add3A_1283 : vector<16xf32>
            %add3A_1285 = arith.addf %add3A_1284, %get3A_17 : vector<16xf32>
            %neg3A = arith.constant 0.000000e+00 : f32
            %neg3A_1286 = vector.broadcast %neg3A : f32 to vector<16xf32>
            %neg3A_1287 = arith.subf %neg3A_1286, %add3A_1285 : vector<16xf32>
            %exp3A = math.exp %neg3A_1287 : vector<16xf32>
            %add3A_1288 = arith.constant 1.000000e+00 : f32
            %add3A_1289 = vector.broadcast %add3A_1288 : f32 to vector<16xf32>
            %add3A_1290 = arith.addf %add3A_1289, %exp3A : vector<16xf32>
            %div3A = arith.constant 1.000000e+00 : f32
            %div3A_1291 = vector.broadcast %div3A : f32 to vector<16xf32>
            %div3A_1292 = arith.divf %div3A_1291, %add3A_1290 : vector<16xf32>
            %slice3A_1293 = vector.extract_strided_slice %div3A_1292 {offsets = [0], sizes = [1], strides = [1]} : vector<16xf32> to vector<1xf32>
            %squeeze3A_1294 = vector.extract %slice3A_1293[0] : f32 from vector<1xf32>
            %broadcast_in_dim3A_1295 = vector.broadcast %squeeze3A_1294 : f32 to vector<16xf32>
            %add3A_1296 = arith.constant 0 : i32
            %add3A_1297 = arith.addi %add3A_244, %add3A_1296 : i32
            %get3A_1298 = arith.index_cast %add3A_1297 : i32 to index
            %get3A_1299 = arith.constant 0 : index
            %get3A_1300 = tpu.vector_load %arg7[%get3A_1298, %get3A_1299] {strides = array<i32>} : memref<320x128xf32, #tpu.memory_space<vmem>>, vector<16xf32>,
            %add3A_1301 = arith.constant 0 : i32
            %add3A_1302 = arith.addi %add3A_244, %add3A_1301 : i32
            %get3A_1303 = arith.index_cast %add3A_1302 : i32 to index
            %get3A_1304 = arith.constant 16 : index
            %get3A_1305 = tpu.vector_load %arg7[%get3A_1303, %get3A_1304] {strides = array<i32>} : memref<320x128xf32, #tpu.memory_space<vmem>>, vector<16xf32>,
            %add3A_1306 = arith.constant 0 : i32
            %add3A_1307 = arith.addi %add3A_244, %add3A_1306 : i32
            %get3A_1308 = arith.index_cast %add3A_1307 : i32 to index
            %get3A_1309 = arith.constant 32 : index
            %get3A_1310 = tpu.vector_load %arg7[%get3A_1308, %get3A_1309] {strides = array<i32>} : memref<320x128xf32, #tpu.memory_space<vmem>>, vector<16xf32>,
            %add3A_1311 = arith.constant 0 : i32
            %add3A_1312 = arith.addi %add3A_244, %add3A_1311 : i32
            %get3A_1313 = arith.index_cast %add3A_1312 : i32 to index
            %get3A_1314 = arith.constant 48 : index
            %get3A_1315 = tpu.vector_load %arg7[%get3A_1313, %get3A_1314] {strides = array<i32>} : memref<320x128xf32, #tpu.memory_space<vmem>>, vector<16xf32>,
            %add3A_1316 = arith.constant 0 : i32
            %add3A_1317 = arith.addi %add3A_244, %add3A_1316 : i32
            %get3A_1318 = arith.index_cast %add3A_1317 : i32 to index
            %get3A_1319 = arith.constant 64 : index
            %get3A_1320 = tpu.vector_load %arg7[%get3A_1318, %get3A_1319] {strides = array<i32>} : memref<320x128xf32, #tpu.memory_space<vmem>>, vector<16xf32>,
            %add3A_1321 = arith.constant 0 : i32
            %add3A_1322 = arith.addi %add3A_244, %add3A_1321 : i32
            %get3A_1323 = arith.index_cast %add3A_1322 : i32 to index
            %get3A_1324 = arith.constant 80 : index
            %get3A_1325 = tpu.vector_load %arg7[%get3A_1323, %get3A_1324] {strides = array<i32>} : memref<320x128xf32, #tpu.memory_space<vmem>>, vector<16xf32>,
            %add3A_1326 = arith.constant 0 : i32
            %add3A_1327 = arith.addi %add3A_244, %add3A_1326 : i32
            %get3A_1328 = arith.index_cast %add3A_1327 : i32 to index
            %get3A_1329 = arith.constant 96 : index
            %get3A_1330 = tpu.vector_load %arg7[%get3A_1328, %get3A_1329] {strides = array<i32>} : memref<320x128xf32, #tpu.memory_space<vmem>>, vector<16xf32>,
            %add3A_1331 = arith.constant 0 : i32
            %add3A_1332 = arith.addi %add3A_244, %add3A_1331 : i32
            %get3A_1333 = arith.index_cast %add3A_1332 : i32 to index
            %get3A_1334 = arith.constant 112 : index
            %get3A_1335 = tpu.vector_load %arg7[%get3A_1333, %get3A_1334] {strides = array<i32>} : memref<320x128xf32, #tpu.memory_space<vmem>>, vector<16xf32>,
            %mul3A_1336 = arith.mulf %get3A_1300, %broadcast_in_dim3A_1295 : vector<16xf32>
            %add3A_1337 = arith.addf %select_n3A_282, %mul3A_1336 : vector<16xf32>
            %mul3A_1338 = arith.mulf %get3A_1305, %broadcast_in_dim3A_1295 : vector<16xf32>
            %add3A_1339 = arith.addf %select_n3A_283, %mul3A_1338 : vector<16xf32>
            %mul3A_1340 = arith.mulf %get3A_1310, %broadcast_in_dim3A_1295 : vector<16xf32>
            %add3A_1341 = arith.addf %select_n3A_284, %mul3A_1340 : vector<16xf32>
            %mul3A_1342 = arith.mulf %get3A_1315, %broadcast_in_dim3A_1295 : vector<16xf32>
            %add3A_1343 = arith.addf %select_n3A_285, %mul3A_1342 : vector<16xf32>
            %mul3A_1344 = arith.mulf %get3A_1320, %broadcast_in_dim3A_1295 : vector<16xf32>
            %add3A_1345 = arith.addf %select_n3A_286, %mul3A_1344 : vector<16xf32>
            %mul3A_1346 = arith.mulf %get3A_1325, %broadcast_in_dim3A_1295 : vector<16xf32>
            %add3A_1347 = arith.addf %select_n3A_287, %mul3A_1346 : vector<16xf32>
            %mul3A_1348 = arith.mulf %get3A_1330, %broadcast_in_dim3A_1295 : vector<16xf32>
            %add3A_1349 = arith.addf %select_n3A_288, %mul3A_1348 : vector<16xf32>
            %mul3A_1350 = arith.mulf %get3A_1335, %broadcast_in_dim3A_1295 : vector<16xf32>
            %add3A_1351 = arith.addf %select_n3A_289, %mul3A_1350 : vector<16xf32>
            %slice3A_1352 = vector.extract_strided_slice %div3A_1292 {offsets = [1], sizes = [1], strides = [1]} : vector<16xf32> to vector<1xf32>
            %squeeze3A_1353 = vector.extract %slice3A_1352[0] : f32 from vector<1xf32>
            %broadcast_in_dim3A_1354 = vector.broadcast %squeeze3A_1353 : f32 to vector<16xf32>
            %add3A_1355 = arith.constant 1 : i32
            %add3A_1356 = arith.addi %add3A_244, %add3A_1355 : i32
            %get3A_1357 = arith.index_cast %add3A_1356 : i32 to index
            %get3A_1358 = arith.constant 0 : index
            %get3A_1359 = tpu.vector_load %arg7[%get3A_1357, %get3A_1358] {strides = array<i32>} : memref<320x128xf32, #tpu.memory_space<vmem>>, vector<16xf32>,
            %add3A_1360 = arith.constant 1 : i32
            %add3A_1361 = arith.addi %add3A_244, %add3A_1360 : i32
            %get3A_1362 = arith.index_cast %add3A_1361 : i32 to index
            %get3A_1363 = arith.constant 16 : index
            %get3A_1364 = tpu.vector_load %arg7[%get3A_1362, %get3A_1363] {strides = array<i32>} : memref<320x128xf32, #tpu.memory_space<vmem>>, vector<16xf32>,
            %add3A_1365 = arith.constant 1 : i32
            %add3A_1366 = arith.addi %add3A_244, %add3A_1365 : i32
            %get3A_1367 = arith.index_cast %add3A_1366 : i32 to index
            %get3A_1368 = arith.constant 32 : index
            %get3A_1369 = tpu.vector_load %arg7[%get3A_1367, %get3A_1368] {strides = array<i32>} : memref<320x128xf32, #tpu.memory_space<vmem>>, vector<16xf32>,
            %add3A_1370 = arith.constant 1 : i32
            %add3A_1371 = arith.addi %add3A_244, %add3A_1370 : i32
            %get3A_1372 = arith.index_cast %add3A_1371 : i32 to index
            %get3A_1373 = arith.constant 48 : index
            %get3A_1374 = tpu.vector_load %arg7[%get3A_1372, %get3A_1373] {strides = array<i32>} : memref<320x128xf32, #tpu.memory_space<vmem>>, vector<16xf32>,
            %add3A_1375 = arith.constant 1 : i32
            %add3A_1376 = arith.addi %add3A_244, %add3A_1375 : i32
            %get3A_1377 = arith.index_cast %add3A_1376 : i32 to index
            %get3A_1378 = arith.constant 64 : index
            %get3A_1379 = tpu.vector_load %arg7[%get3A_1377, %get3A_1378] {strides = array<i32>} : memref<320x128xf32, #tpu.memory_space<vmem>>, vector<16xf32>,
            %add3A_1380 = arith.constant 1 : i32
            %add3A_1381 = arith.addi %add3A_244, %add3A_1380 : i32
            %get3A_1382 = arith.index_cast %add3A_1381 : i32 to index
            %get3A_1383 = arith.constant 80 : index
            %get3A_1384 = tpu.vector_load %arg7[%get3A_1382, %get3A_1383] {strides = array<i32>} : memref<320x128xf32, #tpu.memory_space<vmem>>, vector<16xf32>,
            %add3A_1385 = arith.constant 1 : i32
            %add3A_1386 = arith.addi %add3A_244, %add3A_1385 : i32
            %get3A_1387 = arith.index_cast %add3A_1386 : i32 to index
            %get3A_1388 = arith.constant 96 : index
            %get3A_1389 = tpu.vector_load %arg7[%get3A_1387, %get3A_1388] {strides = array<i32>} : memref<320x128xf32, #tpu.memory_space<vmem>>, vector<16xf32>,
            %add3A_1390 = arith.constant 1 : i32
            %add3A_1391 = arith.addi %add3A_244, %add3A_1390 : i32
            %get3A_1392 = arith.index_cast %add3A_1391 : i32 to index
            %get3A_1393 = arith.constant 112 : index
            %get3A_1394 = tpu.vector_load %arg7[%get3A_1392, %get3A_1393] {strides = array<i32>} : memref<320x128xf32, #tpu.memory_space<vmem>>, vector<16xf32>,
            %mul3A_1395 = arith.mulf %get3A_1359, %broadcast_in_dim3A_1354 : vector<16xf32>
            %add3A_1396 = arith.addf %add3A_1337, %mul3A_1395 : vector<16xf32>
            %mul3A_1397 = arith.mulf %get3A_1364, %broadcast_in_dim3A_1354 : vector<16xf32>
            %add3A_1398 = arith.addf %add3A_1339, %mul3A_1397 : vector<16xf32>
            %mul3A_1399 = arith.mulf %get3A_1369, %broadcast_in_dim3A_1354 : vector<16xf32>
            %add3A_1400 = arith.addf %add3A_1341, %mul3A_1399 : vector<16xf32>
            %mul3A_1401 = arith.mulf %get3A_1374, %broadcast_in_dim3A_1354 : vector<16xf32>
            %add3A_1402 = arith.addf %add3A_1343, %mul3A_1401 : vector<16xf32>
            %mul3A_1403 = arith.mulf %get3A_1379, %broadcast_in_dim3A_1354 : vector<16xf32>
            %add3A_1404 = arith.addf %add3A_1345, %mul3A_1403 : vector<16xf32>
            %mul3A_1405 = arith.mulf %get3A_1384, %broadcast_in_dim3A_1354 : vector<16xf32>
            %add3A_1406 = arith.addf %add3A_1347, %mul3A_1405 : vector<16xf32>
            %mul3A_1407 = arith.mulf %get3A_1389, %broadcast_in_dim3A_1354 : vector<16xf32>
            %add3A_1408 = arith.addf %add3A_1349, %mul3A_1407 : vector<16xf32>
            %mul3A_1409 = arith.mulf %get3A_1394, %broadcast_in_dim3A_1354 : vector<16xf32>
            %add3A_1410 = arith.addf %add3A_1351, %mul3A_1409 : vector<16xf32>
            %slice3A_1411 = vector.extract_strided_slice %div3A_1292 {offsets = [2], sizes = [1], strides = [1]} : vector<16xf32> to vector<1xf32>
            %squeeze3A_1412 = vector.extract %slice3A_1411[0] : f32 from vector<1xf32>
            %broadcast_in_dim3A_1413 = vector.broadcast %squeeze3A_1412 : f32 to vector<16xf32>
            %add3A_1414 = arith.constant 2 : i32
            %add3A_1415 = arith.addi %add3A_244, %add3A_1414 : i32
            %get3A_1416 = arith.index_cast %add3A_1415 : i32 to index
            %get3A_1417 = arith.constant 0 : index
            %get3A_1418 = tpu.vector_load %arg7[%get3A_1416, %get3A_1417] {strides = array<i32>} : memref<320x128xf32, #tpu.memory_space<vmem>>, vector<16xf32>,
            %add3A_1419 = arith.constant 2 : i32
            %add3A_1420 = arith.addi %add3A_244, %add3A_1419 : i32
            %get3A_1421 = arith.index_cast %add3A_1420 : i32 to index
            %get3A_1422 = arith.constant 16 : index
            %get3A_1423 = tpu.vector_load %arg7[%get3A_1421, %get3A_1422] {strides = array<i32>} : memref<320x128xf32, #tpu.memory_space<vmem>>, vector<16xf32>,
            %add3A_1424 = arith.constant 2 : i32
            %add3A_1425 = arith.addi %add3A_244, %add3A_1424 : i32
            %get3A_1426 = arith.index_cast %add3A_1425 : i32 to index
            %get3A_1427 = arith.constant 32 : index
            %get3A_1428 = tpu.vector_load %arg7[%get3A_1426, %get3A_1427] {strides = array<i32>} : memref<320x128xf32, #tpu.memory_space<vmem>>, vector<16xf32>,
            %add3A_1429 = arith.constant 2 : i32
            %add3A_1430 = arith.addi %add3A_244, %add3A_1429 : i32
            %get3A_1431 = arith.index_cast %add3A_1430 : i32 to index
            %get3A_1432 = arith.constant 48 : index
            %get3A_1433 = tpu.vector_load %arg7[%get3A_1431, %get3A_1432] {strides = array<i32>} : memref<320x128xf32, #tpu.memory_space<vmem>>, vector<16xf32>,
            %add3A_1434 = arith.constant 2 : i32
            %add3A_1435 = arith.addi %add3A_244, %add3A_1434 : i32
            %get3A_1436 = arith.index_cast %add3A_1435 : i32 to index
            %get3A_1437 = arith.constant 64 : index
            %get3A_1438 = tpu.vector_load %arg7[%get3A_1436, %get3A_1437] {strides = array<i32>} : memref<320x128xf32, #tpu.memory_space<vmem>>, vector<16xf32>,
            %add3A_1439 = arith.constant 2 : i32
            %add3A_1440 = arith.addi %add3A_244, %add3A_1439 : i32
            %get3A_1441 = arith.index_cast %add3A_1440 : i32 to index
            %get3A_1442 = arith.constant 80 : index
            %get3A_1443 = tpu.vector_load %arg7[%get3A_1441, %get3A_1442] {strides = array<i32>} : memref<320x128xf32, #tpu.memory_space<vmem>>, vector<16xf32>,
            %add3A_1444 = arith.constant 2 : i32
            %add3A_1445 = arith.addi %add3A_244, %add3A_1444 : i32
            %get3A_1446 = arith.index_cast %add3A_1445 : i32 to index
            %get3A_1447 = arith.constant 96 : index
            %get3A_1448 = tpu.vector_load %arg7[%get3A_1446, %get3A_1447] {strides = array<i32>} : memref<320x128xf32, #tpu.memory_space<vmem>>, vector<16xf32>,
            %add3A_1449 = arith.constant 2 : i32
            %add3A_1450 = arith.addi %add3A_244, %add3A_1449 : i32
            %get3A_1451 = arith.index_cast %add3A_1450 : i32 to index
            %get3A_1452 = arith.constant 112 : index
            %get3A_1453 = tpu.vector_load %arg7[%get3A_1451, %get3A_1452] {strides = array<i32>} : memref<320x128xf32, #tpu.memory_space<vmem>>, vector<16xf32>,
            %mul3A_1454 = arith.mulf %get3A_1418, %broadcast_in_dim3A_1413 : vector<16xf32>
            %add3A_1455 = arith.addf %add3A_1396, %mul3A_1454 : vector<16xf32>
            %mul3A_1456 = arith.mulf %get3A_1423, %broadcast_in_dim3A_1413 : vector<16xf32>
            %add3A_1457 = arith.addf %add3A_1398, %mul3A_1456 : vector<16xf32>
            %mul3A_1458 = arith.mulf %get3A_1428, %broadcast_in_dim3A_1413 : vector<16xf32>
            %add3A_1459 = arith.addf %add3A_1400, %mul3A_1458 : vector<16xf32>
            %mul3A_1460 = arith.mulf %get3A_1433, %broadcast_in_dim3A_1413 : vector<16xf32>
            %add3A_1461 = arith.addf %add3A_1402, %mul3A_1460 : vector<16xf32>
            %mul3A_1462 = arith.mulf %get3A_1438, %broadcast_in_dim3A_1413 : vector<16xf32>
            %add3A_1463 = arith.addf %add3A_1404, %mul3A_1462 : vector<16xf32>
            %mul3A_1464 = arith.mulf %get3A_1443, %broadcast_in_dim3A_1413 : vector<16xf32>
            %add3A_1465 = arith.addf %add3A_1406, %mul3A_1464 : vector<16xf32>
            %mul3A_1466 = arith.mulf %get3A_1448, %broadcast_in_dim3A_1413 : vector<16xf32>
            %add3A_1467 = arith.addf %add3A_1408, %mul3A_1466 : vector<16xf32>
            %mul3A_1468 = arith.mulf %get3A_1453, %broadcast_in_dim3A_1413 : vector<16xf32>
            %add3A_1469 = arith.addf %add3A_1410, %mul3A_1468 : vector<16xf32>
            %slice3A_1470 = vector.extract_strided_slice %div3A_1292 {offsets = [3], sizes = [1], strides = [1]} : vector<16xf32> to vector<1xf32>
            %squeeze3A_1471 = vector.extract %slice3A_1470[0] : f32 from vector<1xf32>
            %broadcast_in_dim3A_1472 = vector.broadcast %squeeze3A_1471 : f32 to vector<16xf32>
            %add3A_1473 = arith.constant 3 : i32
            %add3A_1474 = arith.addi %add3A_244, %add3A_1473 : i32
            %get3A_1475 = arith.index_cast %add3A_1474 : i32 to index
            %get3A_1476 = arith.constant 0 : index
            %get3A_1477 = tpu.vector_load %arg7[%get3A_1475, %get3A_1476] {strides = array<i32>} : memref<320x128xf32, #tpu.memory_space<vmem>>, vector<16xf32>,
            %add3A_1478 = arith.constant 3 : i32
            %add3A_1479 = arith.addi %add3A_244, %add3A_1478 : i32
            %get3A_1480 = arith.index_cast %add3A_1479 : i32 to index
            %get3A_1481 = arith.constant 16 : index
            %get3A_1482 = tpu.vector_load %arg7[%get3A_1480, %get3A_1481] {strides = array<i32>} : memref<320x128xf32, #tpu.memory_space<vmem>>, vector<16xf32>,
            %add3A_1483 = arith.constant 3 : i32
            %add3A_1484 = arith.addi %add3A_244, %add3A_1483 : i32
            %get3A_1485 = arith.index_cast %add3A_1484 : i32 to index
            %get3A_1486 = arith.constant 32 : index
            %get3A_1487 = tpu.vector_load %arg7[%get3A_1485, %get3A_1486] {strides = array<i32>} : memref<320x128xf32, #tpu.memory_space<vmem>>, vector<16xf32>,
            %add3A_1488 = arith.constant 3 : i32
            %add3A_1489 = arith.addi %add3A_244, %add3A_1488 : i32
            %get3A_1490 = arith.index_cast %add3A_1489 : i32 to index
            %get3A_1491 = arith.constant 48 : index
            %get3A_1492 = tpu.vector_load %arg7[%get3A_1490, %get3A_1491] {strides = array<i32>} : memref<320x128xf32, #tpu.memory_space<vmem>>, vector<16xf32>,
            %add3A_1493 = arith.constant 3 : i32
            %add3A_1494 = arith.addi %add3A_244, %add3A_1493 : i32
            %get3A_1495 = arith.index_cast %add3A_1494 : i32 to index
            %get3A_1496 = arith.constant 64 : index
            %get3A_1497 = tpu.vector_load %arg7[%get3A_1495, %get3A_1496] {strides = array<i32>} : memref<320x128xf32, #tpu.memory_space<vmem>>, vector<16xf32>,
            %add3A_1498 = arith.constant 3 : i32
            %add3A_1499 = arith.addi %add3A_244, %add3A_1498 : i32
            %get3A_1500 = arith.index_cast %add3A_1499 : i32 to index
            %get3A_1501 = arith.constant 80 : index
            %get3A_1502 = tpu.vector_load %arg7[%get3A_1500, %get3A_1501] {strides = array<i32>} : memref<320x128xf32, #tpu.memory_space<vmem>>, vector<16xf32>,
            %add3A_1503 = arith.constant 3 : i32
            %add3A_1504 = arith.addi %add3A_244, %add3A_1503 : i32
            %get3A_1505 = arith.index_cast %add3A_1504 : i32 to index
            %get3A_1506 = arith.constant 96 : index
            %get3A_1507 = tpu.vector_load %arg7[%get3A_1505, %get3A_1506] {strides = array<i32>} : memref<320x128xf32, #tpu.memory_space<vmem>>, vector<16xf32>,
            %add3A_1508 = arith.constant 3 : i32
            %add3A_1509 = arith.addi %add3A_244, %add3A_1508 : i32
            %get3A_1510 = arith.index_cast %add3A_1509 : i32 to index
            %get3A_1511 = arith.constant 112 : index
            %get3A_1512 = tpu.vector_load %arg7[%get3A_1510, %get3A_1511] {strides = array<i32>} : memref<320x128xf32, #tpu.memory_space<vmem>>, vector<16xf32>,
            %mul3A_1513 = arith.mulf %get3A_1477, %broadcast_in_dim3A_1472 : vector<16xf32>
            %add3A_1514 = arith.addf %add3A_1455, %mul3A_1513 : vector<16xf32>
            %mul3A_1515 = arith.mulf %get3A_1482, %broadcast_in_dim3A_1472 : vector<16xf32>
            %add3A_1516 = arith.addf %add3A_1457, %mul3A_1515 : vector<16xf32>
            %mul3A_1517 = arith.mulf %get3A_1487, %broadcast_in_dim3A_1472 : vector<16xf32>
            %add3A_1518 = arith.addf %add3A_1459, %mul3A_1517 : vector<16xf32>
            %mul3A_1519 = arith.mulf %get3A_1492, %broadcast_in_dim3A_1472 : vector<16xf32>
            %add3A_1520 = arith.addf %add3A_1461, %mul3A_1519 : vector<16xf32>
            %mul3A_1521 = arith.mulf %get3A_1497, %broadcast_in_dim3A_1472 : vector<16xf32>
            %add3A_1522 = arith.addf %add3A_1463, %mul3A_1521 : vector<16xf32>
            %mul3A_1523 = arith.mulf %get3A_1502, %broadcast_in_dim3A_1472 : vector<16xf32>
            %add3A_1524 = arith.addf %add3A_1465, %mul3A_1523 : vector<16xf32>
            %mul3A_1525 = arith.mulf %get3A_1507, %broadcast_in_dim3A_1472 : vector<16xf32>
            %add3A_1526 = arith.addf %add3A_1467, %mul3A_1525 : vector<16xf32>
            %mul3A_1527 = arith.mulf %get3A_1512, %broadcast_in_dim3A_1472 : vector<16xf32>
            %add3A_1528 = arith.addf %add3A_1469, %mul3A_1527 : vector<16xf32>
            %slice3A_1529 = vector.extract_strided_slice %div3A_1292 {offsets = [4], sizes = [1], strides = [1]} : vector<16xf32> to vector<1xf32>
            %squeeze3A_1530 = vector.extract %slice3A_1529[0] : f32 from vector<1xf32>
            %broadcast_in_dim3A_1531 = vector.broadcast %squeeze3A_1530 : f32 to vector<16xf32>
            %add3A_1532 = arith.constant 4 : i32
            %add3A_1533 = arith.addi %add3A_244, %add3A_1532 : i32
            %get3A_1534 = arith.index_cast %add3A_1533 : i32 to index
            %get3A_1535 = arith.constant 0 : index
            %get3A_1536 = tpu.vector_load %arg7[%get3A_1534, %get3A_1535] {strides = array<i32>} : memref<320x128xf32, #tpu.memory_space<vmem>>, vector<16xf32>,
            %add3A_1537 = arith.constant 4 : i32
            %add3A_1538 = arith.addi %add3A_244, %add3A_1537 : i32
            %get3A_1539 = arith.index_cast %add3A_1538 : i32 to index
            %get3A_1540 = arith.constant 16 : index
            %get3A_1541 = tpu.vector_load %arg7[%get3A_1539, %get3A_1540] {strides = array<i32>} : memref<320x128xf32, #tpu.memory_space<vmem>>, vector<16xf32>,
            %add3A_1542 = arith.constant 4 : i32
            %add3A_1543 = arith.addi %add3A_244, %add3A_1542 : i32
            %get3A_1544 = arith.index_cast %add3A_1543 : i32 to index
            %get3A_1545 = arith.constant 32 : index
            %get3A_1546 = tpu.vector_load %arg7[%get3A_1544, %get3A_1545] {strides = array<i32>} : memref<320x128xf32, #tpu.memory_space<vmem>>, vector<16xf32>,
            %add3A_1547 = arith.constant 4 : i32
            %add3A_1548 = arith.addi %add3A_244, %add3A_1547 : i32
            %get3A_1549 = arith.index_cast %add3A_1548 : i32 to index
            %get3A_1550 = arith.constant 48 : index
            %get3A_1551 = tpu.vector_load %arg7[%get3A_1549, %get3A_1550] {strides = array<i32>} : memref<320x128xf32, #tpu.memory_space<vmem>>, vector<16xf32>,
            %add3A_1552 = arith.constant 4 : i32
            %add3A_1553 = arith.addi %add3A_244, %add3A_1552 : i32
            %get3A_1554 = arith.index_cast %add3A_1553 : i32 to index
            %get3A_1555 = arith.constant 64 : index
            %get3A_1556 = tpu.vector_load %arg7[%get3A_1554, %get3A_1555] {strides = array<i32>} : memref<320x128xf32, #tpu.memory_space<vmem>>, vector<16xf32>,
            %add3A_1557 = arith.constant 4 : i32
            %add3A_1558 = arith.addi %add3A_244, %add3A_1557 : i32
            %get3A_1559 = arith.index_cast %add3A_1558 : i32 to index
            %get3A_1560 = arith.constant 80 : index
            %get3A_1561 = tpu.vector_load %arg7[%get3A_1559, %get3A_1560] {strides = array<i32>} : memref<320x128xf32, #tpu.memory_space<vmem>>, vector<16xf32>,
            %add3A_1562 = arith.constant 4 : i32
            %add3A_1563 = arith.addi %add3A_244, %add3A_1562 : i32
            %get3A_1564 = arith.index_cast %add3A_1563 : i32 to index
            %get3A_1565 = arith.constant 96 : index
            %get3A_1566 = tpu.vector_load %arg7[%get3A_1564, %get3A_1565] {strides = array<i32>} : memref<320x128xf32, #tpu.memory_space<vmem>>, vector<16xf32>,
            %add3A_1567 = arith.constant 4 : i32
            %add3A_1568 = arith.addi %add3A_244, %add3A_1567 : i32
            %get3A_1569 = arith.index_cast %add3A_1568 : i32 to index
            %get3A_1570 = arith.constant 112 : index
            %get3A_1571 = tpu.vector_load %arg7[%get3A_1569, %get3A_1570] {strides = array<i32>} : memref<320x128xf32, #tpu.memory_space<vmem>>, vector<16xf32>,
            %mul3A_1572 = arith.mulf %get3A_1536, %broadcast_in_dim3A_1531 : vector<16xf32>
            %add3A_1573 = arith.addf %add3A_1514, %mul3A_1572 : vector<16xf32>
            %mul3A_1574 = arith.mulf %get3A_1541, %broadcast_in_dim3A_1531 : vector<16xf32>
            %add3A_1575 = arith.addf %add3A_1516, %mul3A_1574 : vector<16xf32>
            %mul3A_1576 = arith.mulf %get3A_1546, %broadcast_in_dim3A_1531 : vector<16xf32>
            %add3A_1577 = arith.addf %add3A_1518, %mul3A_1576 : vector<16xf32>
            %mul3A_1578 = arith.mulf %get3A_1551, %broadcast_in_dim3A_1531 : vector<16xf32>
            %add3A_1579 = arith.addf %add3A_1520, %mul3A_1578 : vector<16xf32>
            %mul3A_1580 = arith.mulf %get3A_1556, %broadcast_in_dim3A_1531 : vector<16xf32>
            %add3A_1581 = arith.addf %add3A_1522, %mul3A_1580 : vector<16xf32>
            %mul3A_1582 = arith.mulf %get3A_1561, %broadcast_in_dim3A_1531 : vector<16xf32>
            %add3A_1583 = arith.addf %add3A_1524, %mul3A_1582 : vector<16xf32>
            %mul3A_1584 = arith.mulf %get3A_1566, %broadcast_in_dim3A_1531 : vector<16xf32>
            %add3A_1585 = arith.addf %add3A_1526, %mul3A_1584 : vector<16xf32>
            %mul3A_1586 = arith.mulf %get3A_1571, %broadcast_in_dim3A_1531 : vector<16xf32>
            %add3A_1587 = arith.addf %add3A_1528, %mul3A_1586 : vector<16xf32>
            %slice3A_1588 = vector.extract_strided_slice %div3A_1292 {offsets = [5], sizes = [1], strides = [1]} : vector<16xf32> to vector<1xf32>
            %squeeze3A_1589 = vector.extract %slice3A_1588[0] : f32 from vector<1xf32>
            %broadcast_in_dim3A_1590 = vector.broadcast %squeeze3A_1589 : f32 to vector<16xf32>
            %add3A_1591 = arith.constant 5 : i32
            %add3A_1592 = arith.addi %add3A_244, %add3A_1591 : i32
            %get3A_1593 = arith.index_cast %add3A_1592 : i32 to index
            %get3A_1594 = arith.constant 0 : index
            %get3A_1595 = tpu.vector_load %arg7[%get3A_1593, %get3A_1594] {strides = array<i32>} : memref<320x128xf32, #tpu.memory_space<vmem>>, vector<16xf32>,
            %add3A_1596 = arith.constant 5 : i32
            %add3A_1597 = arith.addi %add3A_244, %add3A_1596 : i32
            %get3A_1598 = arith.index_cast %add3A_1597 : i32 to index
            %get3A_1599 = arith.constant 16 : index
            %get3A_1600 = tpu.vector_load %arg7[%get3A_1598, %get3A_1599] {strides = array<i32>} : memref<320x128xf32, #tpu.memory_space<vmem>>, vector<16xf32>,
            %add3A_1601 = arith.constant 5 : i32
            %add3A_1602 = arith.addi %add3A_244, %add3A_1601 : i32
            %get3A_1603 = arith.index_cast %add3A_1602 : i32 to index
            %get3A_1604 = arith.constant 32 : index
            %get3A_1605 = tpu.vector_load %arg7[%get3A_1603, %get3A_1604] {strides = array<i32>} : memref<320x128xf32, #tpu.memory_space<vmem>>, vector<16xf32>,
            %add3A_1606 = arith.constant 5 : i32
            %add3A_1607 = arith.addi %add3A_244, %add3A_1606 : i32
            %get3A_1608 = arith.index_cast %add3A_1607 : i32 to index
            %get3A_1609 = arith.constant 48 : index
            %get3A_1610 = tpu.vector_load %arg7[%get3A_1608, %get3A_1609] {strides = array<i32>} : memref<320x128xf32, #tpu.memory_space<vmem>>, vector<16xf32>,
            %add3A_1611 = arith.constant 5 : i32
            %add3A_1612 = arith.addi %add3A_244, %add3A_1611 : i32
            %get3A_1613 = arith.index_cast %add3A_1612 : i32 to index
            %get3A_1614 = arith.constant 64 : index
            %get3A_1615 = tpu.vector_load %arg7[%get3A_1613, %get3A_1614] {strides = array<i32>} : memref<320x128xf32, #tpu.memory_space<vmem>>, vector<16xf32>,
            %add3A_1616 = arith.constant 5 : i32
            %add3A_1617 = arith.addi %add3A_244, %add3A_1616 : i32
            %get3A_1618 = arith.index_cast %add3A_1617 : i32 to index
            %get3A_1619 = arith.constant 80 : index
            %get3A_1620 = tpu.vector_load %arg7[%get3A_1618, %get3A_1619] {strides = array<i32>} : memref<320x128xf32, #tpu.memory_space<vmem>>, vector<16xf32>,
            %add3A_1621 = arith.constant 5 : i32
            %add3A_1622 = arith.addi %add3A_244, %add3A_1621 : i32
            %get3A_1623 = arith.index_cast %add3A_1622 : i32 to index
            %get3A_1624 = arith.constant 96 : index
            %get3A_1625 = tpu.vector_load %arg7[%get3A_1623, %get3A_1624] {strides = array<i32>} : memref<320x128xf32, #tpu.memory_space<vmem>>, vector<16xf32>,
            %add3A_1626 = arith.constant 5 : i32
            %add3A_1627 = arith.addi %add3A_244, %add3A_1626 : i32
            %get3A_1628 = arith.index_cast %add3A_1627 : i32 to index
            %get3A_1629 = arith.constant 112 : index
            %get3A_1630 = tpu.vector_load %arg7[%get3A_1628, %get3A_1629] {strides = array<i32>} : memref<320x128xf32, #tpu.memory_space<vmem>>, vector<16xf32>,
            %mul3A_1631 = arith.mulf %get3A_1595, %broadcast_in_dim3A_1590 : vector<16xf32>
            %add3A_1632 = arith.addf %add3A_1573, %mul3A_1631 : vector<16xf32>
            %mul3A_1633 = arith.mulf %get3A_1600, %broadcast_in_dim3A_1590 : vector<16xf32>
            %add3A_1634 = arith.addf %add3A_1575, %mul3A_1633 : vector<16xf32>
            %mul3A_1635 = arith.mulf %get3A_1605, %broadcast_in_dim3A_1590 : vector<16xf32>
            %add3A_1636 = arith.addf %add3A_1577, %mul3A_1635 : vector<16xf32>
            %mul3A_1637 = arith.mulf %get3A_1610, %broadcast_in_dim3A_1590 : vector<16xf32>
            %add3A_1638 = arith.addf %add3A_1579, %mul3A_1637 : vector<16xf32>
            %mul3A_1639 = arith.mulf %get3A_1615, %broadcast_in_dim3A_1590 : vector<16xf32>
            %add3A_1640 = arith.addf %add3A_1581, %mul3A_1639 : vector<16xf32>
            %mul3A_1641 = arith.mulf %get3A_1620, %broadcast_in_dim3A_1590 : vector<16xf32>
            %add3A_1642 = arith.addf %add3A_1583, %mul3A_1641 : vector<16xf32>
            %mul3A_1643 = arith.mulf %get3A_1625, %broadcast_in_dim3A_1590 : vector<16xf32>
            %add3A_1644 = arith.addf %add3A_1585, %mul3A_1643 : vector<16xf32>
            %mul3A_1645 = arith.mulf %get3A_1630, %broadcast_in_dim3A_1590 : vector<16xf32>
            %add3A_1646 = arith.addf %add3A_1587, %mul3A_1645 : vector<16xf32>
            %slice3A_1647 = vector.extract_strided_slice %div3A_1292 {offsets = [6], sizes = [1], strides = [1]} : vector<16xf32> to vector<1xf32>
            %squeeze3A_1648 = vector.extract %slice3A_1647[0] : f32 from vector<1xf32>
            %broadcast_in_dim3A_1649 = vector.broadcast %squeeze3A_1648 : f32 to vector<16xf32>
            %add3A_1650 = arith.constant 6 : i32
            %add3A_1651 = arith.addi %add3A_244, %add3A_1650 : i32
            %get3A_1652 = arith.index_cast %add3A_1651 : i32 to index
            %get3A_1653 = arith.constant 0 : index
            %get3A_1654 = tpu.vector_load %arg7[%get3A_1652, %get3A_1653] {strides = array<i32>} : memref<320x128xf32, #tpu.memory_space<vmem>>, vector<16xf32>,
            %add3A_1655 = arith.constant 6 : i32
            %add3A_1656 = arith.addi %add3A_244, %add3A_1655 : i32
            %get3A_1657 = arith.index_cast %add3A_1656 : i32 to index
            %get3A_1658 = arith.constant 16 : index
            %get3A_1659 = tpu.vector_load %arg7[%get3A_1657, %get3A_1658] {strides = array<i32>} : memref<320x128xf32, #tpu.memory_space<vmem>>, vector<16xf32>,
            %add3A_1660 = arith.constant 6 : i32
            %add3A_1661 = arith.addi %add3A_244, %add3A_1660 : i32
            %get3A_1662 = arith.index_cast %add3A_1661 : i32 to index
            %get3A_1663 = arith.constant 32 : index
            %get3A_1664 = tpu.vector_load %arg7[%get3A_1662, %get3A_1663] {strides = array<i32>} : memref<320x128xf32, #tpu.memory_space<vmem>>, vector<16xf32>,
            %add3A_1665 = arith.constant 6 : i32
            %add3A_1666 = arith.addi %add3A_244, %add3A_1665 : i32
            %get3A_1667 = arith.index_cast %add3A_1666 : i32 to index
            %get3A_1668 = arith.constant 48 : index
            %get3A_1669 = tpu.vector_load %arg7[%get3A_1667, %get3A_1668] {strides = array<i32>} : memref<320x128xf32, #tpu.memory_space<vmem>>, vector<16xf32>,
            %add3A_1670 = arith.constant 6 : i32
            %add3A_1671 = arith.addi %add3A_244, %add3A_1670 : i32
            %get3A_1672 = arith.index_cast %add3A_1671 : i32 to index
            %get3A_1673 = arith.constant 64 : index
            %get3A_1674 = tpu.vector_load %arg7[%get3A_1672, %get3A_1673] {strides = array<i32>} : memref<320x128xf32, #tpu.memory_space<vmem>>, vector<16xf32>,
            %add3A_1675 = arith.constant 6 : i32
            %add3A_1676 = arith.addi %add3A_244, %add3A_1675 : i32
            %get3A_1677 = arith.index_cast %add3A_1676 : i32 to index
            %get3A_1678 = arith.constant 80 : index
            %get3A_1679 = tpu.vector_load %arg7[%get3A_1677, %get3A_1678] {strides = array<i32>} : memref<320x128xf32, #tpu.memory_space<vmem>>, vector<16xf32>,
            %add3A_1680 = arith.constant 6 : i32
            %add3A_1681 = arith.addi %add3A_244, %add3A_1680 : i32
            %get3A_1682 = arith.index_cast %add3A_1681 : i32 to index
            %get3A_1683 = arith.constant 96 : index
            %get3A_1684 = tpu.vector_load %arg7[%get3A_1682, %get3A_1683] {strides = array<i32>} : memref<320x128xf32, #tpu.memory_space<vmem>>, vector<16xf32>,
            %add3A_1685 = arith.constant 6 : i32
            %add3A_1686 = arith.addi %add3A_244, %add3A_1685 : i32
            %get3A_1687 = arith.index_cast %add3A_1686 : i32 to index
            %get3A_1688 = arith.constant 112 : index
            %get3A_1689 = tpu.vector_load %arg7[%get3A_1687, %get3A_1688] {strides = array<i32>} : memref<320x128xf32, #tpu.memory_space<vmem>>, vector<16xf32>,
            %mul3A_1690 = arith.mulf %get3A_1654, %broadcast_in_dim3A_1649 : vector<16xf32>
            %add3A_1691 = arith.addf %add3A_1632, %mul3A_1690 : vector<16xf32>
            %mul3A_1692 = arith.mulf %get3A_1659, %broadcast_in_dim3A_1649 : vector<16xf32>
            %add3A_1693 = arith.addf %add3A_1634, %mul3A_1692 : vector<16xf32>
            %mul3A_1694 = arith.mulf %get3A_1664, %broadcast_in_dim3A_1649 : vector<16xf32>
            %add3A_1695 = arith.addf %add3A_1636, %mul3A_1694 : vector<16xf32>
            %mul3A_1696 = arith.mulf %get3A_1669, %broadcast_in_dim3A_1649 : vector<16xf32>
            %add3A_1697 = arith.addf %add3A_1638, %mul3A_1696 : vector<16xf32>
            %mul3A_1698 = arith.mulf %get3A_1674, %broadcast_in_dim3A_1649 : vector<16xf32>
            %add3A_1699 = arith.addf %add3A_1640, %mul3A_1698 : vector<16xf32>
            %mul3A_1700 = arith.mulf %get3A_1679, %broadcast_in_dim3A_1649 : vector<16xf32>
            %add3A_1701 = arith.addf %add3A_1642, %mul3A_1700 : vector<16xf32>
            %mul3A_1702 = arith.mulf %get3A_1684, %broadcast_in_dim3A_1649 : vector<16xf32>
            %add3A_1703 = arith.addf %add3A_1644, %mul3A_1702 : vector<16xf32>
            %mul3A_1704 = arith.mulf %get3A_1689, %broadcast_in_dim3A_1649 : vector<16xf32>
            %add3A_1705 = arith.addf %add3A_1646, %mul3A_1704 : vector<16xf32>
            %slice3A_1706 = vector.extract_strided_slice %div3A_1292 {offsets = [7], sizes = [1], strides = [1]} : vector<16xf32> to vector<1xf32>
            %squeeze3A_1707 = vector.extract %slice3A_1706[0] : f32 from vector<1xf32>
            %broadcast_in_dim3A_1708 = vector.broadcast %squeeze3A_1707 : f32 to vector<16xf32>
            %add3A_1709 = arith.constant 7 : i32
            %add3A_1710 = arith.addi %add3A_244, %add3A_1709 : i32
            %get3A_1711 = arith.index_cast %add3A_1710 : i32 to index
            %get3A_1712 = arith.constant 0 : index
            %get3A_1713 = tpu.vector_load %arg7[%get3A_1711, %get3A_1712] {strides = array<i32>} : memref<320x128xf32, #tpu.memory_space<vmem>>, vector<16xf32>,
            %add3A_1714 = arith.constant 7 : i32
            %add3A_1715 = arith.addi %add3A_244, %add3A_1714 : i32
            %get3A_1716 = arith.index_cast %add3A_1715 : i32 to index
            %get3A_1717 = arith.constant 16 : index
            %get3A_1718 = tpu.vector_load %arg7[%get3A_1716, %get3A_1717] {strides = array<i32>} : memref<320x128xf32, #tpu.memory_space<vmem>>, vector<16xf32>,
            %add3A_1719 = arith.constant 7 : i32
            %add3A_1720 = arith.addi %add3A_244, %add3A_1719 : i32
            %get3A_1721 = arith.index_cast %add3A_1720 : i32 to index
            %get3A_1722 = arith.constant 32 : index
            %get3A_1723 = tpu.vector_load %arg7[%get3A_1721, %get3A_1722] {strides = array<i32>} : memref<320x128xf32, #tpu.memory_space<vmem>>, vector<16xf32>,
            %add3A_1724 = arith.constant 7 : i32
            %add3A_1725 = arith.addi %add3A_244, %add3A_1724 : i32
            %get3A_1726 = arith.index_cast %add3A_1725 : i32 to index
            %get3A_1727 = arith.constant 48 : index
            %get3A_1728 = tpu.vector_load %arg7[%get3A_1726, %get3A_1727] {strides = array<i32>} : memref<320x128xf32, #tpu.memory_space<vmem>>, vector<16xf32>,
            %add3A_1729 = arith.constant 7 : i32
            %add3A_1730 = arith.addi %add3A_244, %add3A_1729 : i32
            %get3A_1731 = arith.index_cast %add3A_1730 : i32 to index
            %get3A_1732 = arith.constant 64 : index
            %get3A_1733 = tpu.vector_load %arg7[%get3A_1731, %get3A_1732] {strides = array<i32>} : memref<320x128xf32, #tpu.memory_space<vmem>>, vector<16xf32>,
            %add3A_1734 = arith.constant 7 : i32
            %add3A_1735 = arith.addi %add3A_244, %add3A_1734 : i32
            %get3A_1736 = arith.index_cast %add3A_1735 : i32 to index
            %get3A_1737 = arith.constant 80 : index
            %get3A_1738 = tpu.vector_load %arg7[%get3A_1736, %get3A_1737] {strides = array<i32>} : memref<320x128xf32, #tpu.memory_space<vmem>>, vector<16xf32>,
            %add3A_1739 = arith.constant 7 : i32
            %add3A_1740 = arith.addi %add3A_244, %add3A_1739 : i32
            %get3A_1741 = arith.index_cast %add3A_1740 : i32 to index
            %get3A_1742 = arith.constant 96 : index
            %get3A_1743 = tpu.vector_load %arg7[%get3A_1741, %get3A_1742] {strides = array<i32>} : memref<320x128xf32, #tpu.memory_space<vmem>>, vector<16xf32>,
            %add3A_1744 = arith.constant 7 : i32
            %add3A_1745 = arith.addi %add3A_244, %add3A_1744 : i32
            %get3A_1746 = arith.index_cast %add3A_1745 : i32 to index
            %get3A_1747 = arith.constant 112 : index
            %get3A_1748 = tpu.vector_load %arg7[%get3A_1746, %get3A_1747] {strides = array<i32>} : memref<320x128xf32, #tpu.memory_space<vmem>>, vector<16xf32>,
            %mul3A_1749 = arith.mulf %get3A_1713, %broadcast_in_dim3A_1708 : vector<16xf32>
            %add3A_1750 = arith.addf %add3A_1691, %mul3A_1749 : vector<16xf32>
            %mul3A_1751 = arith.mulf %get3A_1718, %broadcast_in_dim3A_1708 : vector<16xf32>
            %add3A_1752 = arith.addf %add3A_1693, %mul3A_1751 : vector<16xf32>
            %mul3A_1753 = arith.mulf %get3A_1723, %broadcast_in_dim3A_1708 : vector<16xf32>
            %add3A_1754 = arith.addf %add3A_1695, %mul3A_1753 : vector<16xf32>
            %mul3A_1755 = arith.mulf %get3A_1728, %broadcast_in_dim3A_1708 : vector<16xf32>
            %add3A_1756 = arith.addf %add3A_1697, %mul3A_1755 : vector<16xf32>
            %mul3A_1757 = arith.mulf %get3A_1733, %broadcast_in_dim3A_1708 : vector<16xf32>
            %add3A_1758 = arith.addf %add3A_1699, %mul3A_1757 : vector<16xf32>
            %mul3A_1759 = arith.mulf %get3A_1738, %broadcast_in_dim3A_1708 : vector<16xf32>
            %add3A_1760 = arith.addf %add3A_1701, %mul3A_1759 : vector<16xf32>
            %mul3A_1761 = arith.mulf %get3A_1743, %broadcast_in_dim3A_1708 : vector<16xf32>
            %add3A_1762 = arith.addf %add3A_1703, %mul3A_1761 : vector<16xf32>
            %mul3A_1763 = arith.mulf %get3A_1748, %broadcast_in_dim3A_1708 : vector<16xf32>
            %add3A_1764 = arith.addf %add3A_1705, %mul3A_1763 : vector<16xf32>
            %slice3A_1765 = vector.extract_strided_slice %div3A_1292 {offsets = [8], sizes = [1], strides = [1]} : vector<16xf32> to vector<1xf32>
            %squeeze3A_1766 = vector.extract %slice3A_1765[0] : f32 from vector<1xf32>
            %broadcast_in_dim3A_1767 = vector.broadcast %squeeze3A_1766 : f32 to vector<16xf32>
            %add3A_1768 = arith.constant 8 : i32
            %add3A_1769 = arith.addi %add3A_244, %add3A_1768 : i32
            %get3A_1770 = arith.index_cast %add3A_1769 : i32 to index
            %get3A_1771 = arith.constant 0 : index
            %get3A_1772 = tpu.vector_load %arg7[%get3A_1770, %get3A_1771] {strides = array<i32>} : memref<320x128xf32, #tpu.memory_space<vmem>>, vector<16xf32>,
            %add3A_1773 = arith.constant 8 : i32
            %add3A_1774 = arith.addi %add3A_244, %add3A_1773 : i32
            %get3A_1775 = arith.index_cast %add3A_1774 : i32 to index
            %get3A_1776 = arith.constant 16 : index
            %get3A_1777 = tpu.vector_load %arg7[%get3A_1775, %get3A_1776] {strides = array<i32>} : memref<320x128xf32, #tpu.memory_space<vmem>>, vector<16xf32>,
            %add3A_1778 = arith.constant 8 : i32
            %add3A_1779 = arith.addi %add3A_244, %add3A_1778 : i32
            %get3A_1780 = arith.index_cast %add3A_1779 : i32 to index
            %get3A_1781 = arith.constant 32 : index
            %get3A_1782 = tpu.vector_load %arg7[%get3A_1780, %get3A_1781] {strides = array<i32>} : memref<320x128xf32, #tpu.memory_space<vmem>>, vector<16xf32>,
            %add3A_1783 = arith.constant 8 : i32
            %add3A_1784 = arith.addi %add3A_244, %add3A_1783 : i32
            %get3A_1785 = arith.index_cast %add3A_1784 : i32 to index
            %get3A_1786 = arith.constant 48 : index
            %get3A_1787 = tpu.vector_load %arg7[%get3A_1785, %get3A_1786] {strides = array<i32>} : memref<320x128xf32, #tpu.memory_space<vmem>>, vector<16xf32>,
            %add3A_1788 = arith.constant 8 : i32
            %add3A_1789 = arith.addi %add3A_244, %add3A_1788 : i32
            %get3A_1790 = arith.index_cast %add3A_1789 : i32 to index
            %get3A_1791 = arith.constant 64 : index
            %get3A_1792 = tpu.vector_load %arg7[%get3A_1790, %get3A_1791] {strides = array<i32>} : memref<320x128xf32, #tpu.memory_space<vmem>>, vector<16xf32>,
            %add3A_1793 = arith.constant 8 : i32
            %add3A_1794 = arith.addi %add3A_244, %add3A_1793 : i32
            %get3A_1795 = arith.index_cast %add3A_1794 : i32 to index
            %get3A_1796 = arith.constant 80 : index
            %get3A_1797 = tpu.vector_load %arg7[%get3A_1795, %get3A_1796] {strides = array<i32>} : memref<320x128xf32, #tpu.memory_space<vmem>>, vector<16xf32>,
            %add3A_1798 = arith.constant 8 : i32
            %add3A_1799 = arith.addi %add3A_244, %add3A_1798 : i32
            %get3A_1800 = arith.index_cast %add3A_1799 : i32 to index
            %get3A_1801 = arith.constant 96 : index
            %get3A_1802 = tpu.vector_load %arg7[%get3A_1800, %get3A_1801] {strides = array<i32>} : memref<320x128xf32, #tpu.memory_space<vmem>>, vector<16xf32>,
            %add3A_1803 = arith.constant 8 : i32
            %add3A_1804 = arith.addi %add3A_244, %add3A_1803 : i32
            %get3A_1805 = arith.index_cast %add3A_1804 : i32 to index
            %get3A_1806 = arith.constant 112 : index
            %get3A_1807 = tpu.vector_load %arg7[%get3A_1805, %get3A_1806] {strides = array<i32>} : memref<320x128xf32, #tpu.memory_space<vmem>>, vector<16xf32>,
            %mul3A_1808 = arith.mulf %get3A_1772, %broadcast_in_dim3A_1767 : vector<16xf32>
            %add3A_1809 = arith.addf %add3A_1750, %mul3A_1808 : vector<16xf32>
            %mul3A_1810 = arith.mulf %get3A_1777, %broadcast_in_dim3A_1767 : vector<16xf32>
            %add3A_1811 = arith.addf %add3A_1752, %mul3A_1810 : vector<16xf32>
            %mul3A_1812 = arith.mulf %get3A_1782, %broadcast_in_dim3A_1767 : vector<16xf32>
            %add3A_1813 = arith.addf %add3A_1754, %mul3A_1812 : vector<16xf32>
            %mul3A_1814 = arith.mulf %get3A_1787, %broadcast_in_dim3A_1767 : vector<16xf32>
            %add3A_1815 = arith.addf %add3A_1756, %mul3A_1814 : vector<16xf32>
            %mul3A_1816 = arith.mulf %get3A_1792, %broadcast_in_dim3A_1767 : vector<16xf32>
            %add3A_1817 = arith.addf %add3A_1758, %mul3A_1816 : vector<16xf32>
            %mul3A_1818 = arith.mulf %get3A_1797, %broadcast_in_dim3A_1767 : vector<16xf32>
            %add3A_1819 = arith.addf %add3A_1760, %mul3A_1818 : vector<16xf32>
            %mul3A_1820 = arith.mulf %get3A_1802, %broadcast_in_dim3A_1767 : vector<16xf32>
            %add3A_1821 = arith.addf %add3A_1762, %mul3A_1820 : vector<16xf32>
            %mul3A_1822 = arith.mulf %get3A_1807, %broadcast_in_dim3A_1767 : vector<16xf32>
            %add3A_1823 = arith.addf %add3A_1764, %mul3A_1822 : vector<16xf32>
            %slice3A_1824 = vector.extract_strided_slice %div3A_1292 {offsets = [9], sizes = [1], strides = [1]} : vector<16xf32> to vector<1xf32>
            %squeeze3A_1825 = vector.extract %slice3A_1824[0] : f32 from vector<1xf32>
            %broadcast_in_dim3A_1826 = vector.broadcast %squeeze3A_1825 : f32 to vector<16xf32>
            %add3A_1827 = arith.constant 9 : i32
            %add3A_1828 = arith.addi %add3A_244, %add3A_1827 : i32
            %get3A_1829 = arith.index_cast %add3A_1828 : i32 to index
            %get3A_1830 = arith.constant 0 : index
            %get3A_1831 = tpu.vector_load %arg7[%get3A_1829, %get3A_1830] {strides = array<i32>} : memref<320x128xf32, #tpu.memory_space<vmem>>, vector<16xf32>,
            %add3A_1832 = arith.constant 9 : i32
            %add3A_1833 = arith.addi %add3A_244, %add3A_1832 : i32
            %get3A_1834 = arith.index_cast %add3A_1833 : i32 to index
            %get3A_1835 = arith.constant 16 : index
            %get3A_1836 = tpu.vector_load %arg7[%get3A_1834, %get3A_1835] {strides = array<i32>} : memref<320x128xf32, #tpu.memory_space<vmem>>, vector<16xf32>,
            %add3A_1837 = arith.constant 9 : i32
            %add3A_1838 = arith.addi %add3A_244, %add3A_1837 : i32
            %get3A_1839 = arith.index_cast %add3A_1838 : i32 to index
            %get3A_1840 = arith.constant 32 : index
            %get3A_1841 = tpu.vector_load %arg7[%get3A_1839, %get3A_1840] {strides = array<i32>} : memref<320x128xf32, #tpu.memory_space<vmem>>, vector<16xf32>,
            %add3A_1842 = arith.constant 9 : i32
            %add3A_1843 = arith.addi %add3A_244, %add3A_1842 : i32
            %get3A_1844 = arith.index_cast %add3A_1843 : i32 to index
            %get3A_1845 = arith.constant 48 : index
            %get3A_1846 = tpu.vector_load %arg7[%get3A_1844, %get3A_1845] {strides = array<i32>} : memref<320x128xf32, #tpu.memory_space<vmem>>, vector<16xf32>,
            %add3A_1847 = arith.constant 9 : i32
            %add3A_1848 = arith.addi %add3A_244, %add3A_1847 : i32
            %get3A_1849 = arith.index_cast %add3A_1848 : i32 to index
            %get3A_1850 = arith.constant 64 : index
            %get3A_1851 = tpu.vector_load %arg7[%get3A_1849, %get3A_1850] {strides = array<i32>} : memref<320x128xf32, #tpu.memory_space<vmem>>, vector<16xf32>,
            %add3A_1852 = arith.constant 9 : i32
            %add3A_1853 = arith.addi %add3A_244, %add3A_1852 : i32
            %get3A_1854 = arith.index_cast %add3A_1853 : i32 to index
            %get3A_1855 = arith.constant 80 : index
            %get3A_1856 = tpu.vector_load %arg7[%get3A_1854, %get3A_1855] {strides = array<i32>} : memref<320x128xf32, #tpu.memory_space<vmem>>, vector<16xf32>,
            %add3A_1857 = arith.constant 9 : i32
            %add3A_1858 = arith.addi %add3A_244, %add3A_1857 : i32
            %get3A_1859 = arith.index_cast %add3A_1858 : i32 to index
            %get3A_1860 = arith.constant 96 : index
            %get3A_1861 = tpu.vector_load %arg7[%get3A_1859, %get3A_1860] {strides = array<i32>} : memref<320x128xf32, #tpu.memory_space<vmem>>, vector<16xf32>,
            %add3A_1862 = arith.constant 9 : i32
            %add3A_1863 = arith.addi %add3A_244, %add3A_1862 : i32
            %get3A_1864 = arith.index_cast %add3A_1863 : i32 to index
            %get3A_1865 = arith.constant 112 : index
            %get3A_1866 = tpu.vector_load %arg7[%get3A_1864, %get3A_1865] {strides = array<i32>} : memref<320x128xf32, #tpu.memory_space<vmem>>, vector<16xf32>,
            %mul3A_1867 = arith.mulf %get3A_1831, %broadcast_in_dim3A_1826 : vector<16xf32>
            %add3A_1868 = arith.addf %add3A_1809, %mul3A_1867 : vector<16xf32>
            %mul3A_1869 = arith.mulf %get3A_1836, %broadcast_in_dim3A_1826 : vector<16xf32>
            %add3A_1870 = arith.addf %add3A_1811, %mul3A_1869 : vector<16xf32>
            %mul3A_1871 = arith.mulf %get3A_1841, %broadcast_in_dim3A_1826 : vector<16xf32>
            %add3A_1872 = arith.addf %add3A_1813, %mul3A_1871 : vector<16xf32>
            %mul3A_1873 = arith.mulf %get3A_1846, %broadcast_in_dim3A_1826 : vector<16xf32>
            %add3A_1874 = arith.addf %add3A_1815, %mul3A_1873 : vector<16xf32>
            %mul3A_1875 = arith.mulf %get3A_1851, %broadcast_in_dim3A_1826 : vector<16xf32>
            %add3A_1876 = arith.addf %add3A_1817, %mul3A_1875 : vector<16xf32>
            %mul3A_1877 = arith.mulf %get3A_1856, %broadcast_in_dim3A_1826 : vector<16xf32>
            %add3A_1878 = arith.addf %add3A_1819, %mul3A_1877 : vector<16xf32>
            %mul3A_1879 = arith.mulf %get3A_1861, %broadcast_in_dim3A_1826 : vector<16xf32>
            %add3A_1880 = arith.addf %add3A_1821, %mul3A_1879 : vector<16xf32>
            %mul3A_1881 = arith.mulf %get3A_1866, %broadcast_in_dim3A_1826 : vector<16xf32>
            %add3A_1882 = arith.addf %add3A_1823, %mul3A_1881 : vector<16xf32>
            %slice3A_1883 = vector.extract_strided_slice %div3A_1292 {offsets = [10], sizes = [1], strides = [1]} : vector<16xf32> to vector<1xf32>
            %squeeze3A_1884 = vector.extract %slice3A_1883[0] : f32 from vector<1xf32>
            %broadcast_in_dim3A_1885 = vector.broadcast %squeeze3A_1884 : f32 to vector<16xf32>
            %add3A_1886 = arith.constant 10 : i32
            %add3A_1887 = arith.addi %add3A_244, %add3A_1886 : i32
            %get3A_1888 = arith.index_cast %add3A_1887 : i32 to index
            %get3A_1889 = arith.constant 0 : index
            %get3A_1890 = tpu.vector_load %arg7[%get3A_1888, %get3A_1889] {strides = array<i32>} : memref<320x128xf32, #tpu.memory_space<vmem>>, vector<16xf32>,
            %add3A_1891 = arith.constant 10 : i32
            %add3A_1892 = arith.addi %add3A_244, %add3A_1891 : i32
            %get3A_1893 = arith.index_cast %add3A_1892 : i32 to index
            %get3A_1894 = arith.constant 16 : index
            %get3A_1895 = tpu.vector_load %arg7[%get3A_1893, %get3A_1894] {strides = array<i32>} : memref<320x128xf32, #tpu.memory_space<vmem>>, vector<16xf32>,
            %add3A_1896 = arith.constant 10 : i32
            %add3A_1897 = arith.addi %add3A_244, %add3A_1896 : i32
            %get3A_1898 = arith.index_cast %add3A_1897 : i32 to index
            %get3A_1899 = arith.constant 32 : index
            %get3A_1900 = tpu.vector_load %arg7[%get3A_1898, %get3A_1899] {strides = array<i32>} : memref<320x128xf32, #tpu.memory_space<vmem>>, vector<16xf32>,
            %add3A_1901 = arith.constant 10 : i32
            %add3A_1902 = arith.addi %add3A_244, %add3A_1901 : i32
            %get3A_1903 = arith.index_cast %add3A_1902 : i32 to index
            %get3A_1904 = arith.constant 48 : index
            %get3A_1905 = tpu.vector_load %arg7[%get3A_1903, %get3A_1904] {strides = array<i32>} : memref<320x128xf32, #tpu.memory_space<vmem>>, vector<16xf32>,
            %add3A_1906 = arith.constant 10 : i32
            %add3A_1907 = arith.addi %add3A_244, %add3A_1906 : i32
            %get3A_1908 = arith.index_cast %add3A_1907 : i32 to index
            %get3A_1909 = arith.constant 64 : index
            %get3A_1910 = tpu.vector_load %arg7[%get3A_1908, %get3A_1909] {strides = array<i32>} : memref<320x128xf32, #tpu.memory_space<vmem>>, vector<16xf32>,
            %add3A_1911 = arith.constant 10 : i32
            %add3A_1912 = arith.addi %add3A_244, %add3A_1911 : i32
            %get3A_1913 = arith.index_cast %add3A_1912 : i32 to index
            %get3A_1914 = arith.constant 80 : index
            %get3A_1915 = tpu.vector_load %arg7[%get3A_1913, %get3A_1914] {strides = array<i32>} : memref<320x128xf32, #tpu.memory_space<vmem>>, vector<16xf32>,
            %add3A_1916 = arith.constant 10 : i32
            %add3A_1917 = arith.addi %add3A_244, %add3A_1916 : i32
            %get3A_1918 = arith.index_cast %add3A_1917 : i32 to index
            %get3A_1919 = arith.constant 96 : index
            %get3A_1920 = tpu.vector_load %arg7[%get3A_1918, %get3A_1919] {strides = array<i32>} : memref<320x128xf32, #tpu.memory_space<vmem>>, vector<16xf32>,
            %add3A_1921 = arith.constant 10 : i32
            %add3A_1922 = arith.addi %add3A_244, %add3A_1921 : i32
            %get3A_1923 = arith.index_cast %add3A_1922 : i32 to index
            %get3A_1924 = arith.constant 112 : index
            %get3A_1925 = tpu.vector_load %arg7[%get3A_1923, %get3A_1924] {strides = array<i32>} : memref<320x128xf32, #tpu.memory_space<vmem>>, vector<16xf32>,
            %mul3A_1926 = arith.mulf %get3A_1890, %broadcast_in_dim3A_1885 : vector<16xf32>
            %add3A_1927 = arith.addf %add3A_1868, %mul3A_1926 : vector<16xf32>
            %mul3A_1928 = arith.mulf %get3A_1895, %broadcast_in_dim3A_1885 : vector<16xf32>
            %add3A_1929 = arith.addf %add3A_1870, %mul3A_1928 : vector<16xf32>
            %mul3A_1930 = arith.mulf %get3A_1900, %broadcast_in_dim3A_1885 : vector<16xf32>
            %add3A_1931 = arith.addf %add3A_1872, %mul3A_1930 : vector<16xf32>
            %mul3A_1932 = arith.mulf %get3A_1905, %broadcast_in_dim3A_1885 : vector<16xf32>
            %add3A_1933 = arith.addf %add3A_1874, %mul3A_1932 : vector<16xf32>
            %mul3A_1934 = arith.mulf %get3A_1910, %broadcast_in_dim3A_1885 : vector<16xf32>
            %add3A_1935 = arith.addf %add3A_1876, %mul3A_1934 : vector<16xf32>
            %mul3A_1936 = arith.mulf %get3A_1915, %broadcast_in_dim3A_1885 : vector<16xf32>
            %add3A_1937 = arith.addf %add3A_1878, %mul3A_1936 : vector<16xf32>
            %mul3A_1938 = arith.mulf %get3A_1920, %broadcast_in_dim3A_1885 : vector<16xf32>
            %add3A_1939 = arith.addf %add3A_1880, %mul3A_1938 : vector<16xf32>
            %mul3A_1940 = arith.mulf %get3A_1925, %broadcast_in_dim3A_1885 : vector<16xf32>
            %add3A_1941 = arith.addf %add3A_1882, %mul3A_1940 : vector<16xf32>
            %slice3A_1942 = vector.extract_strided_slice %div3A_1292 {offsets = [11], sizes = [1], strides = [1]} : vector<16xf32> to vector<1xf32>
            %squeeze3A_1943 = vector.extract %slice3A_1942[0] : f32 from vector<1xf32>
            %broadcast_in_dim3A_1944 = vector.broadcast %squeeze3A_1943 : f32 to vector<16xf32>
            %add3A_1945 = arith.constant 11 : i32
            %add3A_1946 = arith.addi %add3A_244, %add3A_1945 : i32
            %get3A_1947 = arith.index_cast %add3A_1946 : i32 to index
            %get3A_1948 = arith.constant 0 : index
            %get3A_1949 = tpu.vector_load %arg7[%get3A_1947, %get3A_1948] {strides = array<i32>} : memref<320x128xf32, #tpu.memory_space<vmem>>, vector<16xf32>,
            %add3A_1950 = arith.constant 11 : i32
            %add3A_1951 = arith.addi %add3A_244, %add3A_1950 : i32
            %get3A_1952 = arith.index_cast %add3A_1951 : i32 to index
            %get3A_1953 = arith.constant 16 : index
            %get3A_1954 = tpu.vector_load %arg7[%get3A_1952, %get3A_1953] {strides = array<i32>} : memref<320x128xf32, #tpu.memory_space<vmem>>, vector<16xf32>,
            %add3A_1955 = arith.constant 11 : i32
            %add3A_1956 = arith.addi %add3A_244, %add3A_1955 : i32
            %get3A_1957 = arith.index_cast %add3A_1956 : i32 to index
            %get3A_1958 = arith.constant 32 : index
            %get3A_1959 = tpu.vector_load %arg7[%get3A_1957, %get3A_1958] {strides = array<i32>} : memref<320x128xf32, #tpu.memory_space<vmem>>, vector<16xf32>,
            %add3A_1960 = arith.constant 11 : i32
            %add3A_1961 = arith.addi %add3A_244, %add3A_1960 : i32
            %get3A_1962 = arith.index_cast %add3A_1961 : i32 to index
            %get3A_1963 = arith.constant 48 : index
            %get3A_1964 = tpu.vector_load %arg7[%get3A_1962, %get3A_1963] {strides = array<i32>} : memref<320x128xf32, #tpu.memory_space<vmem>>, vector<16xf32>,
            %add3A_1965 = arith.constant 11 : i32
            %add3A_1966 = arith.addi %add3A_244, %add3A_1965 : i32
            %get3A_1967 = arith.index_cast %add3A_1966 : i32 to index
            %get3A_1968 = arith.constant 64 : index
            %get3A_1969 = tpu.vector_load %arg7[%get3A_1967, %get3A_1968] {strides = array<i32>} : memref<320x128xf32, #tpu.memory_space<vmem>>, vector<16xf32>,
            %add3A_1970 = arith.constant 11 : i32
            %add3A_1971 = arith.addi %add3A_244, %add3A_1970 : i32
            %get3A_1972 = arith.index_cast %add3A_1971 : i32 to index
            %get3A_1973 = arith.constant 80 : index
            %get3A_1974 = tpu.vector_load %arg7[%get3A_1972, %get3A_1973] {strides = array<i32>} : memref<320x128xf32, #tpu.memory_space<vmem>>, vector<16xf32>,
            %add3A_1975 = arith.constant 11 : i32
            %add3A_1976 = arith.addi %add3A_244, %add3A_1975 : i32
            %get3A_1977 = arith.index_cast %add3A_1976 : i32 to index
            %get3A_1978 = arith.constant 96 : index
            %get3A_1979 = tpu.vector_load %arg7[%get3A_1977, %get3A_1978] {strides = array<i32>} : memref<320x128xf32, #tpu.memory_space<vmem>>, vector<16xf32>,
            %add3A_1980 = arith.constant 11 : i32
            %add3A_1981 = arith.addi %add3A_244, %add3A_1980 : i32
            %get3A_1982 = arith.index_cast %add3A_1981 : i32 to index
            %get3A_1983 = arith.constant 112 : index
            %get3A_1984 = tpu.vector_load %arg7[%get3A_1982, %get3A_1983] {strides = array<i32>} : memref<320x128xf32, #tpu.memory_space<vmem>>, vector<16xf32>,
            %mul3A_1985 = arith.mulf %get3A_1949, %broadcast_in_dim3A_1944 : vector<16xf32>
            %add3A_1986 = arith.addf %add3A_1927, %mul3A_1985 : vector<16xf32>
            %mul3A_1987 = arith.mulf %get3A_1954, %broadcast_in_dim3A_1944 : vector<16xf32>
            %add3A_1988 = arith.addf %add3A_1929, %mul3A_1987 : vector<16xf32>
            %mul3A_1989 = arith.mulf %get3A_1959, %broadcast_in_dim3A_1944 : vector<16xf32>
            %add3A_1990 = arith.addf %add3A_1931, %mul3A_1989 : vector<16xf32>
            %mul3A_1991 = arith.mulf %get3A_1964, %broadcast_in_dim3A_1944 : vector<16xf32>
            %add3A_1992 = arith.addf %add3A_1933, %mul3A_1991 : vector<16xf32>
            %mul3A_1993 = arith.mulf %get3A_1969, %broadcast_in_dim3A_1944 : vector<16xf32>
            %add3A_1994 = arith.addf %add3A_1935, %mul3A_1993 : vector<16xf32>
            %mul3A_1995 = arith.mulf %get3A_1974, %broadcast_in_dim3A_1944 : vector<16xf32>
            %add3A_1996 = arith.addf %add3A_1937, %mul3A_1995 : vector<16xf32>
            %mul3A_1997 = arith.mulf %get3A_1979, %broadcast_in_dim3A_1944 : vector<16xf32>
            %add3A_1998 = arith.addf %add3A_1939, %mul3A_1997 : vector<16xf32>
            %mul3A_1999 = arith.mulf %get3A_1984, %broadcast_in_dim3A_1944 : vector<16xf32>
            %add3A_2000 = arith.addf %add3A_1941, %mul3A_1999 : vector<16xf32>
            %slice3A_2001 = vector.extract_strided_slice %div3A_1292 {offsets = [12], sizes = [1], strides = [1]} : vector<16xf32> to vector<1xf32>
            %squeeze3A_2002 = vector.extract %slice3A_2001[0] : f32 from vector<1xf32>
            %broadcast_in_dim3A_2003 = vector.broadcast %squeeze3A_2002 : f32 to vector<16xf32>
            %add3A_2004 = arith.constant 12 : i32
            %add3A_2005 = arith.addi %add3A_244, %add3A_2004 : i32
            %get3A_2006 = arith.index_cast %add3A_2005 : i32 to index
            %get3A_2007 = arith.constant 0 : index
            %get3A_2008 = tpu.vector_load %arg7[%get3A_2006, %get3A_2007] {strides = array<i32>} : memref<320x128xf32, #tpu.memory_space<vmem>>, vector<16xf32>,
            %add3A_2009 = arith.constant 12 : i32
            %add3A_2010 = arith.addi %add3A_244, %add3A_2009 : i32
            %get3A_2011 = arith.index_cast %add3A_2010 : i32 to index
            %get3A_2012 = arith.constant 16 : index
            %get3A_2013 = tpu.vector_load %arg7[%get3A_2011, %get3A_2012] {strides = array<i32>} : memref<320x128xf32, #tpu.memory_space<vmem>>, vector<16xf32>,
            %add3A_2014 = arith.constant 12 : i32
            %add3A_2015 = arith.addi %add3A_244, %add3A_2014 : i32
            %get3A_2016 = arith.index_cast %add3A_2015 : i32 to index
            %get3A_2017 = arith.constant 32 : index
            %get3A_2018 = tpu.vector_load %arg7[%get3A_2016, %get3A_2017] {strides = array<i32>} : memref<320x128xf32, #tpu.memory_space<vmem>>, vector<16xf32>,
            %add3A_2019 = arith.constant 12 : i32
            %add3A_2020 = arith.addi %add3A_244, %add3A_2019 : i32
            %get3A_2021 = arith.index_cast %add3A_2020 : i32 to index
            %get3A_2022 = arith.constant 48 : index
            %get3A_2023 = tpu.vector_load %arg7[%get3A_2021, %get3A_2022] {strides = array<i32>} : memref<320x128xf32, #tpu.memory_space<vmem>>, vector<16xf32>,
            %add3A_2024 = arith.constant 12 : i32
            %add3A_2025 = arith.addi %add3A_244, %add3A_2024 : i32
            %get3A_2026 = arith.index_cast %add3A_2025 : i32 to index
            %get3A_2027 = arith.constant 64 : index
            %get3A_2028 = tpu.vector_load %arg7[%get3A_2026, %get3A_2027] {strides = array<i32>} : memref<320x128xf32, #tpu.memory_space<vmem>>, vector<16xf32>,
            %add3A_2029 = arith.constant 12 : i32
            %add3A_2030 = arith.addi %add3A_244, %add3A_2029 : i32
            %get3A_2031 = arith.index_cast %add3A_2030 : i32 to index
            %get3A_2032 = arith.constant 80 : index
            %get3A_2033 = tpu.vector_load %arg7[%get3A_2031, %get3A_2032] {strides = array<i32>} : memref<320x128xf32, #tpu.memory_space<vmem>>, vector<16xf32>,
            %add3A_2034 = arith.constant 12 : i32
            %add3A_2035 = arith.addi %add3A_244, %add3A_2034 : i32
            %get3A_2036 = arith.index_cast %add3A_2035 : i32 to index
            %get3A_2037 = arith.constant 96 : index
            %get3A_2038 = tpu.vector_load %arg7[%get3A_2036, %get3A_2037] {strides = array<i32>} : memref<320x128xf32, #tpu.memory_space<vmem>>, vector<16xf32>,
            %add3A_2039 = arith.constant 12 : i32
            %add3A_2040 = arith.addi %add3A_244, %add3A_2039 : i32
            %get3A_2041 = arith.index_cast %add3A_2040 : i32 to index
            %get3A_2042 = arith.constant 112 : index
            %get3A_2043 = tpu.vector_load %arg7[%get3A_2041, %get3A_2042] {strides = array<i32>} : memref<320x128xf32, #tpu.memory_space<vmem>>, vector<16xf32>,
            %mul3A_2044 = arith.mulf %get3A_2008, %broadcast_in_dim3A_2003 : vector<16xf32>
            %add3A_2045 = arith.addf %add3A_1986, %mul3A_2044 : vector<16xf32>
            %mul3A_2046 = arith.mulf %get3A_2013, %broadcast_in_dim3A_2003 : vector<16xf32>
            %add3A_2047 = arith.addf %add3A_1988, %mul3A_2046 : vector<16xf32>
            %mul3A_2048 = arith.mulf %get3A_2018, %broadcast_in_dim3A_2003 : vector<16xf32>
            %add3A_2049 = arith.addf %add3A_1990, %mul3A_2048 : vector<16xf32>
            %mul3A_2050 = arith.mulf %get3A_2023, %broadcast_in_dim3A_2003 : vector<16xf32>
            %add3A_2051 = arith.addf %add3A_1992, %mul3A_2050 : vector<16xf32>
            %mul3A_2052 = arith.mulf %get3A_2028, %broadcast_in_dim3A_2003 : vector<16xf32>
            %add3A_2053 = arith.addf %add3A_1994, %mul3A_2052 : vector<16xf32>
            %mul3A_2054 = arith.mulf %get3A_2033, %broadcast_in_dim3A_2003 : vector<16xf32>
            %add3A_2055 = arith.addf %add3A_1996, %mul3A_2054 : vector<16xf32>
            %mul3A_2056 = arith.mulf %get3A_2038, %broadcast_in_dim3A_2003 : vector<16xf32>
            %add3A_2057 = arith.addf %add3A_1998, %mul3A_2056 : vector<16xf32>
            %mul3A_2058 = arith.mulf %get3A_2043, %broadcast_in_dim3A_2003 : vector<16xf32>
            %add3A_2059 = arith.addf %add3A_2000, %mul3A_2058 : vector<16xf32>
            %slice3A_2060 = vector.extract_strided_slice %div3A_1292 {offsets = [13], sizes = [1], strides = [1]} : vector<16xf32> to vector<1xf32>
            %squeeze3A_2061 = vector.extract %slice3A_2060[0] : f32 from vector<1xf32>
            %broadcast_in_dim3A_2062 = vector.broadcast %squeeze3A_2061 : f32 to vector<16xf32>
            %add3A_2063 = arith.constant 13 : i32
            %add3A_2064 = arith.addi %add3A_244, %add3A_2063 : i32
            %get3A_2065 = arith.index_cast %add3A_2064 : i32 to index
            %get3A_2066 = arith.constant 0 : index
            %get3A_2067 = tpu.vector_load %arg7[%get3A_2065, %get3A_2066] {strides = array<i32>} : memref<320x128xf32, #tpu.memory_space<vmem>>, vector<16xf32>,
            %add3A_2068 = arith.constant 13 : i32
            %add3A_2069 = arith.addi %add3A_244, %add3A_2068 : i32
            %get3A_2070 = arith.index_cast %add3A_2069 : i32 to index
            %get3A_2071 = arith.constant 16 : index
            %get3A_2072 = tpu.vector_load %arg7[%get3A_2070, %get3A_2071] {strides = array<i32>} : memref<320x128xf32, #tpu.memory_space<vmem>>, vector<16xf32>,
            %add3A_2073 = arith.constant 13 : i32
            %add3A_2074 = arith.addi %add3A_244, %add3A_2073 : i32
            %get3A_2075 = arith.index_cast %add3A_2074 : i32 to index
            %get3A_2076 = arith.constant 32 : index
            %get3A_2077 = tpu.vector_load %arg7[%get3A_2075, %get3A_2076] {strides = array<i32>} : memref<320x128xf32, #tpu.memory_space<vmem>>, vector<16xf32>,
            %add3A_2078 = arith.constant 13 : i32
            %add3A_2079 = arith.addi %add3A_244, %add3A_2078 : i32
            %get3A_2080 = arith.index_cast %add3A_2079 : i32 to index
            %get3A_2081 = arith.constant 48 : index
            %get3A_2082 = tpu.vector_load %arg7[%get3A_2080, %get3A_2081] {strides = array<i32>} : memref<320x128xf32, #tpu.memory_space<vmem>>, vector<16xf32>,
            %add3A_2083 = arith.constant 13 : i32
            %add3A_2084 = arith.addi %add3A_244, %add3A_2083 : i32
            %get3A_2085 = arith.index_cast %add3A_2084 : i32 to index
            %get3A_2086 = arith.constant 64 : index
            %get3A_2087 = tpu.vector_load %arg7[%get3A_2085, %get3A_2086] {strides = array<i32>} : memref<320x128xf32, #tpu.memory_space<vmem>>, vector<16xf32>,
            %add3A_2088 = arith.constant 13 : i32
            %add3A_2089 = arith.addi %add3A_244, %add3A_2088 : i32
            %get3A_2090 = arith.index_cast %add3A_2089 : i32 to index
            %get3A_2091 = arith.constant 80 : index
            %get3A_2092 = tpu.vector_load %arg7[%get3A_2090, %get3A_2091] {strides = array<i32>} : memref<320x128xf32, #tpu.memory_space<vmem>>, vector<16xf32>,
            %add3A_2093 = arith.constant 13 : i32
            %add3A_2094 = arith.addi %add3A_244, %add3A_2093 : i32
            %get3A_2095 = arith.index_cast %add3A_2094 : i32 to index
            %get3A_2096 = arith.constant 96 : index
            %get3A_2097 = tpu.vector_load %arg7[%get3A_2095, %get3A_2096] {strides = array<i32>} : memref<320x128xf32, #tpu.memory_space<vmem>>, vector<16xf32>,
            %add3A_2098 = arith.constant 13 : i32
            %add3A_2099 = arith.addi %add3A_244, %add3A_2098 : i32
            %get3A_2100 = arith.index_cast %add3A_2099 : i32 to index
            %get3A_2101 = arith.constant 112 : index
            %get3A_2102 = tpu.vector_load %arg7[%get3A_2100, %get3A_2101] {strides = array<i32>} : memref<320x128xf32, #tpu.memory_space<vmem>>, vector<16xf32>,
            %mul3A_2103 = arith.mulf %get3A_2067, %broadcast_in_dim3A_2062 : vector<16xf32>
            %add3A_2104 = arith.addf %add3A_2045, %mul3A_2103 : vector<16xf32>
            %mul3A_2105 = arith.mulf %get3A_2072, %broadcast_in_dim3A_2062 : vector<16xf32>
            %add3A_2106 = arith.addf %add3A_2047, %mul3A_2105 : vector<16xf32>
            %mul3A_2107 = arith.mulf %get3A_2077, %broadcast_in_dim3A_2062 : vector<16xf32>
            %add3A_2108 = arith.addf %add3A_2049, %mul3A_2107 : vector<16xf32>
            %mul3A_2109 = arith.mulf %get3A_2082, %broadcast_in_dim3A_2062 : vector<16xf32>
            %add3A_2110 = arith.addf %add3A_2051, %mul3A_2109 : vector<16xf32>
            %mul3A_2111 = arith.mulf %get3A_2087, %broadcast_in_dim3A_2062 : vector<16xf32>
            %add3A_2112 = arith.addf %add3A_2053, %mul3A_2111 : vector<16xf32>
            %mul3A_2113 = arith.mulf %get3A_2092, %broadcast_in_dim3A_2062 : vector<16xf32>
            %add3A_2114 = arith.addf %add3A_2055, %mul3A_2113 : vector<16xf32>
            %mul3A_2115 = arith.mulf %get3A_2097, %broadcast_in_dim3A_2062 : vector<16xf32>
            %add3A_2116 = arith.addf %add3A_2057, %mul3A_2115 : vector<16xf32>
            %mul3A_2117 = arith.mulf %get3A_2102, %broadcast_in_dim3A_2062 : vector<16xf32>
            %add3A_2118 = arith.addf %add3A_2059, %mul3A_2117 : vector<16xf32>
            %slice3A_2119 = vector.extract_strided_slice %div3A_1292 {offsets = [14], sizes = [1], strides = [1]} : vector<16xf32> to vector<1xf32>
            %squeeze3A_2120 = vector.extract %slice3A_2119[0] : f32 from vector<1xf32>
            %broadcast_in_dim3A_2121 = vector.broadcast %squeeze3A_2120 : f32 to vector<16xf32>
            %add3A_2122 = arith.constant 14 : i32
            %add3A_2123 = arith.addi %add3A_244, %add3A_2122 : i32
            %get3A_2124 = arith.index_cast %add3A_2123 : i32 to index
            %get3A_2125 = arith.constant 0 : index
            %get3A_2126 = tpu.vector_load %arg7[%get3A_2124, %get3A_2125] {strides = array<i32>} : memref<320x128xf32, #tpu.memory_space<vmem>>, vector<16xf32>,
            %add3A_2127 = arith.constant 14 : i32
            %add3A_2128 = arith.addi %add3A_244, %add3A_2127 : i32
            %get3A_2129 = arith.index_cast %add3A_2128 : i32 to index
            %get3A_2130 = arith.constant 16 : index
            %get3A_2131 = tpu.vector_load %arg7[%get3A_2129, %get3A_2130] {strides = array<i32>} : memref<320x128xf32, #tpu.memory_space<vmem>>, vector<16xf32>,
            %add3A_2132 = arith.constant 14 : i32
            %add3A_2133 = arith.addi %add3A_244, %add3A_2132 : i32
            %get3A_2134 = arith.index_cast %add3A_2133 : i32 to index
            %get3A_2135 = arith.constant 32 : index
            %get3A_2136 = tpu.vector_load %arg7[%get3A_2134, %get3A_2135] {strides = array<i32>} : memref<320x128xf32, #tpu.memory_space<vmem>>, vector<16xf32>,
            %add3A_2137 = arith.constant 14 : i32
            %add3A_2138 = arith.addi %add3A_244, %add3A_2137 : i32
            %get3A_2139 = arith.index_cast %add3A_2138 : i32 to index
            %get3A_2140 = arith.constant 48 : index
            %get3A_2141 = tpu.vector_load %arg7[%get3A_2139, %get3A_2140] {strides = array<i32>} : memref<320x128xf32, #tpu.memory_space<vmem>>, vector<16xf32>,
            %add3A_2142 = arith.constant 14 : i32
            %add3A_2143 = arith.addi %add3A_244, %add3A_2142 : i32
            %get3A_2144 = arith.index_cast %add3A_2143 : i32 to index
            %get3A_2145 = arith.constant 64 : index
            %get3A_2146 = tpu.vector_load %arg7[%get3A_2144, %get3A_2145] {strides = array<i32>} : memref<320x128xf32, #tpu.memory_space<vmem>>, vector<16xf32>,
            %add3A_2147 = arith.constant 14 : i32
            %add3A_2148 = arith.addi %add3A_244, %add3A_2147 : i32
            %get3A_2149 = arith.index_cast %add3A_2148 : i32 to index
            %get3A_2150 = arith.constant 80 : index
            %get3A_2151 = tpu.vector_load %arg7[%get3A_2149, %get3A_2150] {strides = array<i32>} : memref<320x128xf32, #tpu.memory_space<vmem>>, vector<16xf32>,
            %add3A_2152 = arith.constant 14 : i32
            %add3A_2153 = arith.addi %add3A_244, %add3A_2152 : i32
            %get3A_2154 = arith.index_cast %add3A_2153 : i32 to index
            %get3A_2155 = arith.constant 96 : index
            %get3A_2156 = tpu.vector_load %arg7[%get3A_2154, %get3A_2155] {strides = array<i32>} : memref<320x128xf32, #tpu.memory_space<vmem>>, vector<16xf32>,
            %add3A_2157 = arith.constant 14 : i32
            %add3A_2158 = arith.addi %add3A_244, %add3A_2157 : i32
            %get3A_2159 = arith.index_cast %add3A_2158 : i32 to index
            %get3A_2160 = arith.constant 112 : index
            %get3A_2161 = tpu.vector_load %arg7[%get3A_2159, %get3A_2160] {strides = array<i32>} : memref<320x128xf32, #tpu.memory_space<vmem>>, vector<16xf32>,
            %mul3A_2162 = arith.mulf %get3A_2126, %broadcast_in_dim3A_2121 : vector<16xf32>
            %add3A_2163 = arith.addf %add3A_2104, %mul3A_2162 : vector<16xf32>
            %mul3A_2164 = arith.mulf %get3A_2131, %broadcast_in_dim3A_2121 : vector<16xf32>
            %add3A_2165 = arith.addf %add3A_2106, %mul3A_2164 : vector<16xf32>
            %mul3A_2166 = arith.mulf %get3A_2136, %broadcast_in_dim3A_2121 : vector<16xf32>
            %add3A_2167 = arith.addf %add3A_2108, %mul3A_2166 : vector<16xf32>
            %mul3A_2168 = arith.mulf %get3A_2141, %broadcast_in_dim3A_2121 : vector<16xf32>
            %add3A_2169 = arith.addf %add3A_2110, %mul3A_2168 : vector<16xf32>
            %mul3A_2170 = arith.mulf %get3A_2146, %broadcast_in_dim3A_2121 : vector<16xf32>
            %add3A_2171 = arith.addf %add3A_2112, %mul3A_2170 : vector<16xf32>
            %mul3A_2172 = arith.mulf %get3A_2151, %broadcast_in_dim3A_2121 : vector<16xf32>
            %add3A_2173 = arith.addf %add3A_2114, %mul3A_2172 : vector<16xf32>
            %mul3A_2174 = arith.mulf %get3A_2156, %broadcast_in_dim3A_2121 : vector<16xf32>
            %add3A_2175 = arith.addf %add3A_2116, %mul3A_2174 : vector<16xf32>
            %mul3A_2176 = arith.mulf %get3A_2161, %broadcast_in_dim3A_2121 : vector<16xf32>
            %add3A_2177 = arith.addf %add3A_2118, %mul3A_2176 : vector<16xf32>
            %slice3A_2178 = vector.extract_strided_slice %div3A_1292 {offsets = [15], sizes = [1], strides = [1]} : vector<16xf32> to vector<1xf32>
            %squeeze3A_2179 = vector.extract %slice3A_2178[0] : f32 from vector<1xf32>
            %broadcast_in_dim3A_2180 = vector.broadcast %squeeze3A_2179 : f32 to vector<16xf32>
            %add3A_2181 = arith.constant 15 : i32
            %add3A_2182 = arith.addi %add3A_244, %add3A_2181 : i32
            %get3A_2183 = arith.index_cast %add3A_2182 : i32 to index
            %get3A_2184 = arith.constant 0 : index
            %get3A_2185 = tpu.vector_load %arg7[%get3A_2183, %get3A_2184] {strides = array<i32>} : memref<320x128xf32, #tpu.memory_space<vmem>>, vector<16xf32>,
            %add3A_2186 = arith.constant 15 : i32
            %add3A_2187 = arith.addi %add3A_244, %add3A_2186 : i32
            %get3A_2188 = arith.index_cast %add3A_2187 : i32 to index
            %get3A_2189 = arith.constant 16 : index
            %get3A_2190 = tpu.vector_load %arg7[%get3A_2188, %get3A_2189] {strides = array<i32>} : memref<320x128xf32, #tpu.memory_space<vmem>>, vector<16xf32>,
            %add3A_2191 = arith.constant 15 : i32
            %add3A_2192 = arith.addi %add3A_244, %add3A_2191 : i32
            %get3A_2193 = arith.index_cast %add3A_2192 : i32 to index
            %get3A_2194 = arith.constant 32 : index
            %get3A_2195 = tpu.vector_load %arg7[%get3A_2193, %get3A_2194] {strides = array<i32>} : memref<320x128xf32, #tpu.memory_space<vmem>>, vector<16xf32>,
            %add3A_2196 = arith.constant 15 : i32
            %add3A_2197 = arith.addi %add3A_244, %add3A_2196 : i32
            %get3A_2198 = arith.index_cast %add3A_2197 : i32 to index
            %get3A_2199 = arith.constant 48 : index
            %get3A_2200 = tpu.vector_load %arg7[%get3A_2198, %get3A_2199] {strides = array<i32>} : memref<320x128xf32, #tpu.memory_space<vmem>>, vector<16xf32>,
            %add3A_2201 = arith.constant 15 : i32
            %add3A_2202 = arith.addi %add3A_244, %add3A_2201 : i32
            %get3A_2203 = arith.index_cast %add3A_2202 : i32 to index
            %get3A_2204 = arith.constant 64 : index
            %get3A_2205 = tpu.vector_load %arg7[%get3A_2203, %get3A_2204] {strides = array<i32>} : memref<320x128xf32, #tpu.memory_space<vmem>>, vector<16xf32>,
            %add3A_2206 = arith.constant 15 : i32
            %add3A_2207 = arith.addi %add3A_244, %add3A_2206 : i32
            %get3A_2208 = arith.index_cast %add3A_2207 : i32 to index
            %get3A_2209 = arith.constant 80 : index
            %get3A_2210 = tpu.vector_load %arg7[%get3A_2208, %get3A_2209] {strides = array<i32>} : memref<320x128xf32, #tpu.memory_space<vmem>>, vector<16xf32>,
            %add3A_2211 = arith.constant 15 : i32
            %add3A_2212 = arith.addi %add3A_244, %add3A_2211 : i32
            %get3A_2213 = arith.index_cast %add3A_2212 : i32 to index
            %get3A_2214 = arith.constant 96 : index
            %get3A_2215 = tpu.vector_load %arg7[%get3A_2213, %get3A_2214] {strides = array<i32>} : memref<320x128xf32, #tpu.memory_space<vmem>>, vector<16xf32>,
            %add3A_2216 = arith.constant 15 : i32
            %add3A_2217 = arith.addi %add3A_244, %add3A_2216 : i32
            %get3A_2218 = arith.index_cast %add3A_2217 : i32 to index
            %get3A_2219 = arith.constant 112 : index
            %get3A_2220 = tpu.vector_load %arg7[%get3A_2218, %get3A_2219] {strides = array<i32>} : memref<320x128xf32, #tpu.memory_space<vmem>>, vector<16xf32>,
            %mul3A_2221 = arith.mulf %get3A_2185, %broadcast_in_dim3A_2180 : vector<16xf32>
            %add3A_2222 = arith.addf %add3A_2163, %mul3A_2221 : vector<16xf32>
            %mul3A_2223 = arith.mulf %get3A_2190, %broadcast_in_dim3A_2180 : vector<16xf32>
            %add3A_2224 = arith.addf %add3A_2165, %mul3A_2223 : vector<16xf32>
            %mul3A_2225 = arith.mulf %get3A_2195, %broadcast_in_dim3A_2180 : vector<16xf32>
            %add3A_2226 = arith.addf %add3A_2167, %mul3A_2225 : vector<16xf32>
            %mul3A_2227 = arith.mulf %get3A_2200, %broadcast_in_dim3A_2180 : vector<16xf32>
            %add3A_2228 = arith.addf %add3A_2169, %mul3A_2227 : vector<16xf32>
            %mul3A_2229 = arith.mulf %get3A_2205, %broadcast_in_dim3A_2180 : vector<16xf32>
            %add3A_2230 = arith.addf %add3A_2171, %mul3A_2229 : vector<16xf32>
            %mul3A_2231 = arith.mulf %get3A_2210, %broadcast_in_dim3A_2180 : vector<16xf32>
            %add3A_2232 = arith.addf %add3A_2173, %mul3A_2231 : vector<16xf32>
            %mul3A_2233 = arith.mulf %get3A_2215, %broadcast_in_dim3A_2180 : vector<16xf32>
            %add3A_2234 = arith.addf %add3A_2175, %mul3A_2233 : vector<16xf32>
            %mul3A_2235 = arith.mulf %get3A_2220, %broadcast_in_dim3A_2180 : vector<16xf32>
            %add3A_2236 = arith.addf %add3A_2177, %mul3A_2235 : vector<16xf32>
            scf.yield %add3A_2222, %add3A_2224, %add3A_2226, %add3A_2228, %add3A_2230, %add3A_2232, %add3A_2234, %add3A_2236 : vector<16xf32>, vector<16xf32>, vector<16xf32>, vector<16xf32>, vector<16xf32>, vector<16xf32>, vector<16xf32>, vector<16xf32>
          } else {
            %scan3A_295 = arith.constant 0 : i32
            %scan3A_296 = arith.constant 16 : i32
            %scan3A_297 = arith.addi %scan3A_295, %scan3A_296 : i32
            %scan3A_298 = arith.constant 1 : i32
            %scan3A_299:8 = scf.for %scan3A_301 = %scan3A_295 to %scan3A_297 step %scan3A_298 iter_args(%scan3A_302 = %select_n3A_282, %scan3A_303 = %select_n3A_283, %scan3A_304 = %select_n3A_284, %scan3A_305 = %select_n3A_285, %scan3A_306 = %select_n3A_286, %scan3A_307 = %select_n3A_287, %scan3A_308 = %select_n3A_288, %scan3A_309 = %select_n3A_289) -> (vector<16xf32>, vector<16xf32>, vector<16xf32>, vector<16xf32>, vector<16xf32>, vector<16xf32>, vector<16xf32>, vector<16xf32>)  : i32 {
              %add3A_310 = arith.addi %add3A_244, %scan3A_301 : i32
              %get3A_311 = arith.index_cast %add3A_310 : i32 to index
              %get3A_312 = arith.constant 0 : index
              %get3A_313 = tpu.vector_load %arg7[%get3A_311, %get3A_312] {strides = array<i32>} : memref<320x128xf32, #tpu.memory_space<vmem>>, vector<16xf32>,
              %add3A_314 = arith.addi %add3A_244, %scan3A_301 : i32
              %get3A_315 = arith.index_cast %add3A_314 : i32 to index
              %get3A_316 = arith.constant 16 : index
              %get3A_317 = tpu.vector_load %arg7[%get3A_315, %get3A_316] {strides = array<i32>} : memref<320x128xf32, #tpu.memory_space<vmem>>, vector<16xf32>,
              %add3A_318 = arith.addi %add3A_244, %scan3A_301 : i32
              %get3A_319 = arith.index_cast %add3A_318 : i32 to index
              %get3A_320 = arith.constant 32 : index
              %get3A_321 = tpu.vector_load %arg7[%get3A_319, %get3A_320] {strides = array<i32>} : memref<320x128xf32, #tpu.memory_space<vmem>>, vector<16xf32>,
              %add3A_322 = arith.addi %add3A_244, %scan3A_301 : i32
              %get3A_323 = arith.index_cast %add3A_322 : i32 to index
              %get3A_324 = arith.constant 48 : index
              %get3A_325 = tpu.vector_load %arg7[%get3A_323, %get3A_324] {strides = array<i32>} : memref<320x128xf32, #tpu.memory_space<vmem>>, vector<16xf32>,
              %add3A_326 = arith.addi %add3A_244, %scan3A_301 : i32
              %get3A_327 = arith.index_cast %add3A_326 : i32 to index
              %get3A_328 = arith.constant 64 : index
              %get3A_329 = tpu.vector_load %arg7[%get3A_327, %get3A_328] {strides = array<i32>} : memref<320x128xf32, #tpu.memory_space<vmem>>, vector<16xf32>,
              %add3A_330 = arith.addi %add3A_244, %scan3A_301 : i32
              %get3A_331 = arith.index_cast %add3A_330 : i32 to index
              %get3A_332 = arith.constant 80 : index
              %get3A_333 = tpu.vector_load %arg7[%get3A_331, %get3A_332] {strides = array<i32>} : memref<320x128xf32, #tpu.memory_space<vmem>>, vector<16xf32>,
              %add3A_334 = arith.addi %add3A_244, %scan3A_301 : i32
              %get3A_335 = arith.index_cast %add3A_334 : i32 to index
              %get3A_336 = arith.constant 96 : index
              %get3A_337 = tpu.vector_load %arg7[%get3A_335, %get3A_336] {strides = array<i32>} : memref<320x128xf32, #tpu.memory_space<vmem>>, vector<16xf32>,
              %add3A_338 = arith.addi %add3A_244, %scan3A_301 : i32
              %get3A_339 = arith.index_cast %add3A_338 : i32 to index
              %get3A_340 = arith.constant 112 : index
              %get3A_341 = tpu.vector_load %arg7[%get3A_339, %get3A_340] {strides = array<i32>} : memref<320x128xf32, #tpu.memory_space<vmem>>, vector<16xf32>,
              %mul3A_342 = arith.mulf %get3A_313, %get3A_1 : vector<16xf32>
              %mul3A_343 = arith.mulf %get3A_329, %get3A_9 : vector<16xf32>
              %mul3A_344 = arith.mulf %get3A_317, %get3A_3 : vector<16xf32>
              %add3A_345 = arith.addf %mul3A_342, %mul3A_344 : vector<16xf32>
              %mul3A_346 = arith.mulf %get3A_321, %get3A_5 : vector<16xf32>
              %add3A_347 = arith.addf %add3A_345, %mul3A_346 : vector<16xf32>
              %mul3A_348 = arith.mulf %get3A_325, %get3A_7 : vector<16xf32>
              %add3A_349 = arith.addf %add3A_347, %mul3A_348 : vector<16xf32>
              %mul3A_350 = arith.mulf %get3A_333, %get3A_11 : vector<16xf32>
              %add3A_351 = arith.addf %mul3A_343, %mul3A_350 : vector<16xf32>
              %mul3A_352 = arith.mulf %get3A_337, %get3A_13 : vector<16xf32>
              %add3A_353 = arith.addf %add3A_351, %mul3A_352 : vector<16xf32>
              %mul3A_354 = arith.mulf %get3A_341, %get3A_15 : vector<16xf32>
              %add3A_355 = arith.addf %add3A_353, %mul3A_354 : vector<16xf32>
              %add3A_356 = arith.addf %add3A_349, %add3A_355 : vector<16xf32>
              %reduce_sum3A = arith.constant true
              %reduce_sum3A_357 = vector.broadcast %reduce_sum3A : i1 to vector<16xi1>
              %reduce_sum3A_358 = tpu.scan <sum>, %add3A_356 masked %reduce_sum3A_357 : vector<16xf32>, vector<16xi1> -> vector<16xf32>
              %reduce_sum3A_359 = vector.extract %reduce_sum3A_358[15] : f32 from vector<16xf32>
              %broadcast_in_dim3A_360 = vector.broadcast %reduce_sum3A_359 : f32 to vector<16xf32>
              %add3A_361 = arith.addf %broadcast_in_dim3A_360, %get3A_17 : vector<16xf32>
              %neg3A = arith.constant 0.000000e+00 : f32
              %neg3A_362 = vector.broadcast %neg3A : f32 to vector<16xf32>
              %neg3A_363 = arith.subf %neg3A_362, %add3A_361 : vector<16xf32>
              %exp3A = math.exp %neg3A_363 : vector<16xf32>
              %add3A_364 = arith.constant 1.000000e+00 : f32
              %add3A_365 = vector.broadcast %add3A_364 : f32 to vector<16xf32>
              %add3A_366 = arith.addf %add3A_365, %exp3A : vector<16xf32>
              %div3A = arith.constant 1.000000e+00 : f32
              %div3A_367 = vector.broadcast %div3A : f32 to vector<16xf32>
              %div3A_368 = arith.divf %div3A_367, %add3A_366 : vector<16xf32>
              %add3A_369 = arith.addi %add3A_244, %scan3A_301 : i32
              %get3A_370 = arith.index_cast %add3A_369 : i32 to index
              %get3A_371 = tpu.vector_load %arg8[%get3A_370] {strides = array<i32>} : memref<336xi32, #tpu.memory_space<vmem>>, vector<16xi32>,
              %slice3A_372 = vector.extract_strided_slice %get3A_371 {offsets = [0], sizes = [1], strides = [1]} : vector<16xi32> to vector<1xi32>
              %squeeze3A_373 = vector.extract %slice3A_372[0] : i32 from vector<1xi32>
              %eq3A_374 = arith.cmpi eq, %squeeze3A_373, %squeeze3A_248 : i32
              %mul3A_375 = arith.mulf %get3A_313, %div3A_368 : vector<16xf32>
              %mul3A_376 = arith.mulf %get3A_317, %div3A_368 : vector<16xf32>
              %mul3A_377 = arith.mulf %get3A_321, %div3A_368 : vector<16xf32>
              %mul3A_378 = arith.mulf %get3A_325, %div3A_368 : vector<16xf32>
              %mul3A_379 = arith.mulf %get3A_329, %div3A_368 : vector<16xf32>
              %mul3A_380 = arith.mulf %get3A_333, %div3A_368 : vector<16xf32>
              %mul3A_381 = arith.mulf %get3A_337, %div3A_368 : vector<16xf32>
              %mul3A_382 = arith.mulf %get3A_341, %div3A_368 : vector<16xf32>
              %select_n3A_383 = arith.select %eq3A_374, %broadcast_in_dim3A_18, %mul3A_375 : vector<16xf32>
              %swap3A_384 = arith.index_cast %squeeze3A_373 : i32 to index
              %swap3A_385 = arith.constant 0 : index
              %swap3A_386 = tpu.vector_load %arg9[%swap3A_384, %swap3A_385] {strides = array<i32>} : memref<256x128xf32, #tpu.memory_space<vmem>>, vector<16xf32>,
              tpu.vector_store %arg9[%swap3A_384, %swap3A_385], %select_n3A_383 {add = true, strides = array<i32>} : memref<256x128xf32, #tpu.memory_space<vmem>>, vector<16xf32>,
              %select_n3A_387 = arith.select %eq3A_374, %broadcast_in_dim3A_18, %mul3A_376 : vector<16xf32>
              %swap3A_388 = arith.index_cast %squeeze3A_373 : i32 to index
              %swap3A_389 = arith.constant 16 : index
              %swap3A_390 = tpu.vector_load %arg9[%swap3A_388, %swap3A_389] {strides = array<i32>} : memref<256x128xf32, #tpu.memory_space<vmem>>, vector<16xf32>,
              tpu.vector_store %arg9[%swap3A_388, %swap3A_389], %select_n3A_387 {add = true, strides = array<i32>} : memref<256x128xf32, #tpu.memory_space<vmem>>, vector<16xf32>,
              %select_n3A_391 = arith.select %eq3A_374, %broadcast_in_dim3A_18, %mul3A_377 : vector<16xf32>
              %swap3A_392 = arith.index_cast %squeeze3A_373 : i32 to index
              %swap3A_393 = arith.constant 32 : index
              %swap3A_394 = tpu.vector_load %arg9[%swap3A_392, %swap3A_393] {strides = array<i32>} : memref<256x128xf32, #tpu.memory_space<vmem>>, vector<16xf32>,
              tpu.vector_store %arg9[%swap3A_392, %swap3A_393], %select_n3A_391 {add = true, strides = array<i32>} : memref<256x128xf32, #tpu.memory_space<vmem>>, vector<16xf32>,
              %select_n3A_395 = arith.select %eq3A_374, %broadcast_in_dim3A_18, %mul3A_378 : vector<16xf32>
              %swap3A_396 = arith.index_cast %squeeze3A_373 : i32 to index
              %swap3A_397 = arith.constant 48 : index
              %swap3A_398 = tpu.vector_load %arg9[%swap3A_396, %swap3A_397] {strides = array<i32>} : memref<256x128xf32, #tpu.memory_space<vmem>>, vector<16xf32>,
              tpu.vector_store %arg9[%swap3A_396, %swap3A_397], %select_n3A_395 {add = true, strides = array<i32>} : memref<256x128xf32, #tpu.memory_space<vmem>>, vector<16xf32>,
              %select_n3A_399 = arith.select %eq3A_374, %broadcast_in_dim3A_18, %mul3A_379 : vector<16xf32>
              %swap3A_400 = arith.index_cast %squeeze3A_373 : i32 to index
              %swap3A_401 = arith.constant 64 : index
              %swap3A_402 = tpu.vector_load %arg9[%swap3A_400, %swap3A_401] {strides = array<i32>} : memref<256x128xf32, #tpu.memory_space<vmem>>, vector<16xf32>,
              tpu.vector_store %arg9[%swap3A_400, %swap3A_401], %select_n3A_399 {add = true, strides = array<i32>} : memref<256x128xf32, #tpu.memory_space<vmem>>, vector<16xf32>,
              %select_n3A_403 = arith.select %eq3A_374, %broadcast_in_dim3A_18, %mul3A_380 : vector<16xf32>
              %swap3A_404 = arith.index_cast %squeeze3A_373 : i32 to index
              %swap3A_405 = arith.constant 80 : index
              %swap3A_406 = tpu.vector_load %arg9[%swap3A_404, %swap3A_405] {strides = array<i32>} : memref<256x128xf32, #tpu.memory_space<vmem>>, vector<16xf32>,
              tpu.vector_store %arg9[%swap3A_404, %swap3A_405], %select_n3A_403 {add = true, strides = array<i32>} : memref<256x128xf32, #tpu.memory_space<vmem>>, vector<16xf32>,
              %select_n3A_407 = arith.select %eq3A_374, %broadcast_in_dim3A_18, %mul3A_381 : vector<16xf32>
              %swap3A_408 = arith.index_cast %squeeze3A_373 : i32 to index
              %swap3A_409 = arith.constant 96 : index
              %swap3A_410 = tpu.vector_load %arg9[%swap3A_408, %swap3A_409] {strides = array<i32>} : memref<256x128xf32, #tpu.memory_space<vmem>>, vector<16xf32>,
              tpu.vector_store %arg9[%swap3A_408, %swap3A_409], %select_n3A_407 {add = true, strides = array<i32>} : memref<256x128xf32, #tpu.memory_space<vmem>>, vector<16xf32>,
              %select_n3A_411 = arith.select %eq3A_374, %broadcast_in_dim3A_18, %mul3A_382 : vector<16xf32>
              %swap3A_412 = arith.index_cast %squeeze3A_373 : i32 to index
              %swap3A_413 = arith.constant 112 : index
              %swap3A_414 = tpu.vector_load %arg9[%swap3A_412, %swap3A_413] {strides = array<i32>} : memref<256x128xf32, #tpu.memory_space<vmem>>, vector<16xf32>,
              tpu.vector_store %arg9[%swap3A_412, %swap3A_413], %select_n3A_411 {add = true, strides = array<i32>} : memref<256x128xf32, #tpu.memory_space<vmem>>, vector<16xf32>,
              %select_n3A_415 = arith.select %eq3A_374, %mul3A_375, %broadcast_in_dim3A_18 : vector<16xf32>
              %add3A_416 = arith.addf %scan3A_302, %select_n3A_415 : vector<16xf32>
              %select_n3A_417 = arith.select %eq3A_374, %mul3A_376, %broadcast_in_dim3A_18 : vector<16xf32>
              %add3A_418 = arith.addf %scan3A_303, %select_n3A_417 : vector<16xf32>
              %select_n3A_419 = arith.select %eq3A_374, %mul3A_377, %broadcast_in_dim3A_18 : vector<16xf32>
              %add3A_420 = arith.addf %scan3A_304, %select_n3A_419 : vector<16xf32>
              %select_n3A_421 = arith.select %eq3A_374, %mul3A_378, %broadcast_in_dim3A_18 : vector<16xf32>
              %add3A_422 = arith.addf %scan3A_305, %select_n3A_421 : vector<16xf32>
              %select_n3A_423 = arith.select %eq3A_374, %mul3A_379, %broadcast_in_dim3A_18 : vector<16xf32>
              %add3A_424 = arith.addf %scan3A_306, %select_n3A_423 : vector<16xf32>
              %select_n3A_425 = arith.select %eq3A_374, %mul3A_380, %broadcast_in_dim3A_18 : vector<16xf32>
              %add3A_426 = arith.addf %scan3A_307, %select_n3A_425 : vector<16xf32>
              %select_n3A_427 = arith.select %eq3A_374, %mul3A_381, %broadcast_in_dim3A_18 : vector<16xf32>
              %add3A_428 = arith.addf %scan3A_308, %select_n3A_427 : vector<16xf32>
              %select_n3A_429 = arith.select %eq3A_374, %mul3A_382, %broadcast_in_dim3A_18 : vector<16xf32>
              %add3A_430 = arith.addf %scan3A_309, %select_n3A_429 : vector<16xf32>
              scf.yield %add3A_416, %add3A_418, %add3A_420, %add3A_422, %add3A_424, %add3A_426, %add3A_428, %add3A_430 : vector<16xf32>, vector<16xf32>, vector<16xf32>, vector<16xf32>, vector<16xf32>, vector<16xf32>, vector<16xf32>, vector<16xf32>
            }
            %scan3A_300 = arith.constant 16 : i32
            scf.yield %scan3A_299#0, %scan3A_299#1, %scan3A_299#2, %scan3A_299#3, %scan3A_299#4, %scan3A_299#5, %scan3A_299#6, %scan3A_299#7 : vector<16xf32>, vector<16xf32>, vector<16xf32>, vector<16xf32>, vector<16xf32>, vector<16xf32>, vector<16xf32>, vector<16xf32>
          }
          scf.yield %squeeze3A_248, %cond3A_294#0, %cond3A_294#1, %cond3A_294#2, %cond3A_294#3, %cond3A_294#4, %cond3A_294#5, %cond3A_294#6, %cond3A_294#7 : i32, vector<16xf32>, vector<16xf32>, vector<16xf32>, vector<16xf32>, vector<16xf32>, vector<16xf32>, vector<16xf32>, vector<16xf32>
        }
        %scan3A_197 = arith.constant 10 : i32
        %swap3A_198 = arith.index_cast %scan3A_196#0 : i32 to index
        %swap3A_199 = arith.constant 0 : index
        %swap3A_200 = tpu.vector_load %arg9[%swap3A_198, %swap3A_199] {strides = array<i32>} : memref<256x128xf32, #tpu.memory_space<vmem>>, vector<16xf32>,
        tpu.vector_store %arg9[%swap3A_198, %swap3A_199], %scan3A_196#1 {add = true, strides = array<i32>} : memref<256x128xf32, #tpu.memory_space<vmem>>, vector<16xf32>,
        %swap3A_201 = arith.index_cast %scan3A_196#0 : i32 to index
        %swap3A_202 = arith.constant 16 : index
        %swap3A_203 = tpu.vector_load %arg9[%swap3A_201, %swap3A_202] {strides = array<i32>} : memref<256x128xf32, #tpu.memory_space<vmem>>, vector<16xf32>,
        tpu.vector_store %arg9[%swap3A_201, %swap3A_202], %scan3A_196#2 {add = true, strides = array<i32>} : memref<256x128xf32, #tpu.memory_space<vmem>>, vector<16xf32>,
        %swap3A_204 = arith.index_cast %scan3A_196#0 : i32 to index
        %swap3A_205 = arith.constant 32 : index
        %swap3A_206 = tpu.vector_load %arg9[%swap3A_204, %swap3A_205] {strides = array<i32>} : memref<256x128xf32, #tpu.memory_space<vmem>>, vector<16xf32>,
        tpu.vector_store %arg9[%swap3A_204, %swap3A_205], %scan3A_196#3 {add = true, strides = array<i32>} : memref<256x128xf32, #tpu.memory_space<vmem>>, vector<16xf32>,
        %swap3A_207 = arith.index_cast %scan3A_196#0 : i32 to index
        %swap3A_208 = arith.constant 48 : index
        %swap3A_209 = tpu.vector_load %arg9[%swap3A_207, %swap3A_208] {strides = array<i32>} : memref<256x128xf32, #tpu.memory_space<vmem>>, vector<16xf32>,
        tpu.vector_store %arg9[%swap3A_207, %swap3A_208], %scan3A_196#4 {add = true, strides = array<i32>} : memref<256x128xf32, #tpu.memory_space<vmem>>, vector<16xf32>,
        %swap3A_210 = arith.index_cast %scan3A_196#0 : i32 to index
        %swap3A_211 = arith.constant 64 : index
        %swap3A_212 = tpu.vector_load %arg9[%swap3A_210, %swap3A_211] {strides = array<i32>} : memref<256x128xf32, #tpu.memory_space<vmem>>, vector<16xf32>,
        tpu.vector_store %arg9[%swap3A_210, %swap3A_211], %scan3A_196#5 {add = true, strides = array<i32>} : memref<256x128xf32, #tpu.memory_space<vmem>>, vector<16xf32>,
        %swap3A_213 = arith.index_cast %scan3A_196#0 : i32 to index
        %swap3A_214 = arith.constant 80 : index
        %swap3A_215 = tpu.vector_load %arg9[%swap3A_213, %swap3A_214] {strides = array<i32>} : memref<256x128xf32, #tpu.memory_space<vmem>>, vector<16xf32>,
        tpu.vector_store %arg9[%swap3A_213, %swap3A_214], %scan3A_196#6 {add = true, strides = array<i32>} : memref<256x128xf32, #tpu.memory_space<vmem>>, vector<16xf32>,
        %swap3A_216 = arith.index_cast %scan3A_196#0 : i32 to index
        %swap3A_217 = arith.constant 96 : index
        %swap3A_218 = tpu.vector_load %arg9[%swap3A_216, %swap3A_217] {strides = array<i32>} : memref<256x128xf32, #tpu.memory_space<vmem>>, vector<16xf32>,
        tpu.vector_store %arg9[%swap3A_216, %swap3A_217], %scan3A_196#7 {add = true, strides = array<i32>} : memref<256x128xf32, #tpu.memory_space<vmem>>, vector<16xf32>,
        %swap3A_219 = arith.index_cast %scan3A_196#0 : i32 to index
        %swap3A_220 = arith.constant 112 : index
        %swap3A_221 = tpu.vector_load %arg9[%swap3A_219, %swap3A_220] {strides = array<i32>} : memref<256x128xf32, #tpu.memory_space<vmem>>, vector<16xf32>,
        tpu.vector_store %arg9[%swap3A_219, %swap3A_220], %scan3A_196#8 {add = true, strides = array<i32>} : memref<256x128xf32, #tpu.memory_space<vmem>>, vector<16xf32>,
        %eq3A_222 = arith.constant 0 : i32
        %eq3A_223 = arith.cmpi eq, %and3A_175, %eq3A_222 : i32
        %convert_element_type3A_224 = arith.extui %eq3A_223 : i1 to i32
        %cond3A_225 = arith.constant 0 : i32
        %cond3A_226 = arith.cmpi ne, %convert_element_type3A_224, %cond3A_225 : i32
        scf.if %cond3A_226 {
          %add3A_232 = arith.constant 2 : i32
          %add3A_233 = arith.addi %scan3A_166, %add3A_232 : i32
          %mul3A_234 = arith.constant 32 : i32
          %mul3A_235 = arith.muli %add3A_233, %mul3A_234 : i32
          %add3A_236 = arith.addi %add3A, %mul3A_235 : i32
          %lt3A_237 = arith.constant 625 : i32
          %lt3A_238 = arith.cmpi slt, %add3A_236, %lt3A_237 : i32
          %convert_element_type3A_239 = arith.extui %lt3A_238 : i1 to i32
          %cond3A_240 = arith.constant 0 : i32
          %cond3A_241 = arith.cmpi ne, %convert_element_type3A_239, %cond3A_240 : i32
          scf.if %cond3A_241 {
            %mul3A_242 = arith.constant 160 : i32
            %mul3A_243 = arith.muli %add3A_236, %mul3A_242 : i32
            %dma_start3A = arith.constant 0 : i32
            %dma_start3A_244 = arith.constant 0 : i32
            %dma_start3A_245 = tpu.memref_slice %arg7[%dma_start3A, %dma_start3A_244] : memref<320x128xf32, #tpu.memory_space<vmem>> -> memref<160x128xf32, #tpu.memory_space<vmem>>
            %dma_start3A_246 = arith.constant 0 : i32
            %dma_start3A_247 = tpu.memref_slice %arg2[%mul3A_243, %dma_start3A_246] : memref<100000x128xf32, #tpu.memory_space<hbm>> -> memref<160x128xf32, #tpu.memory_space<hbm>>
            %dma_start3A_248 = arith.constant 0 : i32
            %dma_start3A_249 = arith.constant 0 : i32
            %dma_start3A_250 = tpu.memref_slice %arg7[%dma_start3A_248, %dma_start3A_249] : memref<320x128xf32, #tpu.memory_space<vmem>> -> memref<160x128xf32, #tpu.memory_space<vmem>>
            %dma_start3A_251 = arith.constant 0 : i32
            %dma_start3A_252 = tpu.memref_slice %arg2[%mul3A_243, %dma_start3A_251] : memref<100000x128xf32, #tpu.memory_space<hbm>> -> memref<160x128xf32, #tpu.memory_space<hbm>>
            tpu.enqueue_dma source(%dma_start3A_252 : memref<160x128xf32, #tpu.memory_space<hbm>>) target(%dma_start3A_250 : memref<160x128xf32, #tpu.memory_space<vmem>>) target_semaphore(%arg15 : memref<!tpu.dma_semaphore, #tpu.memory_space<semaphore_mem>>)
            %dma_start3A_253 = arith.constant 0 : i32
            %dma_start3A_254 = tpu.memref_slice %arg8[%dma_start3A_253] : memref<336xi32, #tpu.memory_space<vmem>> -> memref<160xi32, #tpu.memory_space<vmem>>
            %dma_start3A_255 = tpu.memref_slice %arg3[%mul3A_243] : memref<100000xi32, #tpu.memory_space<hbm>> -> memref<160xi32, #tpu.memory_space<hbm>>
            %dma_start3A_256 = arith.constant 0 : i32
            %dma_start3A_257 = tpu.memref_slice %arg8[%dma_start3A_256] : memref<336xi32, #tpu.memory_space<vmem>> -> memref<160xi32, #tpu.memory_space<vmem>>
            %dma_start3A_258 = tpu.memref_slice %arg3[%mul3A_243] : memref<100000xi32, #tpu.memory_space<hbm>> -> memref<160xi32, #tpu.memory_space<hbm>>
            tpu.enqueue_dma source(%dma_start3A_258 : memref<160xi32, #tpu.memory_space<hbm>>) target(%dma_start3A_257 : memref<160xi32, #tpu.memory_space<vmem>>) target_semaphore(%arg16 : memref<!tpu.dma_semaphore, #tpu.memory_space<semaphore_mem>>)
          } else {
          }
        } else {
        }
        %eq3A_227 = arith.constant 1 : i32
        %eq3A_228 = arith.cmpi eq, %and3A_175, %eq3A_227 : i32
        %convert_element_type3A_229 = arith.extui %eq3A_228 : i1 to i32
        %cond3A_230 = arith.constant 0 : i32
        %cond3A_231 = arith.cmpi ne, %convert_element_type3A_229, %cond3A_230 : i32
        scf.if %cond3A_231 {
          %add3A_232 = arith.constant 2 : i32
          %add3A_233 = arith.addi %scan3A_166, %add3A_232 : i32
          %mul3A_234 = arith.constant 32 : i32
          %mul3A_235 = arith.muli %add3A_233, %mul3A_234 : i32
          %add3A_236 = arith.addi %add3A, %mul3A_235 : i32
          %lt3A_237 = arith.constant 625 : i32
          %lt3A_238 = arith.cmpi slt, %add3A_236, %lt3A_237 : i32
          %convert_element_type3A_239 = arith.extui %lt3A_238 : i1 to i32
          %cond3A_240 = arith.constant 0 : i32
          %cond3A_241 = arith.cmpi ne, %convert_element_type3A_239, %cond3A_240 : i32
          scf.if %cond3A_241 {
            %mul3A_242 = arith.constant 160 : i32
            %mul3A_243 = arith.muli %add3A_236, %mul3A_242 : i32
            %dma_start3A = arith.constant 160 : i32
            %dma_start3A_244 = arith.constant 0 : i32
            %dma_start3A_245 = tpu.memref_slice %arg7[%dma_start3A, %dma_start3A_244] : memref<320x128xf32, #tpu.memory_space<vmem>> -> memref<160x128xf32, #tpu.memory_space<vmem>>
            %dma_start3A_246 = arith.constant 0 : i32
            %dma_start3A_247 = tpu.memref_slice %arg2[%mul3A_243, %dma_start3A_246] : memref<100000x128xf32, #tpu.memory_space<hbm>> -> memref<160x128xf32, #tpu.memory_space<hbm>>
            %dma_start3A_248 = arith.constant 160 : i32
            %dma_start3A_249 = arith.constant 0 : i32
            %dma_start3A_250 = tpu.memref_slice %arg7[%dma_start3A_248, %dma_start3A_249] : memref<320x128xf32, #tpu.memory_space<vmem>> -> memref<160x128xf32, #tpu.memory_space<vmem>>
            %dma_start3A_251 = arith.constant 0 : i32
            %dma_start3A_252 = tpu.memref_slice %arg2[%mul3A_243, %dma_start3A_251] : memref<100000x128xf32, #tpu.memory_space<hbm>> -> memref<160x128xf32, #tpu.memory_space<hbm>>
            tpu.enqueue_dma source(%dma_start3A_252 : memref<160x128xf32, #tpu.memory_space<hbm>>) target(%dma_start3A_250 : memref<160x128xf32, #tpu.memory_space<vmem>>) target_semaphore(%arg17 : memref<!tpu.dma_semaphore, #tpu.memory_space<semaphore_mem>>)
            %dma_start3A_253 = arith.constant 160 : i32
            %dma_start3A_254 = tpu.memref_slice %arg8[%dma_start3A_253] : memref<336xi32, #tpu.memory_space<vmem>> -> memref<160xi32, #tpu.memory_space<vmem>>
            %dma_start3A_255 = tpu.memref_slice %arg3[%mul3A_243] : memref<100000xi32, #tpu.memory_space<hbm>> -> memref<160xi32, #tpu.memory_space<hbm>>
            %dma_start3A_256 = arith.constant 160 : i32
            %dma_start3A_257 = tpu.memref_slice %arg8[%dma_start3A_256] : memref<336xi32, #tpu.memory_space<vmem>> -> memref<160xi32, #tpu.memory_space<vmem>>
            %dma_start3A_258 = tpu.memref_slice %arg3[%mul3A_243] : memref<100000xi32, #tpu.memory_space<hbm>> -> memref<160xi32, #tpu.memory_space<hbm>>
            tpu.enqueue_dma source(%dma_start3A_258 : memref<160xi32, #tpu.memory_space<hbm>>) target(%dma_start3A_257 : memref<160xi32, #tpu.memory_space<vmem>>) target_semaphore(%arg18 : memref<!tpu.dma_semaphore, #tpu.memory_space<semaphore_mem>>)
          } else {
          }
        } else {
        }
      } else {
      }
    }
    %scan3A_158 = arith.constant 20 : i32
    %barrier3A_159 = arith.constant 0 : index
    tpu.barrier barrier_id(%barrier3A_159)
    %run_scoped3A = arith.constant 0 : i32
    "tpu.region"() ({
      %run_scoped3A_166 = tpu.sem_alloc : memref<!tpu.dma_semaphore, #tpu.memory_space<semaphore_mem>>
      %dma_start3A = arith.constant 0 : i32
      %dma_start3A_167 = arith.constant 0 : i32
      %dma_start3A_168 = tpu.memref_slice %arg9[%dma_start3A, %dma_start3A_167] : memref<256x128xf32, #tpu.memory_space<vmem>> -> memref<128x128xf32, #tpu.memory_space<vmem>>
      %dma_start3A_169 = arith.constant 0 : i32
      %dma_start3A_170 = tpu.memref_slice %arg12[%run_scoped3A, %dma_start3A_169] : memref<2x128xi32, #tpu.memory_space<vmem>> -> memref<1x128xi32, #tpu.memory_space<vmem>>
      %dma_start3A_171 = tpu.memref_squeeze %dma_start3A_170 : memref<1x128xi32, #tpu.memory_space<vmem>> -> memref<128xi32, #tpu.memory_space<vmem>>
      %dma_start3A_172 = arith.constant 0 : i32
      %dma_start3A_173 = arith.constant 0 : i32
      %dma_start3A_174 = tpu.memref_slice %arg14[%dma_start3A_172, %dma_start3A_173] : memref<256x128xf32, #tpu.memory_space<vmem_shared>> -> memref<256x128xf32, #tpu.memory_space<vmem_shared>>
      tpu.enqueue_indirect_dma source(%dma_start3A_168 : memref<128x128xf32, #tpu.memory_space<vmem>>) target(%dma_start3A_174 : memref<256x128xf32, #tpu.memory_space<vmem_shared>>) offsets(%dma_start3A_171 : memref<128xi32, #tpu.memory_space<vmem>>) semaphore(%run_scoped3A_166 : memref<!tpu.dma_semaphore, #tpu.memory_space<semaphore_mem>>) {add = true}
      %dma_wait3A = arith.constant 0 : i32
      %dma_wait3A_175 = arith.constant 0 : i32
      %dma_wait3A_176 = tpu.memref_slice %arg9[%dma_wait3A, %dma_wait3A_175] : memref<256x128xf32, #tpu.memory_space<vmem>> -> memref<128x128xf32, #tpu.memory_space<vmem>>
      %dma_wait3A_177 = arith.constant 0 : i32
      %dma_wait3A_178 = tpu.memref_slice %arg12[%run_scoped3A, %dma_wait3A_177] : memref<2x128xi32, #tpu.memory_space<vmem>> -> memref<1x128xi32, #tpu.memory_space<vmem>>
      %dma_wait3A_179 = tpu.memref_squeeze %dma_wait3A_178 : memref<1x128xi32, #tpu.memory_space<vmem>> -> memref<128xi32, #tpu.memory_space<vmem>>
      %dma_wait3A_180 = arith.constant 0 : i32
      %dma_wait3A_181 = arith.constant 0 : i32
      %dma_wait3A_182 = tpu.memref_slice %arg14[%dma_wait3A_180, %dma_wait3A_181] : memref<256x128xf32, #tpu.memory_space<vmem_shared>> -> memref<256x128xf32, #tpu.memory_space<vmem_shared>>
      tpu.wait_indirect_dma semaphore(%run_scoped3A_166 : memref<!tpu.dma_semaphore, #tpu.memory_space<semaphore_mem>>) src(%dma_wait3A_176 : memref<128x128xf32, #tpu.memory_space<vmem>>) dst(%dma_wait3A_182 : memref<256x128xf32, #tpu.memory_space<vmem_shared>>)
      tpu.yield
    }) : () -> ()
    %run_scoped3A_160 = arith.constant 1 : i32
    "tpu.region"() ({
      %run_scoped3A_166 = tpu.sem_alloc : memref<!tpu.dma_semaphore, #tpu.memory_space<semaphore_mem>>
      %dma_start3A = arith.constant 128 : i32
      %dma_start3A_167 = arith.constant 0 : i32
      %dma_start3A_168 = tpu.memref_slice %arg9[%dma_start3A, %dma_start3A_167] : memref<256x128xf32, #tpu.memory_space<vmem>> -> memref<128x128xf32, #tpu.memory_space<vmem>>
      %dma_start3A_169 = arith.constant 0 : i32
      %dma_start3A_170 = tpu.memref_slice %arg12[%run_scoped3A_160, %dma_start3A_169] : memref<2x128xi32, #tpu.memory_space<vmem>> -> memref<1x128xi32, #tpu.memory_space<vmem>>
      %dma_start3A_171 = tpu.memref_squeeze %dma_start3A_170 : memref<1x128xi32, #tpu.memory_space<vmem>> -> memref<128xi32, #tpu.memory_space<vmem>>
      %dma_start3A_172 = arith.constant 0 : i32
      %dma_start3A_173 = arith.constant 0 : i32
      %dma_start3A_174 = tpu.memref_slice %arg14[%dma_start3A_172, %dma_start3A_173] : memref<256x128xf32, #tpu.memory_space<vmem_shared>> -> memref<256x128xf32, #tpu.memory_space<vmem_shared>>
      tpu.enqueue_indirect_dma source(%dma_start3A_168 : memref<128x128xf32, #tpu.memory_space<vmem>>) target(%dma_start3A_174 : memref<256x128xf32, #tpu.memory_space<vmem_shared>>) offsets(%dma_start3A_171 : memref<128xi32, #tpu.memory_space<vmem>>) semaphore(%run_scoped3A_166 : memref<!tpu.dma_semaphore, #tpu.memory_space<semaphore_mem>>) {add = true}
      %dma_wait3A = arith.constant 128 : i32
      %dma_wait3A_175 = arith.constant 0 : i32
      %dma_wait3A_176 = tpu.memref_slice %arg9[%dma_wait3A, %dma_wait3A_175] : memref<256x128xf32, #tpu.memory_space<vmem>> -> memref<128x128xf32, #tpu.memory_space<vmem>>
      %dma_wait3A_177 = arith.constant 0 : i32
      %dma_wait3A_178 = tpu.memref_slice %arg12[%run_scoped3A_160, %dma_wait3A_177] : memref<2x128xi32, #tpu.memory_space<vmem>> -> memref<1x128xi32, #tpu.memory_space<vmem>>
      %dma_wait3A_179 = tpu.memref_squeeze %dma_wait3A_178 : memref<1x128xi32, #tpu.memory_space<vmem>> -> memref<128xi32, #tpu.memory_space<vmem>>
      %dma_wait3A_180 = arith.constant 0 : i32
      %dma_wait3A_181 = arith.constant 0 : i32
      %dma_wait3A_182 = tpu.memref_slice %arg14[%dma_wait3A_180, %dma_wait3A_181] : memref<256x128xf32, #tpu.memory_space<vmem_shared>> -> memref<256x128xf32, #tpu.memory_space<vmem_shared>>
      tpu.wait_indirect_dma semaphore(%run_scoped3A_166 : memref<!tpu.dma_semaphore, #tpu.memory_space<semaphore_mem>>) src(%dma_wait3A_176 : memref<128x128xf32, #tpu.memory_space<vmem>>) dst(%dma_wait3A_182 : memref<256x128xf32, #tpu.memory_space<vmem_shared>>)
      tpu.yield
    }) : () -> ()
    %barrier3A_161 = arith.constant 0 : index
    tpu.barrier barrier_id(%barrier3A_161)
    %mul3A_162 = arith.constant 16 : i32
    %mul3A_163 = arith.muli %mul3A_162, %arg1 : i32
    %mul3A_164 = arith.constant 16 : i32
    %mul3A_165 = arith.muli %mul3A_164, %arg1 : i32
    "tpu.region"() ({
      %run_scoped3A_166 = tpu.sem_alloc : memref<!tpu.dma_semaphore, #tpu.memory_space<semaphore_mem>>
      %dma_start3A = arith.constant 0 : i32
      %dma_start3A_167 = tpu.memref_slice %arg6[%arg0, %mul3A_165, %dma_start3A] : memref<2x256x128xf32, #tpu.memory_space<hbm>> -> memref<1x16x128xf32, #tpu.memory_space<hbm>>
      %dma_start3A_168 = tpu.memref_squeeze %dma_start3A_167 : memref<1x16x128xf32, #tpu.memory_space<hbm>> -> memref<16x128xf32, #tpu.memory_space<hbm>>
      %dma_start3A_169 = arith.constant 0 : i32
      %dma_start3A_170 = tpu.memref_slice %arg14[%mul3A_163, %dma_start3A_169] : memref<256x128xf32, #tpu.memory_space<vmem_shared>> -> memref<16x128xf32, #tpu.memory_space<vmem_shared>>
      tpu.enqueue_dma source(%dma_start3A_170 : memref<16x128xf32, #tpu.memory_space<vmem_shared>>) target(%dma_start3A_168 : memref<16x128xf32, #tpu.memory_space<hbm>>) target_semaphore(%run_scoped3A_166 : memref<!tpu.dma_semaphore, #tpu.memory_space<semaphore_mem>>)
      %dma_wait3A = arith.constant 0 : i32
      %dma_wait3A_171 = tpu.memref_slice %arg6[%arg0, %mul3A_165, %dma_wait3A] : memref<2x256x128xf32, #tpu.memory_space<hbm>> -> memref<1x16x128xf32, #tpu.memory_space<hbm>>
      %dma_wait3A_172 = tpu.memref_squeeze %dma_wait3A_171 : memref<1x16x128xf32, #tpu.memory_space<hbm>> -> memref<16x128xf32, #tpu.memory_space<hbm>>
      %dma_wait3A_173 = arith.constant 0 : i32
      %dma_wait3A_174 = tpu.memref_slice %arg14[%mul3A_163, %dma_wait3A_173] : memref<256x128xf32, #tpu.memory_space<vmem_shared>> -> memref<16x128xf32, #tpu.memory_space<vmem_shared>>
      tpu.wait_dma2 semaphore(%run_scoped3A_166 : memref<!tpu.dma_semaphore, #tpu.memory_space<semaphore_mem>>) src(%dma_wait3A_174 : memref<16x128xf32, #tpu.memory_space<vmem_shared>>) dst(%dma_wait3A_172 : memref<16x128xf32, #tpu.memory_space<hbm>>)
      tpu.yield
    }) : () -> ()
    return
  }
}

module attributes {stable_mosaic.version = 14 : i64} {
  func.func @_combine_body(%arg0: memref<2x256x128xf32, #tpu.memory_space<vmem>>, %arg1: memref<256x128xf32, #tpu.memory_space<vmem>>) attributes {dimension_semantics = [], scalar_prefetch = 0 : i64, scratch_operands = 0 : i64, tpu.core_type = #tpu.core_type<tc>} {
    %get3A = arith.constant 0 : index
    %get3A_0 = arith.constant 0 : index
    %get3A_1 = arith.constant 0 : index
    %get3A_2 = vector.load %arg0[%get3A, %get3A_0, %get3A_1] : memref<2x256x128xf32, #tpu.memory_space<vmem>>, vector<1x256x128xf32>
    %get3A_3 = vector.shape_cast %get3A_2 : vector<1x256x128xf32> to vector<256x128xf32>
    %get3A_4 = arith.constant 1 : index
    %get3A_5 = arith.constant 0 : index
    %get3A_6 = arith.constant 0 : index
    %get3A_7 = vector.load %arg0[%get3A_4, %get3A_5, %get3A_6] : memref<2x256x128xf32, #tpu.memory_space<vmem>>, vector<1x256x128xf32>
    %get3A_8 = vector.shape_cast %get3A_7 : vector<1x256x128xf32> to vector<256x128xf32>
    %add3A = arith.addf %get3A_3, %get3A_8 : vector<256x128xf32>
    %swap3A = arith.constant 0 : index
    %swap3A_9 = arith.constant 0 : index
    %swap3A_10 = vector.load %arg1[%swap3A, %swap3A_9] : memref<256x128xf32, #tpu.memory_space<vmem>>, vector<256x128xf32>
    tpu.vector_store %arg1[%swap3A, %swap3A_9], %add3A {strides = array<i32>} : memref<256x128xf32, #tpu.memory_space<vmem>>, vector<256x128xf32>,
    return
  }
}

</mosaic_0001>

<sc_bundles>
// kernel: kernel.4.cloned.1.call-start
scs
__scs_entry_jumppad:
0x0: {  	(pc) =	sbr.rel $0x88, $3  }
0x1: {  	(tag) =	ssettag $0x0;
	lr =	simm.s32 $0x1  }
0x2: {  	[smem:$0x3F9D] =	sst lr;
	_ =	strace $0xD0000000  }
0x3: {  	_ = 	snop  }
0x4: {  	_ = 	snop  }
0x5: {  	_ = 	snop  }
0x6: {  	_ = 	snop  }
0x7: {  	_ = 	snop  }
__scs_overlays_trampoline_lowered:
0x8: {  	[smem:$0x3FAC] =	sst s0  }
0x9: {  	[smem:$0x3FAD] =	sst s1  }
0xa: {  	[smem:$0x3FAE] =	sst s2  }
0xb: {  	[smem:$0x3FAF] =	sst s3  }
0xc: {  	[smem:$0x3FB0] =	sst s4  }
0xd: {  	[smem:$0x3FB1] =	sst s5  }
0xe: {  	[smem:$0x3FB2] =	sst s6  }
0xf: {  	[smem:$0x3FB3] =	sst s7  }
0x10: {  	[smem:$0x3FB4] =	sst s8  }
0x11: {  	[smem:$0x3FB5] =	sst s9;
	s0 =	simm.s32 @!p0 $0x0  }
0x12: {  	s1 =	sld [smem:$0x3F9B];
	s0 =	simm.s32 @p0 $0x1  }
0x13: {  	[smem:$0x3FB6] =	sst s0;
	s0 =	simm.s32 @!p1 $0x0  }
0x14: {  	s2 =	sld [smem:$0x3F9A];
	s0 =	simm.s32 @p1 $0x1  }
0x15: {  	[smem:$0x3FB7] =	sst s0;
	s0 =	simm.s32 @!p2 $0x0  }
0x16: {  	s3 =	sld [smem:$0x3FDB];
	s0 =	simm.s32 @p2 $0x1  }
0x17: {  	s4 =	simm.s32 $0x1BF5;
	[smem:$0x3FB9] =	sst s0  }
0x18: {  	s0 =	sld [smem:$0x3F9C];
	_ =	swait.ge [sflag:s4], $0x0  }
0x19: {  	s7 =	sld [smem:$0x3F9D]  }
0x1a: {  	s8 =	sadd.s32 $0xFFFFE003, lr  }
0x1b: {  	s9 =	sadd.s32 $0xFFFFFEF7, lr;
	s5 =	simm.s32 $0xFFFFFFFF;
	p2 =	slt.u32 s8, $0xFFFFF086  }
0x1c: {  	p1 =	slt.u32 s9, $0xF7A;
	s5 =	simm.s32 @!p2 $0x0  }
0x1d: {  	s5 =	simm.s32 @p1 $0x1;
	p0 =	seq.s32 s7, s2  }
0x1e: {  	s7 =	smul.u32 @!p0 $0xF7A, s2;
	p2 =	seq.s32 @!p0 s5, $0x0  }
0x1f: {  	s9 =	smul.u32 $0xF7A, s1;
	s8 =	simm.s32 @!p0 $0x1BF5;
	p2 =	por !p2, p0  }
0x20: {  	[sflag:s8] =	ssyncset.s32 @!p0 $0xFFFFF086;
	s6 =	sadd.s32 @!p0 s3, s7;
	s7 =	simm.s32 @!p0 $0x108  }
0x21: {  	s3 =	sadd.s32 s3, s9;
	s6 =	sadd.s32 @!p0 $0x88, s6;
	s7 =	simm.s32 @p2 $0x1082  }
0x22: {  	[simem:s7], [sflag:s8] =	dma.local @!p0 [hbm:s6], $0xF7A  }
0x23: {  	s9 =	sor.u32 $0xD0000000, s2;
	s6 =	simm.s32 $0x108;
	_ =	swait.ge @!p0 [sflag:s8], $0x0  }
0x24: {  	s3 =	sadd.s32 $0x88, s3;
	s6 =	simm.s32 @!p1 $0x1082;
	[sflag:s4] =	ssyncset.s32 $0xFFFFF086  }
0x25: {  	[simem:s6], [sflag:s4] =	dma.local [hbm:s3], $0xF7A  }
0x26: {  	[smem:$0x3F9D] =	sst s1;
	(tag) =	ssettag s2;
	_ =	strace s9  }
0x27: {  	s1 =	sld [smem:$0x3FAD]  }
0x28: {  	s2 =	sld [smem:$0x3FAE]  }
0x29: {  	s4 =	sld [smem:$0x3FB0]  }
0x2a: {  	p0 =	seq.s32 s5, $0x0;
	s5 =	sld [smem:$0x3FB1]  }
0x2b: {  	s6 =	sld [smem:$0x3FB2]  }
0x2c: {  	s7 =	sld [smem:$0x3FB3]  }
0x2d: {  	s3 =	simm.s32 $0x108;
	s8 =	sld [smem:$0x3FB4]  }
0x2e: {  	s3 =	simm.s32 @!p0 $0x1082;
	s9 =	sld [smem:$0x3FB5]  }
0x2f: {  	lr =	sadd.s32 s0, s3;
	s0 =	sld [smem:$0x3FAC]  }
0x30: {  	s3 =	sld [smem:$0x3FAF]  }
0x31: {  	[smem:$0x3FB8] =	sst s10  }
0x32: {  	s10 =	sld [smem:$0x3FB6];
	_ =	sdelay $0x3  }
0x33: {  	p0 =	seq.s32 s10, $0x1;
	s10 =	sld [smem:$0x3FB8];
	_ =	sdelay $0x3  }
0x34: {  	[smem:$0x3FB8] =	sst s10  }
0x35: {  	s10 =	sld [smem:$0x3FB7];
	_ =	sdelay $0x3  }
0x36: {  	p1 =	seq.s32 s10, $0x1;
	s10 =	sld [smem:$0x3FB8];
	_ =	sdelay $0x3  }
0x37: {  	[smem:$0x3FB8] =	sst s10  }
0x38: {  	s10 =	sld [smem:$0x3FB9]  }
0x39: {  	_ = 	snop;
	(pc) =	sbr.ind lr, $3  }
0x3a: {  	_ = 	snop  }
0x3b: {  	_ = 	snop  }
0x3c: {  	p2 =	seq.s32 s10, $0x1;
	s10 =	sld [smem:$0x3FB8]  }
0x3d: {  	_ =	shalt  }
0x3e: {  	_ =	shalt  }
0x3f: {  	_ =	shalt  }
0x40: {  	_ =	shalt  }
0x41: {  	_ =	shalt  }
0x42: {  	_ =	shalt  }
0x43: {  	_ =	shalt  }
0x44: {  	_ =	shalt  }
0x45: {  	_ =	shalt  }
0x46: {  	_ =	shalt  }
0x47: {  	_ =	shalt  }
0x48: {  	_ =	shalt  }
0x49: {  	_ =	shalt  }
0x4a: {  	_ =	shalt  }
0x4b: {  	_ =	shalt  }
0x4c: {  	_ =	shalt  }
0x4d: {  	_ =	shalt  }
0x4e: {  	_ =	shalt  }
0x4f: {  	_ =	shalt  }
0x50: {  	_ =	shalt  }
0x51: {  	_ =	shalt  }
0x52: {  	_ =	shalt  }
0x53: {  	_ =	shalt  }
0x54: {  	_ =	shalt  }
0x55: {  	_ =	shalt  }
0x56: {  	_ =	shalt  }
0x57: {  	_ =	shalt  }
0x58: {  	_ =	shalt  }
0x59: {  	_ =	shalt  }
0x5a: {  	_ =	shalt  }
0x5b: {  	_ =	shalt  }
0x5c: {  	_ =	shalt  }
0x5d: {  	_ =	shalt  }
0x5e: {  	_ =	shalt  }
0x5f: {  	_ =	shalt  }
0x60: {  	_ =	shalt  }
0x61: {  	_ =	shalt  }
0x62: {  	_ =	shalt  }
0x63: {  	_ =	shalt  }
0x64: {  	_ =	shalt  }
0x65: {  	_ =	shalt  }
0x66: {  	_ =	shalt  }
0x67: {  	_ =	shalt  }
0x68: {  	_ =	shalt  }
0x69: {  	_ =	shalt  }
0x6a: {  	_ =	shalt  }
0x6b: {  	_ =	shalt  }
0x6c: {  	_ =	shalt  }
0x6d: {  	_ =	shalt  }
0x6e: {  	_ =	shalt  }
0x6f: {  	_ =	shalt  }
0x70: {  	_ =	shalt  }
0x71: {  	_ =	shalt  }
0x72: {  	_ =	shalt  }
0x73: {  	_ =	shalt  }
0x74: {  	_ =	shalt  }
0x75: {  	_ =	shalt  }
0x76: {  	_ =	shalt  }
0x77: {  	_ =	shalt  }
0x78: {  	_ =	shalt  }
0x79: {  	_ =	shalt  }
0x7a: {  	_ =	shalt  }
0x7b: {  	_ =	shalt  }
0x7c: {  	_ =	shalt  }
0x7d: {  	_ =	shalt  }
0x7e: {  	_ =	shalt  }
0x7f: {  	_ =	shalt  }
0x80: {  	_ =	shalt  }
0x81: {  	_ =	shalt  }
0x82: {  	_ =	shalt  }
0x83: {  	_ =	shalt  }
0x84: {  	_ =	shalt  }
0x85: {  	_ =	shalt  }
0x86: {  	_ =	shalt  }
0x87: {  	_ =	shalt  }
.Lfunc_end0:
.L_simem_size_0:
called_computation_lowered:
.L_overlay_start_0:
0x88: {  	s2 =	sld [smem:$0x3FD9]  }
0x89: {  	s3 =	sld [smem:$0x3FFE];
	_ =	sdelay $0x1  }
0x8a: {  	s1 =	srdreg.scid  }
0x8b: {  	s0 =	sand.u32 $0x1, s1  }
0x8c: {  	s17 =	sshll.u32 s0, $0xA;
	s2 =	sadd.s32 s3, s2  }
0x8d: {  	s2 =	sadd.s32 s2, s17  }
0x8e: {  	[smem:$0x3FC4] =	sst s2  }
0x8f: {  	_ = 	snop  }
0x90: {  	s2 =	sld [smem:$0x3FC9]  }
0x91: {  	s18 =	sld [smem:$0x3FC8]  }
0x92: {  	s4 =	sld [smem:$0x3FC7];
	(tm) =	ssettm $0x1  }
0x93: {  	s5 =	sld [smem:$0x3FFB];
	_ =	sdelay $0x3  }
0x94: {  	_ =	strace s5  }
0x95: {  	s5 =	sld [smem:$0x3FFC];
	_ =	sdelay $0x3  }
0x96: {  	_ =	strace s5  }
0x97: {  	s5 =	sld [smem:$0x3FFD];
	_ =	sdelay $0x3  }
0x98: {  	_ =	strace s5  }
0x99: {  	_ =	strace $0x8FFFFFFF  }
0x9a: {  	s19 =	sld [smem:$0x3FDB];
	_ =	sdelay $0x1  }
0x9b: {  	s6 =	simm.s32 $_scs_section_size  }
0x9c: {  	s7 =	simm.s32 $_size__tile_overlayer_lowered;
	s8 =	simm.s32 $_tile_overlayer_lowered  }
0x9d: {  	s22 =	simm.s32 $0x1BFF;
	s21 =	sshll.u32 s8, $0x1;
	s5 =	sadd.s32 s6, s19  }
0x9e: {  	s9 =	simm.s32 $0x0;
	s20 =	sshll.u32 s7, $0x1;
	s7 =	sadd.s32 s21, s5  }
0x9f: {  	[timem:s9], [sflag:s22] =	dma.local [hbm:s7], s20  }
0xa0: {  	_ =	swait.ge [sflag:s22], s20  }
0xa1: {  	s6 =	ssub.s32 $0x0, s20;
	[sflag:s22] =	ssyncset.done $0x0  }
0xa2: {  	[sflag:s22] =	ssyncadd.s32 s6;
	_ =	sdelay $0x1  }
0xa3: {  	s23 =	simm.s32 $0x1B8B  }
0xa4: {  	_ =	swait.ge [sflag:s23], $0x1  }
0xa5: {  	[sflag:s23] =	ssyncset.done $0x0  }
0xa6: {  	s25 =	simm.s32 $0x1B8E;
	s24 =	sld [smem:$0x3FFE];
	[sflag:s23] =	ssyncadd.s32 $0xFFFFFFFF  }
0xa7: {  	s26 =	simm.s32 $execute0_lowered;
	[smem:$0x3FD2] =	sst s25  }
0xa8: {  	s7 =	sshll.u32 s26, $0x1;
	_ =	strace $0x80000046;
	[dreg:$0x1] =	wrdreg $0xFFFFFFFF  }
0xa9: {  	s28 =	simm.s32 $_size_execute0_lowered;
	s5 =	sadd.s32 s5, s7;
	[dreg:$0x0] =	wrdreg $0x0  }
0xaa: {  	s7 =	sshll.u32 s28, $0x1;
	[dreg:$0x2] =	wrdreg s5  }
0xab: {  	[dreg:$0x3] =	wrdreg s7  }
0xac: {  	[dreg:$0x4] =	wrdreg $0xC0  }
0xad: {  	_ =	task [dreg:s9], $0x5FFFF  }
0xae: {  	[dreg:$0x1] =	wrdreg $0xFFFFFFFF  }
0xaf: {  	[dreg:$0x0] =	wrdreg $0x60  }
0xb0: {  	[dreg:$0x2] =	wrdreg s2  }
0xb1: {  	[dreg:$0x3] =	wrdreg s18  }
0xb2: {  	[dreg:$0x4] =	wrdreg s4  }
0xb3: {  	[dreg:$0x5] =	wrdreg s24  }
0xb4: {  	[dreg:$0x6] =	wrdreg $0x124800  }
0xb5: {  	[dreg:$0x7] =	wrdreg $0x9  }
0xb6: {  	_ =	task.clear_ibuf [dreg:s9], $0x8FFFF;
	_ =	strace $0x90000046  }
0xb7: {  	s29 =	simm.s32 $0x9;
	_ =	strace $0x80000048  }
0xb8: {  	_ =	swait.ge [sflag:s29], $0x1  }
0xb9: {  	[sflag:s29] =	ssyncadd.s32 $0xFFFFFFFF  }
0xba: {  	_ =	strace $0x90000048  }
0xbb: {  	_ =	sfence  }
0xbc: {  	s30 =	sld [smem:$0x0];
	_ =	sdelay $0x2  }
0xbd: {  	s31 =	sshll.u32 s1, $0xD;
	s1 =	sshrl.u32 s1, $0x2  }
0xbe: {  	s3 =	sand.u32 $0x4000, s31;
	s1 =	sadd.s32 s1, s30  }
0xbf: {  	s0 =	sor.u32 s3, s0;
	s1 =	sshll.u32 s1, $0x11  }
0xc0: {  	s0 =	sor.u32 s1, s0  }
0xc1: {  	s0 =	sadd.s32 $0x8F2B, s0  }
0xc2: {  	[sflag:s0] =	ssyncadd.remote.s32 $0x1  }
0xc3: {  	_ =	sfence.sel $0xFFFF  }
0xc4: {  	[dreg:$0x0] =	wrdreg $0xFFFFFFFF;
	(pc) =	sbr.abs _section_cstart, $3  }
0xc5: {  	[dreg:$0x1] =	wrdreg $0xFFFFFFFF  }
0xc6: {  	_ =	task.clear_ibuf [dreg:s9], $0x2FFFF;
	_ =	strace $0x9FFFFFFF  }
0xc7: {  	(tm) =	ssettm $0x7FFFFFFF  }
tec
execute0_lowered:
.L_overlay_start_1:
0x0: {  	(tag) =	ssettag $0x1  }
0x1: {  	s1 =	rddreg [dreg:$0x0]  }
0x2: {  	s2 =	rddreg [dreg:$0x1]  }
0x3: {  	s0 =	rddreg [dreg:$0x3];
	s6 =	simm.s32 $0x0;
	v0 =	vlaneseq.u32  }
0x4: {  	[smem:$0x7FF] =	sst s6;
	v1 =	vor.u32 $0x10, v0  }
0x5: {  	s4 =	rddreg [dreg:$0x4];
	v36 =	vor.u32 $0x20, v0;
	_ =	strace $0x80000047;
	[tilespmem:$0x1FE10] =	vst v1  }
0x6: {  	v37 =	vor.u32 $0x30, v0;
	[tilespmem:$0x1FE20] =	vst v36  }
0x7: {  	v38 =	vor.u32 $0x40, v0;
	[tilespmem:$0x1FE30] =	vst v37  }
0x8: {  	v39 =	vor.u32 $0x50, v0;
	[tilespmem:$0x1FE40] =	vst v38  }
0x9: {  	v40 =	vor.u32 $0x60, v0;
	[tilespmem:$0x1FE50] =	vst v39  }
0xa: {  	v41 =	vor.u32 $0x70, v0;
	[tilespmem:$0x1FE60] =	vst v40  }
0xb: {  	v42 =	vor.u32 $0x80, v0;
	[tilespmem:$0x1FE70] =	vst v41  }
0xc: {  	v43 =	vor.u32 $0x90, v0;
	[tilespmem:$0x1FE80] =	vst v42  }
0xd: {  	v44 =	vor.u32 $0xA0, v0;
	[tilespmem:$0x1FE90] =	vst v43  }
0xe: {  	v45 =	vor.u32 $0xB0, v0;
	[tilespmem:$0x1FEA0] =	vst v44  }
0xf: {  	v46 =	vor.u32 $0xC0, v0;
	[tilespmem:$0x1FEB0] =	vst v45  }
0x10: {  	v2 =	vor.u32 $0xD0, v0;
	[tilespmem:$0x1FEC0] =	vst v46  }
0x11: {  	v48 =	vor.u32 $0xE0, v0;
	[tilespmem:$0x1FED0] =	vst v2  }
0x12: {  	v47 =	vmul.u32 $0x10, v0;
	v0 =	vor.u32 $0xF0, v0;
	[tilespmem:$0x1FEE0] =	vst v48  }
0x13: {  	[tilespmem:$0x1FEF0] =	vst v0  }
0x14: {  	v49 =	vor.u32 $0x1, v47;
	[tilespmem:$0x1FFE0] =	vst v47  }
0x15: {  	v50 =	vor.u32 $0x2, v47;
	[tilespmem:$0x1FF00] =	vst v49  }
0x16: {  	v51 =	vor.u32 $0x3, v47;
	[tilespmem:$0x1FF10] =	vst v50  }
0x17: {  	v52 =	vor.u32 $0x4, v47;
	[tilespmem:$0x1FF20] =	vst v51  }
0x18: {  	s5 =	stileid.u32;
	s3 =	srdreg.scid;
	v53 =	vor.u32 $0x5, v47;
	[tilespmem:$0x1FF30] =	vst v52  }
0x19: {  	s17 =	simm.s32 $0x5;
	s22 =	simm.s32 $0x12380;
	s23 =	simm.s32 $0x80;
	v54 =	vor.u32 $0x6, v47;
	[tilespmem:$0x1FF40] =	vst v53  }
0x1a: {  	s30 =	simm.s32 $0x0;
	s3 =	sand.u32 $0x1, s3;
	s7 =	sshll.u32 s5, $0x1;
	v55 =	vor.u32 $0x7, v47;
	[tilespmem:$0x1FF50] =	vst v54  }
0x1b: {  	s12 =	sshll.u32 s5, $0x8;
	s29 =	sshll.u32 s5, $0xB;
	p0 =	sne.s32 s5, $0x0;
	v56 =	vor.u32 $0x8, v47;
	[tilespmem:$0x1FF60] =	vst v55  }
0x1c: {  	s13 =	sor.u32 s3, s7;
	s7 =	sadd.s32 $0x600, s0;
	s9 =	ssub.s32 $0x2, s3;
	v57 =	vor.u32 $0x9, v47;
	[tilespmem:$0x1FF70] =	vst v56  }
0x1d: {  	s0 =	sadd.s32 s12, s0;
	s3 =	sshll.u32 s3, $0xC;
	s8 =	smul.u32 $0xA00, s13;
	v58 =	vor.u32 $0xA, v47;
	[tilespmem:$0x1FF80] =	vst v57  }
0x1e: {  	s31 =	sadd.s32 s29, s4;
	s10 =	smul.u32 $0x14, s13;
	s11 =	sor.u32 $0x20, s13;
	v59 =	vor.u32 $0xB, v47;
	[tilespmem:$0x1FF90] =	vst v58  }
.Ltmp0:
0x1f: {  	s14 =	sshrl.u32 s9, $0x1;
	s12 =	ssub.s32 $0x271, s13;
	v60 =	vor.u32 $0xC, v47;
	[tilespmem:$0x1FFA0] =	vst v59;
	(pc) =	sbr.rel .LBB2_1-.Ltmp0, $4  }
0x20: {  	s13 =	sor.u32 $0x40, s13;
	s0 =	sadd.s32 s3, s0;
	v61 =	vor.u32 $0xD, v47;
	s15 =	smul.u32 $0xA00, s11;
	[tilespmem:$0x1FFB0] =	vst v60  }
0x21: {  	s25 =	sshrl.u32 s31, $0x3;
	v62 =	vor.u32 $0xE, v47;
	s16 =	ssub.s32 s9, s14;
	s11 =	smul.u32 $0x14, s11;
	[tilespmem:$0x1FFC0] =	vst v61  }
0x22: {  	v63 =	vor.u32 $0xF, v47;
	s14 =	sadd.s32 $0x800, s0;
	[tilespmem:$0x1FFD0] =	vst v62;
	s8 =	sadd.s32 s1, s8;
	s9 =	sadd.s32 s2, s10  }
0x23: {  	[tilespmem:$0x1FFF0] =	vst v63;
	s10 =	sadd.s32 s1, s15;
	s11 =	sadd.s32 s2, s11;
	s15 =	smax.u32 s16, $0x1  }
.LBB2_14:
0x24: {  	[bflag:$0x0] =	sbarrier.arrive $0xFFFF;
	s0 =	simm.s32 $0x12280;
	s3 =	simm.s32 $0xA180  }
0x25: {  	[spmem:s4] =	stream.indirect.scatter.add.f32 [tilespmem:s3], [sflag:$0x5], $0x80, s0, s23, $0xb8;
	[tilespmem:$0x12C80] =	vst v63  }
0x26: {  	_ =	swait.ge [sflag:s17], $0x4000  }
0x27: {  	[sflag:s17] =	ssyncset.done $0x0  }
0x28: {  	s28 =	simm.s32 $0x12300;
	s29 =	simm.s32 $0xE180;
	[sflag:s17] =	ssyncadd.s32 $0xFFFFC000  }
0x29: {  	[spmem:s4] =	stream.indirect.scatter.add.f32 [tilespmem:s29], [sflag:$0x5], $0x80, s28, s23, $0xb8;
	[tilespmem:$0x12C80] =	vst v63  }
0x2a: {  	_ =	swait.ge [sflag:s17], $0x4000  }
0x2b: {  	s30 =	sadd.s32 $0x1, s30;
	[sflag:s17] =	ssyncset.done $0x0  }
0x2c: {  	s31 =	sshll.u32 s5, $0x6;
	p1 =	sne.s32 s30, s15;
	[sflag:s17] =	ssyncadd.s32 $0xFFFFC000  }
.Ltmp1:
0x2d: {  	s0 =	sor.u32 $0x1C05, s31;
	[bflag:$0x0] =	sbarrier.arrive $0xFFFF;
	(pc) =	sbr.rel @!p1 .LBB2_15-.Ltmp1, $4  }
0x2e: {  	[hbm:s14], [sflag:s0] =	dma.local [spmem:s25], $0x100  }
0x2f: {  	_ =	swait.ge [sflag:s17], $0x100  }
0x30: {  	[sflag:s17] =	ssyncset.done $0x0  }
0x31: {  	[sflag:s17] =	ssyncadd.s32 $0xFFFFFF00  }
.LBB2_1:
0x32: {  	s0 =	rddreg [dreg:$0x2];
	s3 =	simm.s32 $0x12180  }
0x33: {  	[tilespmem:s3], [sflag:$0x5] =	stream.linear.gather [hbm4b:s0+s6], $0x80, $0x38;
	[tilespmem:$0x12C80] =	vst v63  }
0x34: {  	_ =	swait.ge [sflag:s17], $0x80  }
0x35: {  	[sflag:s17] =	ssyncset.done $0x0  }
0x36: {  	s31 =	simm.s32 $0x12200;
	[sflag:s17] =	ssyncadd.s32 $0xFFFFFF80  }
0x37: {  	[tilespmem:s31], [sflag:$0x5] =	stream.linear.gather [hbm4b:s7+s6], $0x80, $0x38;
	[tilespmem:$0x12C80] =	vst v63  }
0x38: {  	_ =	swait.ge [sflag:s17], $0x80  }
0x39: {  	[sflag:s17] =	ssyncset.done $0x0  }
0x3a: {  	[sflag:s17] =	ssyncadd.s32 $0xFFFFFF80  }
0x3b: {  	v33 =	vld [tilespmem:$0x12180]  }
0x3c: {  	v34 =	vld [tilespmem:$0x12190]  }
0x3d: {  	v35 =	vld [tilespmem:$0x121A0]  }
0x3e: {  	v36 =	vld [tilespmem:$0x121B0]  }
0x3f: {  	v37 =	vld [tilespmem:$0x121C0]  }
0x40: {  	v38 =	vld [tilespmem:$0x121D0]  }
0x41: {  	v39 =	vld [tilespmem:$0x121E0]  }
0x42: {  	v40 =	vld [tilespmem:$0x121F0]  }
0x43: {  	v0 =	vimm.f32 $0.0e+00;
	s0 =	simm.s32 $0x0;
	s3 =	simm.s32 $0x200;
	v41 =	vld [tilespmem:$0x12200]  }
.LBB2_2:
0x44: {  	p1 =	sne.s32 s3, $0x1FE00;
	[tilespmem:s0+$0xA1F0] =	vst v0  }
0x45: {  	[tilespmem:s0+$0xA180] =	vst v0  }
0x46: {  	[tilespmem:s0+$0xA190] =	vst v0  }
.Ltmp2:
0x47: {  	[tilespmem:s0+$0xA1A0] =	vst v0;
	(pc) =	sbr.rel @p1 .LBB2_2-.Ltmp2, $4  }
0x48: {  	[tilespmem:s0+$0xA1B0] =	vst v0  }
0x49: {  	[tilespmem:s0+$0xA1C0] =	vst v0  }
0x4a: {  	[tilespmem:s0+$0xA1D0] =	vst v0  }
0x4b: {  	[tilespmem:s0+$0xA1E0] =	vst v0;
	s0 =	sshra.s32 s3, $0x2;
	s3 =	sadd.s32 $0x200, s3  }
0x4c: {  	[tilespmem:s0+$0xA1F0] =	vst v0  }
0x4d: {  	[tilespmem:s0+$0xA180] =	vst v0  }
0x4e: {  	[tilespmem:s0+$0xA190] =	vst v0  }
0x4f: {  	[tilespmem:s0+$0xA1A0] =	vst v0  }
0x50: {  	[tilespmem:s0+$0xA1B0] =	vst v0;
	v49 =	vld [tilespmem:$0x1FE10]  }
0x51: {  	[tilespmem:s0+$0xA1C0] =	vst v0;
	v50 =	vld [tilespmem:$0x1FE20]  }
0x52: {  	[tilespmem:s0+$0xA1D0] =	vst v0;
	v51 =	vld [tilespmem:$0x1FE30]  }
0x53: {  	[tilespmem:s0+$0xA1E0] =	vst v0;
	v48 =	vlaneseq.u32;
	v52 =	vld [tilespmem:$0x1FE40]  }
0x54: {  	v53 =	vld [tilespmem:$0x1FE50];
	[tilespmem:$0x12280] =	vst v48  }
0x55: {  	v54 =	vld [tilespmem:$0x1FE60];
	[tilespmem:$0x12290] =	vst v49  }
0x56: {  	v55 =	vld [tilespmem:$0x1FE70];
	[tilespmem:$0x122A0] =	vst v50  }
0x57: {  	v56 =	vld [tilespmem:$0x1FE80];
	[tilespmem:$0x122B0] =	vst v51  }
0x58: {  	v57 =	vld [tilespmem:$0x1FE90];
	[tilespmem:$0x122C0] =	vst v52  }
0x59: {  	v58 =	vld [tilespmem:$0x1FEA0];
	[tilespmem:$0x122D0] =	vst v53  }
0x5a: {  	v59 =	vld [tilespmem:$0x1FEB0];
	[tilespmem:$0x122E0] =	vst v54  }
0x5b: {  	v60 =	vld [tilespmem:$0x1FEC0];
	[tilespmem:$0x122F0] =	vst v55  }
0x5c: {  	v61 =	vld [tilespmem:$0x1FED0];
	[tilespmem:$0x12300] =	vst v56  }
0x5d: {  	v62 =	vld [tilespmem:$0x1FEE0];
	[tilespmem:$0x12310] =	vst v57  }
0x5e: {  	v63 =	vld [tilespmem:$0x1FEF0];
	[tilespmem:$0x12320] =	vst v58  }
0x5f: {  	[tilespmem:$0x12330] =	vst v59  }
0x60: {  	[tilespmem:$0x12340] =	vst v60  }
0x61: {  	[tilespmem:$0x12350] =	vst v61  }
0x62: {  	[tilespmem:$0x12360] =	vst v62  }
0x63: {  	s0 =	simm.s32 @!p0 $0xA180;
	[tilespmem:$0x12370] =	vst v63  }
0x64: {  	[spmem:s4] =	stream.linear.scatter @!p0 [tilespmem:s0], [sflag:$0x5], $0x8000, $0x38;
	[tilespmem:$0x12C80] =	vst v63  }
0x65: {  	s0 =	simm.s32 @!p0 $0x5  }
0x66: {  	_ =	swait.ge @!p0 [sflag:s0], $0x8000  }
0x67: {  	[sflag:s0] =	ssyncset.done @!p0 $0x0  }
0x68: {  	[sflag:s0] =	ssyncadd.s32 @!p0 $0xFFFF8000  }
0x69: {  	s31 =	simm.s32 $0x0;
	[bflag:$0x0] =	sbarrier.arrive $0xFFFF  }
0x6a: {  	[tilespmem:s31], [sflag:$0x1] =	stream.linear.gather [hbm4b:s8+s31], $0x5000, $0x38;
	[tilespmem:$0x12C80] =	vst v63  }
0x6b: {  	s26 =	simm.s32 $0xA000  }
0x6c: {  	[tilespmem:s26], [sflag:$0x2] =	stream.linear.gather [hbm4b:s9+s31], $0xA0, $0x38;
	[tilespmem:$0x12C80] =	vst v63  }
.Ltmp3:
0x6d: {  	_ = 	snop;
	(pc) =	sbr.rel .LBB2_4-.Ltmp3, $4  }
0x6e: {  	s28 =	simm.s32 $0x5000  }
0x6f: {  	[tilespmem:s28], [sflag:$0x3] =	stream.linear.gather [hbm4b:s10+s31], $0x5000, $0x38;
	[tilespmem:$0x12C80] =	vst v63  }
0x70: {  	s29 =	simm.s32 $0xA0A0;
	p1 =	por $0x0, $0x0  }
0x71: {  	[tilespmem:s29], [sflag:$0x4] =	stream.linear.gather [hbm4b:s11+s31], $0xA0, $0x38;
	[tilespmem:$0x12C80] =	vst v63  }
.LBB2_12:
0x72: {  	s16 =	sshll.u32 s20, $0x9  }
0x73: {  	s16 =	sshra.s32 s16, $0x2  }
0x74: {  	[tilespmem:s16+$0xA180] =	vst.add.f32.msk $0xffff, v49  }
0x75: {  	[tilespmem:s16+$0xA190] =	vst.add.f32.msk $0xffff, v45  }
0x76: {  	[tilespmem:s16+$0xA1A0] =	vst.add.f32.msk $0xffff, v50  }
0x77: {  	p2 =	sne.s32 s3, $0x0;
	s0 =	sadd.s32 s13, s0;
	[tilespmem:s16+$0xA1B0] =	vst.add.f32.msk $0xffff, v46  }
0x78: {  	p3 =	sgt.u32 @p2 s0, $0x270;
	[tilespmem:s16+$0xA1C0] =	vst.add.f32.msk $0xffff, v48  }
0x79: {  	p3 =	por p3, !p2;
	[tilespmem:s16+$0xA1D0] =	vst.add.f32.msk $0xffff, v44  }
0x7a: {  	p4 =	sgt.u32 @!p2 s0, $0x270;
	[tilespmem:s16+$0xA1E0] =	vst.add.f32.msk $0xffff, v47;
	s3 =	smul.u32 @!p3 $0xA00, s0  }
0x7b: {  	p2 =	por p4, p2;
	[tilespmem:s16+$0xA1F0] =	vst.add.f32.msk $0xffff, v43;
	s16 =	simm.s32 @!p3 $0x0  }
0x7c: {  	s18 =	simm.s32 @!p3 $0x5000;
	s19 =	smul.u32 @!p3 $0x14, s0;
	s3 =	sadd.s32 @!p3 s1, s3  }
0x7d: {  	[tilespmem:s18], [sflag:$0x3] =	stream.linear.gather @!p3 [hbm4b:s3+s16], $0x5000, $0x38;
	[tilespmem:$0x12C80] =	vst v63  }
0x7e: {  	s3 =	sadd.s32 @!p3 s2, s19;
	s18 =	simm.s32 @!p3 $0xA0A0;
	s19 =	smul.u32 @!p2 $0xA00, s0  }
0x7f: {  	[tilespmem:s18], [sflag:$0x4] =	stream.linear.gather @!p3 [hbm4b:s3+s16], $0xA0, $0x38;
	[tilespmem:$0x12C80] =	vst v63  }
0x80: {  	s0 =	smul.u32 @!p2 $0x14, s0;
	s3 =	sadd.s32 @!p2 s1, s19;
	s16 =	simm.s32 @!p2 $0x0  }
0x81: {  	[tilespmem:s16], [sflag:$0x1] =	stream.linear.gather @!p2 [hbm4b:s3+s16], $0x5000, $0x38;
	[tilespmem:$0x12C80] =	vst v63  }
0x82: {  	s0 =	sadd.s32 @!p2 s2, s0;
	s3 =	simm.s32 @!p2 $0xA000  }
0x83: {  	[tilespmem:s3], [sflag:$0x2] =	stream.linear.gather @!p2 [hbm4b:s0+s16], $0xA0, $0x38;
	[tilespmem:$0x12C80] =	vst v63  }
.LBB2_13:
0x84: {  	s31 =	sadd.s32 $0x1, s31  }
0x85: {  	p2 =	sne.s32 s31, $0x14  }
.Ltmp4:
0x86: {  	_ = 	snop;
	(pc) =	sbr.rel @!p2 .LBB2_14-.Ltmp4, $2  }
0x87: {  	_ =	sdelay $0x2  }
0x88: {  	p1 =	por !p1, !p1  }
.LBB2_4:
0x89: {  	s0 =	sshll.u32 s31, $0x5  }
0x8a: {  	p2 =	sge.u32 s0, s12  }
.Ltmp5:
0x8b: {  	_ = 	snop;
	(pc) =	sbr.rel @p2 .LBB2_13-.Ltmp5, $1  }
0x8c: {  	_ =	sdelay $0x3  }
0x8d: {  	s3 =	sand.u32 $0x1, s31  }
0x8e: {  	s16 =	simm.s32 $0x1;
	p2 =	seq.s32 s3, $0x0  }
0x8f: {  	s16 =	simm.s32 @!p2 $0x3  }
0x90: {  	_ =	swait.ge [sflag:s16], $0x5000  }
0x91: {  	s18 =	simm.s32 $0x2;
	[sflag:s16] =	ssyncset.done $0x0  }
0x92: {  	s18 =	simm.s32 @!p2 $0x4;
	[sflag:s16] =	ssyncadd.s32 $0xFFFFB000  }
0x93: {  	_ =	swait.ge [sflag:s18], $0xA0  }
0x94: {  	s16 =	smul.u32 $0xA0, s3;
	[sflag:s18] =	ssyncset.done $0x0  }
0x95: {  	[sflag:s18] =	ssyncadd.s32 $0xFFFFFF60  }
0x96: {  	v42 =	vld [tilespmem:s16+$0xA000];
	_ =	sdelay $0x4  }
0x97: {  	(v2sf) =	vpush v42, $0x0;
	_ =	sdelay $0x7  }
0x98: {  	s18 =	simm.s32 $0x1  }
0x99: {  	s18 =	simm.s32 @!p1 $0x0  }
0x9a: {  	s19 =	smul.u32 $0x280, s18  }
.Ltmp6:
0x9b: {  	_ = 	snop;
	(pc) =	sbr.rel .LBB2_6-.Ltmp6, $4  }
0x9c: {  	s20 =	smul.u32 $0x14000, s18  }
0x9d: {  	v43 =	vimm.f32 $0.0e+00;
	v47 =	vimm.f32 $0.0e+00;
	v44 =	vimm.f32 $0.0e+00  }
0x9e: {  	v48 =	vimm.f32 $0.0e+00;
	v46 =	vimm.f32 $0.0e+00;
	s21 =	simm.s32 $0x0;
	v8 =	vmov s16;
	s28 =	sshrl.u32 s19, $0x2;
	s29 =	sshrl.u32 s20, $0x2  }
0x9f: {  	v50 =	vimm.f32 $0.0e+00;
	v45 =	vimm.f32 $0.0e+00;
	v49 =	vimm.f32 $0.0e+00;
	[tilespmem:$0x1FE00] =	vst v8;
	s18 =	sor.u32 $0xA000, s28;
	s26 =	sor.u32 $0x40, s29;
	s20 =	spop (v2sf)  }
.LBB2_7:
0xa0: {  	s19 =	sshll.u32 s19, $0x7  }
0xa1: {  	s24 =	sand.u32 $0x3FFFFF80, s19  }
0xa2: {  	v51 =	vld [tilespmem:s24+$0x0]  }
0xa3: {  	v52 =	vld [tilespmem:s24+$0x10]  }
0xa4: {  	v53 =	vld [tilespmem:s24+$0x40]  }
0xa5: {  	v54 =	vld [tilespmem:s24+$0x50]  }
0xa6: {  	v55 =	vld [tilespmem:s24+$0x20]  }
0xa7: {  	v56 =	vld [tilespmem:s24+$0x60]  }
0xa8: {  	v57 =	vld [tilespmem:s24+$0x30]  }
0xa9: {  	v58 =	vld [tilespmem:s24+$0x70];
	v51 =	vmul.f32 v51, v33;
	v52 =	vmul.f32 v52, v34  }
0xaa: {  	v53 =	vmul.f32 v53, v37;
	v54 =	vmul.f32 v54, v38  }
0xab: {  	v2 =	vmul.f32 v55, v35  }
0xac: {  	v3 =	vmul.f32 v56, v39;
	v51 =	vadd.f32 v52, v51;
	v53 =	vadd.f32 v54, v53  }
0xad: {  	v4 =	vmul.f32 v57, v36  }
0xae: {  	v5 =	vmul.f32 v58, v40;
	v51 =	vadd.f32 v2, v51;
	v53 =	vadd.f32 v3, v53;
	_ =	sdelay $0x1  }
0xaf: {  	v51 =	vadd.f32 v4, v51;
	v12 =	vadd.f32 v5, v53;
	_ =	sdelay $0x1  }
0xb0: {  	v51 =	vadd.f32 v12, v51;
	_ =	sdelay $0x1  }
0xb1: {  	[tilespmem:$0x12380] =	vst v51  }
0xb2: {  	v51 =	vld [tilespmem:s24+$0x80]  }
0xb3: {  	v13 =	vld [tilespmem:s24+$0x90]  }
0xb4: {  	v14 =	vld [tilespmem:s24+$0xC0]  }
0xb5: {  	v15 =	vld [tilespmem:s24+$0xD0]  }
0xb6: {  	v16 =	vld [tilespmem:s24+$0xA0]  }
0xb7: {  	v17 =	vld [tilespmem:s24+$0xE0]  }
0xb8: {  	v18 =	vld [tilespmem:s24+$0xB0]  }
0xb9: {  	v19 =	vld [tilespmem:s24+$0xF0];
	v51 =	vmul.f32 v51, v33;
	v52 =	vmul.f32 v13, v34  }
0xba: {  	v53 =	vmul.f32 v14, v37;
	v54 =	vmul.f32 v15, v38  }
0xbb: {  	v20 =	vmul.f32 v16, v35  }
0xbc: {  	v21 =	vmul.f32 v17, v39;
	v51 =	vadd.f32 v52, v51;
	v53 =	vadd.f32 v54, v53  }
0xbd: {  	v22 =	vmul.f32 v18, v36  }
0xbe: {  	v23 =	vmul.f32 v19, v40;
	v51 =	vadd.f32 v20, v51;
	v53 =	vadd.f32 v21, v53;
	_ =	sdelay $0x1  }
0xbf: {  	v51 =	vadd.f32 v22, v51;
	v24 =	vadd.f32 v23, v53;
	_ =	sdelay $0x1  }
0xc0: {  	v51 =	vadd.f32 v24, v51;
	_ =	sdelay $0x1  }
0xc1: {  	[tilespmem:$0x12390] =	vst v51  }
0xc2: {  	v51 =	vld [tilespmem:s24+$0x100]  }
0xc3: {  	v25 =	vld [tilespmem:s24+$0x110]  }
0xc4: {  	v26 =	vld [tilespmem:s24+$0x140]  }
0xc5: {  	v27 =	vld [tilespmem:s24+$0x150]  }
0xc6: {  	v28 =	vld [tilespmem:s24+$0x120]  }
0xc7: {  	v29 =	vld [tilespmem:s24+$0x160]  }
0xc8: {  	v30 =	vld [tilespmem:s24+$0x130]  }
0xc9: {  	v31 =	vld [tilespmem:s24+$0x170];
	v51 =	vmul.f32 v51, v33;
	v52 =	vmul.f32 v25, v34  }
0xca: {  	v53 =	vmul.f32 v26, v37;
	v54 =	vmul.f32 v27, v38  }
0xcb: {  	v32 =	vmul.f32 v28, v35  }
0xcc: {  	v42 =	vmul.f32 v29, v39;
	v51 =	vadd.f32 v52, v51;
	v53 =	vadd.f32 v54, v53  }
0xcd: {  	v57 =	vmul.f32 v30, v36  }
0xce: {  	v58 =	vmul.f32 v31, v40;
	v51 =	vadd.f32 v32, v51;
	v53 =	vadd.f32 v42, v53;
	_ =	sdelay $0x1  }
0xcf: {  	v51 =	vadd.f32 v57, v51;
	v59 =	vadd.f32 v58, v53;
	_ =	sdelay $0x1  }
0xd0: {  	v51 =	vadd.f32 v59, v51;
	_ =	sdelay $0x1  }
0xd1: {  	[tilespmem:$0x123A0] =	vst v51  }
0xd2: {  	v51 =	vld [tilespmem:s24+$0x180]  }
0xd3: {  	v60 =	vld [tilespmem:s24+$0x190]  }
0xd4: {  	v61 =	vld [tilespmem:s24+$0x1C0]  }
0xd5: {  	v62 =	vld [tilespmem:s24+$0x1D0]  }
0xd6: {  	v63 =	vld [tilespmem:s24+$0x1A0]  }
0xd7: {  	v0 =	vld [tilespmem:s24+$0x1E0]  }
0xd8: {  	v1 =	vld [tilespmem:s24+$0x1B0]  }
0xd9: {  	v2 =	vld [tilespmem:s24+$0x1F0];
	v51 =	vmul.f32 v51, v33;
	v52 =	vmul.f32 v60, v34  }
0xda: {  	v53 =	vmul.f32 v61, v37;
	v54 =	vmul.f32 v62, v38  }
0xdb: {  	v3 =	vmul.f32 v63, v35  }
0xdc: {  	v4 =	vmul.f32 v0, v39;
	v51 =	vadd.f32 v52, v51;
	v53 =	vadd.f32 v54, v53  }
0xdd: {  	v5 =	vmul.f32 v1, v36  }
0xde: {  	v12 =	vmul.f32 v2, v40;
	v51 =	vadd.f32 v3, v51;
	v53 =	vadd.f32 v4, v53;
	_ =	sdelay $0x1  }
0xdf: {  	v51 =	vadd.f32 v5, v51;
	v13 =	vadd.f32 v12, v53;
	_ =	sdelay $0x1  }
0xe0: {  	v51 =	vadd.f32 v13, v51;
	_ =	sdelay $0x1  }
0xe1: {  	[tilespmem:$0x123B0] =	vst v51  }
0xe2: {  	v51 =	vld [tilespmem:s24+$0x200]  }
0xe3: {  	v14 =	vld [tilespmem:s24+$0x210]  }
0xe4: {  	v15 =	vld [tilespmem:s24+$0x240]  }
0xe5: {  	v16 =	vld [tilespmem:s24+$0x250]  }
0xe6: {  	v17 =	vld [tilespmem:s24+$0x220]  }
0xe7: {  	v18 =	vld [tilespmem:s24+$0x260]  }
0xe8: {  	v19 =	vld [tilespmem:s24+$0x230]  }
0xe9: {  	v20 =	vld [tilespmem:s24+$0x270];
	v51 =	vmul.f32 v51, v33;
	v52 =	vmul.f32 v14, v34  }
0xea: {  	v53 =	vmul.f32 v15, v37;
	v54 =	vmul.f32 v16, v38  }
0xeb: {  	v21 =	vmul.f32 v17, v35  }
0xec: {  	v22 =	vmul.f32 v18, v39;
	v51 =	vadd.f32 v52, v51;
	v53 =	vadd.f32 v54, v53  }
0xed: {  	v23 =	vmul.f32 v19, v36  }
0xee: {  	v24 =	vmul.f32 v20, v40;
	v51 =	vadd.f32 v21, v51;
	v53 =	vadd.f32 v22, v53;
	_ =	sdelay $0x1  }
0xef: {  	v51 =	vadd.f32 v23, v51;
	v25 =	vadd.f32 v24, v53;
	_ =	sdelay $0x1  }
0xf0: {  	v51 =	vadd.f32 v25, v51;
	_ =	sdelay $0x1  }
0xf1: {  	[tilespmem:$0x123C0] =	vst v51  }
0xf2: {  	v51 =	vld [tilespmem:s24+$0x280]  }
0xf3: {  	v26 =	vld [tilespmem:s24+$0x290]  }
0xf4: {  	v27 =	vld [tilespmem:s24+$0x2C0]  }
0xf5: {  	v28 =	vld [tilespmem:s24+$0x2D0]  }
0xf6: {  	v29 =	vld [tilespmem:s24+$0x2A0]  }
0xf7: {  	v30 =	vld [tilespmem:s24+$0x2E0]  }
0xf8: {  	v31 =	vld [tilespmem:s24+$0x2B0]  }
0xf9: {  	v32 =	vld [tilespmem:s24+$0x2F0];
	v51 =	vmul.f32 v51, v33;
	v52 =	vmul.f32 v26, v34  }
0xfa: {  	v53 =	vmul.f32 v27, v37;
	v54 =	vmul.f32 v28, v38  }
0xfb: {  	v42 =	vmul.f32 v29, v35  }
0xfc: {  	v59 =	vmul.f32 v30, v39;
	v51 =	vadd.f32 v52, v51;
	v53 =	vadd.f32 v54, v53  }
0xfd: {  	v60 =	vmul.f32 v31, v36  }
0xfe: {  	v61 =	vmul.f32 v32, v40;
	v51 =	vadd.f32 v42, v51;
	v53 =	vadd.f32 v59, v53;
	_ =	sdelay $0x1  }
0xff: {  	v51 =	vadd.f32 v60, v51;
	v62 =	vadd.f32 v61, v53;
	_ =	sdelay $0x1  }
0x100: {  	v51 =	vadd.f32 v62, v51;
	_ =	sdelay $0x1  }
0x101: {  	[tilespmem:$0x123D0] =	vst v51  }
0x102: {  	v51 =	vld [tilespmem:s24+$0x300]  }
0x103: {  	v63 =	vld [tilespmem:s24+$0x310]  }
0x104: {  	v0 =	vld [tilespmem:s24+$0x340]  }
0x105: {  	v1 =	vld [tilespmem:s24+$0x350]  }
0x106: {  	v2 =	vld [tilespmem:s24+$0x320]  }
0x107: {  	v3 =	vld [tilespmem:s24+$0x360]  }
0x108: {  	v4 =	vld [tilespmem:s24+$0x330]  }
0x109: {  	v5 =	vld [tilespmem:s24+$0x370];
	v51 =	vmul.f32 v51, v33;
	v52 =	vmul.f32 v63, v34  }
0x10a: {  	v53 =	vmul.f32 v0, v37;
	v54 =	vmul.f32 v1, v38  }
0x10b: {  	v12 =	vmul.f32 v2, v35  }
0x10c: {  	v13 =	vmul.f32 v3, v39;
	v51 =	vadd.f32 v52, v51;
	v53 =	vadd.f32 v54, v53  }
0x10d: {  	v14 =	vmul.f32 v4, v36  }
0x10e: {  	v15 =	vmul.f32 v5, v40;
	v51 =	vadd.f32 v12, v51;
	v53 =	vadd.f32 v13, v53;
	_ =	sdelay $0x1  }
0x10f: {  	v51 =	vadd.f32 v14, v51;
	v16 =	vadd.f32 v15, v53;
	_ =	sdelay $0x1  }
0x110: {  	v51 =	vadd.f32 v16, v51;
	_ =	sdelay $0x1  }
0x111: {  	[tilespmem:$0x123E0] =	vst v51  }
0x112: {  	v51 =	vld [tilespmem:s24+$0x380]  }
0x113: {  	v17 =	vld [tilespmem:s24+$0x390]  }
0x114: {  	v18 =	vld [tilespmem:s24+$0x3C0]  }
0x115: {  	v19 =	vld [tilespmem:s24+$0x3D0]  }
0x116: {  	v20 =	vld [tilespmem:s24+$0x3A0]  }
0x117: {  	v21 =	vld [tilespmem:s24+$0x3E0]  }
0x118: {  	v22 =	vld [tilespmem:s24+$0x3B0]  }
0x119: {  	v23 =	vld [tilespmem:s24+$0x3F0];
	v51 =	vmul.f32 v51, v33;
	v52 =	vmul.f32 v17, v34  }
0x11a: {  	v53 =	vmul.f32 v18, v37;
	v54 =	vmul.f32 v19, v38  }
0x11b: {  	v24 =	vmul.f32 v20, v35  }
0x11c: {  	v25 =	vmul.f32 v21, v39;
	v51 =	vadd.f32 v52, v51;
	v53 =	vadd.f32 v54, v53  }
0x11d: {  	v26 =	vmul.f32 v22, v36  }
0x11e: {  	v27 =	vmul.f32 v23, v40;
	v51 =	vadd.f32 v24, v51;
	v53 =	vadd.f32 v25, v53;
	_ =	sdelay $0x1  }
0x11f: {  	v51 =	vadd.f32 v26, v51;
	v28 =	vadd.f32 v27, v53;
	_ =	sdelay $0x1  }
0x120: {  	v51 =	vadd.f32 v28, v51;
	_ =	sdelay $0x1  }
0x121: {  	[tilespmem:$0x123F0] =	vst v51  }
0x122: {  	v51 =	vld [tilespmem:s24+$0x400]  }
0x123: {  	v29 =	vld [tilespmem:s24+$0x410]  }
0x124: {  	v30 =	vld [tilespmem:s24+$0x440]  }
0x125: {  	v31 =	vld [tilespmem:s24+$0x450]  }
0x126: {  	v32 =	vld [tilespmem:s24+$0x420]  }
0x127: {  	v42 =	vld [tilespmem:s24+$0x460]  }
0x128: {  	v60 =	vld [tilespmem:s24+$0x430]  }
0x129: {  	v61 =	vld [tilespmem:s24+$0x470];
	v51 =	vmul.f32 v51, v33;
	v52 =	vmul.f32 v29, v34  }
0x12a: {  	v53 =	vmul.f32 v30, v37;
	v54 =	vmul.f32 v31, v38  }
0x12b: {  	v62 =	vmul.f32 v32, v35  }
0x12c: {  	v63 =	vmul.f32 v42, v39;
	v51 =	vadd.f32 v52, v51;
	v53 =	vadd.f32 v54, v53  }
0x12d: {  	v0 =	vmul.f32 v60, v36  }
0x12e: {  	v1 =	vmul.f32 v61, v40;
	v51 =	vadd.f32 v62, v51;
	v53 =	vadd.f32 v63, v53;
	_ =	sdelay $0x1  }
0x12f: {  	v51 =	vadd.f32 v0, v51;
	v2 =	vadd.f32 v1, v53;
	_ =	sdelay $0x1  }
0x130: {  	v51 =	vadd.f32 v2, v51;
	_ =	sdelay $0x1  }
0x131: {  	[tilespmem:$0x12400] =	vst v51  }
0x132: {  	v51 =	vld [tilespmem:s24+$0x480]  }
0x133: {  	v3 =	vld [tilespmem:s24+$0x490]  }
0x134: {  	v4 =	vld [tilespmem:s24+$0x4C0]  }
0x135: {  	v5 =	vld [tilespmem:s24+$0x4D0]  }
0x136: {  	v12 =	vld [tilespmem:s24+$0x4A0]  }
0x137: {  	v13 =	vld [tilespmem:s24+$0x4E0]  }
0x138: {  	v14 =	vld [tilespmem:s24+$0x4B0]  }
0x139: {  	v15 =	vld [tilespmem:s24+$0x4F0];
	v51 =	vmul.f32 v51, v33;
	v52 =	vmul.f32 v3, v34  }
0x13a: {  	v53 =	vmul.f32 v4, v37;
	v54 =	vmul.f32 v5, v38  }
0x13b: {  	v16 =	vmul.f32 v12, v35  }
0x13c: {  	v17 =	vmul.f32 v13, v39;
	v51 =	vadd.f32 v52, v51;
	v53 =	vadd.f32 v54, v53  }
0x13d: {  	v18 =	vmul.f32 v14, v36  }
0x13e: {  	v19 =	vmul.f32 v15, v40;
	v51 =	vadd.f32 v16, v51;
	v53 =	vadd.f32 v17, v53;
	_ =	sdelay $0x1  }
0x13f: {  	v51 =	vadd.f32 v18, v51;
	v20 =	vadd.f32 v19, v53;
	_ =	sdelay $0x1  }
0x140: {  	v51 =	vadd.f32 v20, v51;
	_ =	sdelay $0x1  }
0x141: {  	[tilespmem:$0x12410] =	vst v51  }
0x142: {  	v51 =	vld [tilespmem:s24+$0x500]  }
0x143: {  	v21 =	vld [tilespmem:s24+$0x510]  }
0x144: {  	v22 =	vld [tilespmem:s24+$0x540]  }
0x145: {  	v23 =	vld [tilespmem:s24+$0x550]  }
0x146: {  	v24 =	vld [tilespmem:s24+$0x520]  }
0x147: {  	v25 =	vld [tilespmem:s24+$0x560]  }
0x148: {  	v26 =	vld [tilespmem:s24+$0x530]  }
0x149: {  	v27 =	vld [tilespmem:s24+$0x570];
	v51 =	vmul.f32 v51, v33;
	v52 =	vmul.f32 v21, v34  }
0x14a: {  	v53 =	vmul.f32 v22, v37;
	v54 =	vmul.f32 v23, v38  }
0x14b: {  	v28 =	vmul.f32 v24, v35  }
0x14c: {  	v29 =	vmul.f32 v25, v39;
	v51 =	vadd.f32 v52, v51;
	v53 =	vadd.f32 v54, v53  }
0x14d: {  	v30 =	vmul.f32 v26, v36  }
0x14e: {  	v31 =	vmul.f32 v27, v40;
	v51 =	vadd.f32 v28, v51;
	v53 =	vadd.f32 v29, v53;
	_ =	sdelay $0x1  }
0x14f: {  	v51 =	vadd.f32 v30, v51;
	v32 =	vadd.f32 v31, v53;
	_ =	sdelay $0x1  }
0x150: {  	v51 =	vadd.f32 v32, v51;
	_ =	sdelay $0x1  }
0x151: {  	[tilespmem:$0x12420] =	vst v51  }
0x152: {  	v51 =	vld [tilespmem:s24+$0x580]  }
0x153: {  	v42 =	vld [tilespmem:s24+$0x590]  }
0x154: {  	v60 =	vld [tilespmem:s24+$0x5C0]  }
0x155: {  	v61 =	vld [tilespmem:s24+$0x5D0]  }
0x156: {  	v62 =	vld [tilespmem:s24+$0x5A0]  }
0x157: {  	v63 =	vld [tilespmem:s24+$0x5E0]  }
0x158: {  	v0 =	vld [tilespmem:s24+$0x5B0]  }
0x159: {  	v1 =	vld [tilespmem:s24+$0x5F0];
	v51 =	vmul.f32 v51, v33;
	v52 =	vmul.f32 v42, v34  }
0x15a: {  	v53 =	vmul.f32 v60, v37;
	v54 =	vmul.f32 v61, v38  }
0x15b: {  	v2 =	vmul.f32 v62, v35  }
0x15c: {  	v3 =	vmul.f32 v63, v39;
	v51 =	vadd.f32 v52, v51;
	v53 =	vadd.f32 v54, v53  }
0x15d: {  	v4 =	vmul.f32 v0, v36  }
0x15e: {  	v5 =	vmul.f32 v1, v40;
	v51 =	vadd.f32 v2, v51;
	v53 =	vadd.f32 v3, v53;
	_ =	sdelay $0x1  }
0x15f: {  	v51 =	vadd.f32 v4, v51;
	v12 =	vadd.f32 v5, v53;
	_ =	sdelay $0x1  }
0x160: {  	v51 =	vadd.f32 v12, v51;
	_ =	sdelay $0x1  }
0x161: {  	[tilespmem:$0x12430] =	vst v51  }
0x162: {  	v51 =	vld [tilespmem:s24+$0x600]  }
0x163: {  	v13 =	vld [tilespmem:s24+$0x610]  }
0x164: {  	v14 =	vld [tilespmem:s24+$0x640]  }
0x165: {  	v15 =	vld [tilespmem:s24+$0x650]  }
0x166: {  	v16 =	vld [tilespmem:s24+$0x620]  }
0x167: {  	v17 =	vld [tilespmem:s24+$0x660]  }
0x168: {  	v18 =	vld [tilespmem:s24+$0x630]  }
0x169: {  	v19 =	vld [tilespmem:s24+$0x670];
	v51 =	vmul.f32 v51, v33;
	v52 =	vmul.f32 v13, v34  }
0x16a: {  	v53 =	vmul.f32 v14, v37;
	v54 =	vmul.f32 v15, v38  }
0x16b: {  	v20 =	vmul.f32 v16, v35  }
0x16c: {  	v21 =	vmul.f32 v17, v39;
	v51 =	vadd.f32 v52, v51;
	v53 =	vadd.f32 v54, v53  }
0x16d: {  	v22 =	vmul.f32 v18, v36  }
0x16e: {  	v23 =	vmul.f32 v19, v40;
	v51 =	vadd.f32 v20, v51;
	v53 =	vadd.f32 v21, v53;
	_ =	sdelay $0x1  }
0x16f: {  	v51 =	vadd.f32 v22, v51;
	v24 =	vadd.f32 v23, v53;
	_ =	sdelay $0x1  }
0x170: {  	v51 =	vadd.f32 v24, v51;
	_ =	sdelay $0x1  }
0x171: {  	[tilespmem:$0x12440] =	vst v51  }
0x172: {  	v51 =	vld [tilespmem:s24+$0x680]  }
0x173: {  	v25 =	vld [tilespmem:s24+$0x690]  }
0x174: {  	v26 =	vld [tilespmem:s24+$0x6C0]  }
0x175: {  	v27 =	vld [tilespmem:s24+$0x6D0]  }
0x176: {  	v28 =	vld [tilespmem:s24+$0x6A0]  }
0x177: {  	v29 =	vld [tilespmem:s24+$0x6E0]  }
0x178: {  	v30 =	vld [tilespmem:s24+$0x6B0]  }
0x179: {  	v31 =	vld [tilespmem:s24+$0x6F0];
	v51 =	vmul.f32 v51, v33;
	v52 =	vmul.f32 v25, v34  }
0x17a: {  	v53 =	vmul.f32 v26, v37;
	v54 =	vmul.f32 v27, v38  }
0x17b: {  	v32 =	vmul.f32 v28, v35  }
0x17c: {  	v42 =	vmul.f32 v29, v39;
	v51 =	vadd.f32 v52, v51;
	v53 =	vadd.f32 v54, v53  }
0x17d: {  	v59 =	vmul.f32 v30, v36  }
0x17e: {  	v60 =	vmul.f32 v31, v40;
	v51 =	vadd.f32 v32, v51;
	v53 =	vadd.f32 v42, v53;
	_ =	sdelay $0x1  }
0x17f: {  	v51 =	vadd.f32 v59, v51;
	v61 =	vadd.f32 v60, v53;
	_ =	sdelay $0x1  }
0x180: {  	v51 =	vadd.f32 v61, v51;
	_ =	sdelay $0x1  }
0x181: {  	[tilespmem:$0x12450] =	vst v51  }
0x182: {  	v51 =	vld [tilespmem:s24+$0x700]  }
0x183: {  	v62 =	vld [tilespmem:s24+$0x710]  }
0x184: {  	v63 =	vld [tilespmem:s24+$0x740]  }
0x185: {  	v0 =	vld [tilespmem:s24+$0x750]  }
0x186: {  	v1 =	vld [tilespmem:s24+$0x720]  }
0x187: {  	v2 =	vld [tilespmem:s24+$0x760]  }
0x188: {  	v3 =	vld [tilespmem:s24+$0x730]  }
0x189: {  	v4 =	vld [tilespmem:s24+$0x770];
	v51 =	vmul.f32 v51, v33;
	v52 =	vmul.f32 v62, v34  }
0x18a: {  	v53 =	vmul.f32 v63, v37;
	v54 =	vmul.f32 v0, v38  }
0x18b: {  	v5 =	vmul.f32 v1, v35  }
0x18c: {  	v12 =	vmul.f32 v2, v39;
	v51 =	vadd.f32 v52, v51;
	v53 =	vadd.f32 v54, v53  }
0x18d: {  	v13 =	vmul.f32 v3, v36  }
0x18e: {  	v14 =	vmul.f32 v4, v40;
	v51 =	vadd.f32 v5, v51;
	v53 =	vadd.f32 v12, v53;
	_ =	sdelay $0x1  }
0x18f: {  	v28 =	vld [tilespmem:$0x1FF00];
	v51 =	vadd.f32 v13, v51;
	v15 =	vadd.f32 v14, v53  }
0x190: {  	v30 =	vld [tilespmem:$0x1FF10]  }
0x191: {  	v32 =	vld [tilespmem:$0x1FF20];
	v51 =	vadd.f32 v15, v51  }
0x192: {  	v0 =	vld [tilespmem:$0x1FFE0]  }
0x193: {  	v1 =	vld [tilespmem:$0x1FFD0];
	[tilespmem:$0x12460] =	vst v51  }
0x194: {  	v51 =	vld [tilespmem:s24+$0x780]  }
0x195: {  	v16 =	vld [tilespmem:s24+$0x790]  }
0x196: {  	v17 =	vld [tilespmem:s24+$0x7C0]  }
0x197: {  	v18 =	vld [tilespmem:s24+$0x7D0]  }
0x198: {  	v19 =	vld [tilespmem:s24+$0x7A0]  }
0x199: {  	v20 =	vld [tilespmem:s24+$0x7E0]  }
0x19a: {  	v21 =	vld [tilespmem:s24+$0x7B0]  }
0x19b: {  	v22 =	vld [tilespmem:s24+$0x7F0];
	v51 =	vmul.f32 v51, v33;
	v52 =	vmul.f32 v16, v34  }
0x19c: {  	v5 =	vld [tilespmem:$0x1FF30];
	v53 =	vmul.f32 v17, v37;
	v54 =	vmul.f32 v18, v38  }
0x19d: {  	v13 =	vld [tilespmem:$0x1FF40];
	v23 =	vmul.f32 v19, v35  }
0x19e: {  	v15 =	vld [tilespmem:$0x1FF50];
	v24 =	vmul.f32 v20, v39;
	v51 =	vadd.f32 v52, v51;
	v53 =	vadd.f32 v54, v53  }
0x19f: {  	v25 =	vmul.f32 v21, v36;
	v17 =	vld [tilespmem:$0x1FF60]  }
0x1a0: {  	v26 =	vmul.f32 v22, v40;
	v19 =	vld [tilespmem:$0x1FF70];
	v51 =	vadd.f32 v23, v51;
	v53 =	vadd.f32 v24, v53  }
0x1a1: {  	v20 =	vld [tilespmem:$0x1FF80]  }
0x1a2: {  	v21 =	vld [tilespmem:$0x1FF90];
	v51 =	vadd.f32 v25, v51;
	v27 =	vadd.f32 v26, v53  }
0x1a3: {  	v22 =	vld [tilespmem:$0x1FFA0]  }
0x1a4: {  	v23 =	vld [tilespmem:$0x1FFB0];
	v51 =	vadd.f32 v27, v51  }
0x1a5: {  	v24 =	vld [tilespmem:$0x1FFC0]  }
0x1a6: {  	v25 =	vld [tilespmem:$0x1FFF0];
	[tilespmem:$0x12470] =	vst v51  }
0x1a7: {  	v51 =	vld.idx.msk [tilespmem:v0+s22+$0x0], $0xffff  }
0x1a8: {  	v29 =	vld.idx.msk [tilespmem:v28+s22+$0x0], $0xffff  }
0x1a9: {  	v31 =	vld.idx.msk [tilespmem:v30+s22+$0x0], $0xffff  }
0x1aa: {  	v42 =	vld.idx.msk [tilespmem:v32+s22+$0x0], $0xffff  }
0x1ab: {  	v12 =	vld.idx.msk [tilespmem:v5+s22+$0x0], $0xffff  }
0x1ac: {  	v14 =	vld.idx.msk [tilespmem:v13+s22+$0x0], $0xffff  }
0x1ad: {  	v16 =	vld.idx.msk [tilespmem:v15+s22+$0x0], $0xffff  }
0x1ae: {  	v18 =	vld.idx.msk [tilespmem:v17+s22+$0x0], $0xffff  }
0x1af: {  	v59 =	vld.idx.msk [tilespmem:v19+s22+$0x0], $0xffff  }
0x1b0: {  	v60 =	vld.idx.msk [tilespmem:v20+s22+$0x0], $0xffff  }
0x1b1: {  	v61 =	vld.idx.msk [tilespmem:v21+s22+$0x0], $0xffff  }
0x1b2: {  	v62 =	vld.idx.msk [tilespmem:v22+s22+$0x0], $0xffff  }
0x1b3: {  	v2 =	vld.idx.msk [tilespmem:v1+s22+$0x0], $0xffff  }
0x1b4: {  	v63 =	vld.idx.msk [tilespmem:v23+s22+$0x0], $0xffff  }
0x1b5: {  	v0 =	vld.idx.msk [tilespmem:v24+s22+$0x0], $0xffff  }
0x1b6: {  	v3 =	vld.idx.msk [tilespmem:v25+s22+$0x0], $0xffff  }
0x1b7: {  	v4 =	vld [tilespmem:s24+$0x0]  }
0x1b8: {  	v5 =	vld [tilespmem:s24+$0x10];
	v51 =	vadd.f32 v29, v51;
	v26 =	vadd.f32 v42, v31  }
0x1b9: {  	v53 =	vld [tilespmem:s24+$0x20];
	v27 =	vadd.f32 v14, v12;
	v28 =	vadd.f32 v18, v16  }
0x1ba: {  	v56 =	vld [tilespmem:s24+$0x30];
	v29 =	vadd.f32 v60, v59;
	v30 =	vadd.f32 v62, v61  }
0x1bb: {  	v54 =	vld [tilespmem:s24+$0x60];
	v0 =	vadd.f32 v0, v63;
	v2 =	vadd.f32 v3, v2  }
0x1bc: {  	v57 =	vld [tilespmem:s24+$0x80];
	v51 =	vadd.f32 v26, v51;
	v31 =	vadd.f32 v28, v27  }
0x1bd: {  	v52 =	vld [tilespmem:s24+$0x90];
	v32 =	vadd.f32 v30, v29;
	v0 =	vadd.f32 v2, v0  }
0x1be: {  	v55 =	vld [tilespmem:s24+$0xA0]  }
0x1bf: {  	v58 =	vld [tilespmem:s24+$0xB0];
	v51 =	vadd.f32 v31, v51;
	v0 =	vadd.f32 v0, v32  }
0x1c0: {  	v6 =	vld [tilespmem:s24+$0x100]  }
0x1c1: {  	v7 =	vld [tilespmem:s24+$0x110];
	v0 =	vadd.f32 v0, v51  }
0x1c2: {  	v8 =	vld [tilespmem:s24+$0x120]  }
0x1c3: {  	v9 =	vld [tilespmem:s24+$0x140];
	v0 =	vadd.f32 v0, v41  }
0x1c4: {  	v10 =	vld [tilespmem:s24+$0x150]  }
0x1c5: {  	v11 =	vld [tilespmem:s24+$0x160];
	v0 =	vsub.f32 $0.0e+00, v0  }
0x1c6: {  	v13 =	vld [tilespmem:s24+$0x180]  }
0x1c7: {  	v15 =	vld [tilespmem:s24+$0x190];
	v0 =	vmul.f32 $1.442695020e+00, v0  }
0x1c8: {  	v17 =	vld [tilespmem:s24+$0x1B0]  }
0x1c9: {  	v19 =	vld [tilespmem:s24+$0x1E0];
	(erf) = vpow2.f32 v0  }
0x1ca: {  	v20 =	vld [tilespmem:s24+$0x1F0]  }
0x1cb: {  	v21 =	vld [tilespmem:s24+$0x200]  }
0x1cc: {  	v22 =	vld [tilespmem:s24+$0x210]  }
0x1cd: {  	v1 =	vld [tilespmem:s24+$0x2C0]  }
0x1ce: {  	v23 =	vld [tilespmem:s24+$0x220]  }
0x1cf: {  	v24 =	vld [tilespmem:s24+$0x230]  }
0x1d0: {  	v25 =	vld [tilespmem:s24+$0x240]  }
0x1d1: {  	v59 =	vld [tilespmem:s24+$0x40]  }
0x1d2: {  	v60 =	vld [tilespmem:s24+$0xC0];
	v42 =	vpop (erf)  }
0x1d3: {  	v61 =	vld [tilespmem:s24+$0xD0];
	v51 =	vadd.f32 $1.000000000e+00, v42  }
0x1d4: {  	v62 =	vld [tilespmem:s24+$0xE0]  }
0x1d5: {  	v12 =	vld [tilespmem:s24+$0x170];
	(erf) = vrcp.f32 v51  }
0x1d6: {  	v16 =	vld [tilespmem:s24+$0x1A0]  }
0x1d7: {  	v14 =	vld [tilespmem:s24+$0x1C0]  }
0x1d8: {  	v18 =	vld [tilespmem:s24+$0x1D0]  }
0x1d9: {  	v63 =	vld [tilespmem:s24+$0xF0]  }
0x1da: {  	v26 =	vld [tilespmem:s24+$0x250]  }
0x1db: {  	v27 =	vld [tilespmem:s24+$0x260]  }
0x1dc: {  	v28 =	vld [tilespmem:s24+$0x270]  }
0x1dd: {  	v3 =	vld [tilespmem:s24+$0x50]  }
0x1de: {  	v2 =	vld [tilespmem:s24+$0x70];
	v51 =	vpop (erf)  }
0x1df: {  	v29 =	vld [tilespmem:s24+$0x280];
	v30 =	vbroadcast v51, $0x0  }
0x1e0: {  	v31 =	vld [tilespmem:s24+$0x290]  }
0x1e1: {  	v32 =	vld [tilespmem:s24+$0x2A0];
	v4 =	vmul.f32 v30, v4  }
0x1e2: {  	v0 =	vld [tilespmem:s24+$0x130];
	v5 =	vmul.f32 v30, v5;
	v53 =	vmul.f32 v30, v53  }
0x1e3: {  	v42 =	vld [tilespmem:s24+$0x2B0];
	v3 =	vmul.f32 v30, v3;
	v2 =	vmul.f32 v30, v2  }
0x1e4: {  	v4 =	vadd.f32 v4, v49;
	v5 =	vadd.f32 v5, v45;
	v45 =	vmul.f32 v30, v56;
	v49 =	vld [tilespmem:s24+$0x2D0]  }
0x1e5: {  	v50 =	vadd.f32 v53, v50;
	v53 =	vmul.f32 v30, v59;
	v56 =	vbroadcast v51, $0x1;
	v59 =	vld [tilespmem:s24+$0x2E0]  }
0x1e6: {  	v3 =	vadd.f32 v3, v44;
	v2 =	vadd.f32 v2, v43;
	v43 =	vld [tilespmem:s24+$0x320]  }
0x1e7: {  	v45 =	vadd.f32 v45, v46;
	v46 =	vmul.f32 v30, v54;
	v54 =	vld [tilespmem:s24+$0x2F0];
	v57 =	vmul.f32 v56, v57  }
0x1e8: {  	v48 =	vadd.f32 v53, v48;
	v53 =	vld [tilespmem:s24+$0x300];
	v52 =	vmul.f32 v56, v52;
	v62 =	vmul.f32 v62, v56  }
0x1e9: {  	v63 =	vmul.f32 v63, v56;
	v44 =	vadd.f32 v46, v47;
	v47 =	vld [tilespmem:s24+$0x310];
	v4 =	vadd.f32 v4, v57  }
0x1ea: {  	v57 =	vmul.f32 v56, v55;
	v5 =	vadd.f32 v5, v52;
	v52 =	vmul.f32 v60, v56;
	v55 =	vld [tilespmem:s24+$0x330]  }
0x1eb: {  	v46 =	vmul.f32 v58, v56;
	v60 =	vbroadcast v51, $0x2;
	v58 =	vld [tilespmem:s24+$0x340];
	v2 =	vadd.f32 v63, v2  }
0x1ec: {  	v30 =	vadd.f32 v50, v57;
	v50 =	vmul.f32 v61, v56;
	v61 =	vadd.f32 v52, v48;
	v52 =	vld [tilespmem:s24+$0x350]  }
0x1ed: {  	v45 =	vadd.f32 v46, v45;
	v6 =	vmul.f32 v6, v60;
	v56 =	vld [tilespmem:s24+$0x360];
	v7 =	vmul.f32 v7, v60  }
0x1ee: {  	v44 =	vadd.f32 v62, v44;
	v8 =	vmul.f32 v8, v60;
	v48 =	vld [tilespmem:s24+$0x370];
	v0 =	vmul.f32 v0, v60  }
0x1ef: {  	v10 =	vmul.f32 v10, v60;
	v11 =	vmul.f32 v11, v60;
	v46 =	vld [tilespmem:s24+$0x3B0];
	v3 =	vadd.f32 v50, v3  }
0x1f0: {  	v62 =	vbroadcast v51, $0x4;
	v4 =	vadd.f32 v6, v4;
	v6 =	vld [tilespmem:s24+$0x380];
	v5 =	vadd.f32 v7, v5  }
0x1f1: {  	v7 =	vadd.f32 v8, v30;
	v8 =	vmul.f32 v9, v60;
	v9 =	vld [tilespmem:s24+$0x390];
	v50 =	vbroadcast v51, $0x3  }
0x1f2: {  	v12 =	vmul.f32 v12, v60;
	v0 =	vadd.f32 v0, v45;
	v45 =	vld [tilespmem:s24+$0x3A0];
	v11 =	vadd.f32 v11, v44  }
0x1f3: {  	v44 =	vmul.f32 v21, v62;
	v21 =	vld [tilespmem:s24+$0x410];
	v3 =	vadd.f32 v10, v3;
	v10 =	vmul.f32 v13, v50  }
0x1f4: {  	v2 =	vadd.f32 v12, v2;
	v57 =	vmul.f32 v15, v50;
	v15 =	vld [tilespmem:s24+$0x3C0];
	v60 =	vmul.f32 v16, v50  }
0x1f5: {  	v8 =	vadd.f32 v8, v61;
	v16 =	vld [tilespmem:s24+$0x3D0];
	v61 =	vmul.f32 v14, v50;
	v63 =	vmul.f32 v19, v50  }
0x1f6: {  	v13 =	vld [tilespmem:s24+$0x3E0];
	v30 =	vmul.f32 v20, v50;
	v4 =	vadd.f32 v10, v4;
	v5 =	vadd.f32 v57, v5  }
0x1f7: {  	v19 =	vld [tilespmem:s24+$0x400];
	v10 =	vmul.f32 v17, v50;
	v7 =	vadd.f32 v60, v7;
	v8 =	vadd.f32 v61, v8  }
0x1f8: {  	v20 =	vld [tilespmem:s24+$0x430];
	v2 =	vadd.f32 v30, v2;
	v57 =	vmul.f32 v25, v62;
	v61 =	vbroadcast v51, $0x5  }
0x1f9: {  	v14 =	vld [tilespmem:s24+$0x490];
	v60 =	vmul.f32 v26, v62;
	v0 =	vadd.f32 v10, v0;
	v10 =	vmul.f32 v18, v50  }
0x1fa: {  	v17 =	vld [tilespmem:s24+$0x3F0];
	v4 =	vadd.f32 v44, v4;
	v50 =	vmul.f32 v23, v62;
	v32 =	vmul.f32 v32, v61  }
0x1fb: {  	v25 =	vld [tilespmem:s24+$0x450];
	v8 =	vadd.f32 v57, v8;
	v44 =	vmul.f32 v42, v61;
	v1 =	vmul.f32 v1, v61  }
0x1fc: {  	v26 =	vld [tilespmem:s24+$0x470];
	v57 =	vbroadcast v51, $0x6;
	v3 =	vadd.f32 v10, v3;
	v10 =	vadd.f32 v63, v11  }
0x1fd: {  	v30 =	vld [tilespmem:s24+$0x4C0];
	v11 =	vmul.f32 v22, v62;
	v7 =	vadd.f32 v50, v7;
	v63 =	vmul.f32 v29, v61  }
0x1fe: {  	v18 =	vld [tilespmem:s24+$0x420];
	v50 =	vmul.f32 v49, v61;
	v1 =	vadd.f32 v1, v8;
	v8 =	vmul.f32 v59, v61  }
0x1ff: {  	v23 =	vld [tilespmem:s24+$0x440];
	v59 =	vmul.f32 v53, v57;
	v49 =	vmul.f32 v56, v57  }
0x200: {  	v42 =	vld [tilespmem:s24+$0x610];
	v5 =	vadd.f32 v11, v5;
	v11 =	vmul.f32 v24, v62;
	v3 =	vadd.f32 v60, v3  }
0x201: {  	v22 =	vld [tilespmem:s24+$0x460];
	v4 =	vadd.f32 v63, v4;
	v7 =	vadd.f32 v32, v7;
	v24 =	vmul.f32 v54, v61  }
0x202: {  	v29 =	vld [tilespmem:s24+$0x4B0];
	v60 =	vmul.f32 v47, v57;
	v0 =	vadd.f32 v11, v0;
	v11 =	vmul.f32 v27, v62  }
0x203: {  	v53 =	vld [tilespmem:s24+$0x530];
	v63 =	vmul.f32 v52, v57;
	v62 =	vmul.f32 v28, v62;
	v3 =	vadd.f32 v50, v3  }
0x204: {  	v32 =	vld [tilespmem:s24+$0x4D0];
	v4 =	vadd.f32 v59, v4;
	v10 =	vadd.f32 v11, v10;
	v11 =	vmul.f32 v31, v61  }
0x205: {  	v52 =	vld [tilespmem:s24+$0x520];
	v2 =	vadd.f32 v62, v2;
	v0 =	vadd.f32 v44, v0;
	v61 =	vmul.f32 v55, v57  }
0x206: {  	v54 =	vld [tilespmem:s24+$0x550];
	v62 =	vbroadcast v51, $0x7;
	v3 =	vadd.f32 v63, v3;
	v55 =	vbroadcast v51, $0x8  }
0x207: {  	v28 =	vld [tilespmem:s24+$0x480];
	v63 =	vbroadcast v51, $0xA;
	v5 =	vadd.f32 v11, v5;
	v8 =	vadd.f32 v8, v10  }
0x208: {  	v50 =	vld [tilespmem:s24+$0x510];
	v2 =	vadd.f32 v24, v2;
	v10 =	vmul.f32 v43, v57;
	v6 =	vmul.f32 v6, v62  }
0x209: {  	v59 =	vld [tilespmem:s24+$0x5B0];
	v0 =	vadd.f32 v61, v0;
	v9 =	vmul.f32 v9, v62;
	v15 =	vmul.f32 v15, v62  }
0x20a: {  	v31 =	vld [tilespmem:s24+$0x4F0];
	v5 =	vadd.f32 v60, v5;
	v7 =	vadd.f32 v10, v7;
	v10 =	vmul.f32 v58, v57  }
0x20b: {  	v44 =	vld [tilespmem:s24+$0x730];
	v56 =	vmul.f32 v19, v55;
	v4 =	vadd.f32 v6, v4;
	v6 =	vmul.f32 v45, v62  }
0x20c: {  	v11 =	vld [tilespmem:s24+$0x4A0];
	v1 =	vadd.f32 v10, v1;
	v5 =	vadd.f32 v9, v5;
	v9 =	vmul.f32 v46, v62  }
0x20d: {  	v24 =	vld [tilespmem:s24+$0x4E0];
	v10 =	vmul.f32 v48, v57;
	v6 =	vadd.f32 v6, v7;
	v7 =	vmul.f32 v16, v62  }
0x20e: {  	v43 =	vld [tilespmem:s24+$0x500];
	v8 =	vadd.f32 v49, v8;
	v0 =	vadd.f32 v9, v0;
	v9 =	vmul.f32 v13, v62  }
0x20f: {  	v19 =	vld [tilespmem:s24+$0x590];
	v2 =	vadd.f32 v10, v2;
	v3 =	vadd.f32 v7, v3;
	v7 =	vmul.f32 v17, v62  }
0x210: {  	v18 =	vmul.f32 v18, v55;
	v61 =	vld [tilespmem:s24+$0x5C0];
	v8 =	vadd.f32 v9, v8;
	v9 =	vmul.f32 v21, v55  }
0x211: {  	v45 =	vld [tilespmem:s24+$0x560];
	v60 =	vbroadcast v51, $0x9;
	v2 =	vadd.f32 v7, v2;
	v7 =	vmul.f32 v20, v55  }
0x212: {  	v58 =	vld [tilespmem:s24+$0x5A0];
	v1 =	vadd.f32 v15, v1;
	v5 =	vadd.f32 v9, v5;
	v9 =	vmul.f32 v23, v55  }
0x213: {  	v49 =	vld [tilespmem:s24+$0x630];
	v4 =	vadd.f32 v56, v4;
	v0 =	vadd.f32 v7, v0;
	v7 =	vmul.f32 v25, v55  }
0x214: {  	v57 =	vld [tilespmem:s24+$0x580];
	v16 =	vmul.f32 v26, v55;
	v1 =	vadd.f32 v9, v1;
	v9 =	vmul.f32 v22, v55  }
0x215: {  	v46 =	vld [tilespmem:s24+$0x620];
	v48 =	vmul.f32 v43, v63;
	v3 =	vadd.f32 v7, v3;
	v7 =	vmul.f32 v28, v60  }
0x216: {  	v43 =	vld [tilespmem:s24+$0x720];
	v6 =	vadd.f32 v18, v6;
	v8 =	vadd.f32 v9, v8;
	v9 =	vmul.f32 v11, v60  }
0x217: {  	v14 =	vmul.f32 v14, v60;
	v10 =	vld [tilespmem:s24+$0x540];
	v4 =	vadd.f32 v7, v4;
	v7 =	vmul.f32 v29, v60  }
0x218: {  	v24 =	vmul.f32 v24, v60;
	v13 =	vld [tilespmem:s24+$0x570];
	v6 =	vadd.f32 v9, v6;
	v9 =	vmul.f32 v30, v60  }
0x219: {  	v62 =	vld [tilespmem:s24+$0x5D0];
	v2 =	vadd.f32 v16, v2;
	v0 =	vadd.f32 v7, v0;
	v7 =	vmul.f32 v32, v60  }
0x21a: {  	v23 =	vld [tilespmem:s24+$0x5E0];
	v5 =	vadd.f32 v14, v5;
	v1 =	vadd.f32 v9, v1;
	v9 =	vmul.f32 v31, v60  }
0x21b: {  	v14 =	vld [tilespmem:s24+$0x600];
	v3 =	vadd.f32 v7, v3;
	v7 =	vadd.f32 v24, v8;
	v8 =	vmul.f32 v50, v63  }
0x21c: {  	v10 =	vmul.f32 v10, v63;
	v55 =	vld [tilespmem:s24+$0x670];
	v2 =	vadd.f32 v9, v2;
	v9 =	vmul.f32 v52, v63  }
0x21d: {  	v11 =	vld [tilespmem:s24+$0x5F0];
	v4 =	vadd.f32 v48, v4;
	v5 =	vadd.f32 v8, v5;
	v8 =	vmul.f32 v53, v63  }
0x21e: {  	v32 =	vld [tilespmem:s24+$0x710];
	v6 =	vadd.f32 v9, v6;
	v9 =	vmul.f32 v54, v63;
	v54 =	vbroadcast v51, $0xB  }
0x21f: {  	v48 =	vld [tilespmem:s24+$0x770];
	v1 =	vadd.f32 v10, v1;
	v0 =	vadd.f32 v8, v0;
	v8 =	vmul.f32 v45, v63  }
0x220: {  	v50 =	vld [tilespmem:s24+$0x640];
	v3 =	vadd.f32 v9, v3;
	v9 =	vmul.f32 v13, v63;
	v56 =	vmul.f32 v57, v54  }
0x221: {  	v60 =	vld [tilespmem:s24+$0x6C0];
	v7 =	vadd.f32 v8, v7;
	v8 =	vmul.f32 v19, v54;
	v15 =	vmul.f32 v58, v54  }
0x222: {  	v53 =	vld [tilespmem:s24+$0x660];
	v11 =	vmul.f32 v11, v54;
	v2 =	vadd.f32 v9, v2;
	v9 =	vmul.f32 v59, v54  }
0x223: {  	v31 =	vld [tilespmem:s24+$0x6F0];
	v4 =	vadd.f32 v56, v4;
	v5 =	vadd.f32 v8, v5;
	v8 =	vmul.f32 v61, v54  }
0x224: {  	v10 =	vld [tilespmem:s24+$0x680];
	v6 =	vadd.f32 v15, v6;
	v61 =	vbroadcast v51, $0xC;
	v0 =	vadd.f32 v9, v0  }
0x225: {  	v52 =	vld [tilespmem:s24+$0x650];
	v9 =	vmul.f32 v62, v54;
	v1 =	vadd.f32 v8, v1;
	v8 =	vmul.f32 v23, v54  }
0x226: {  	v45 =	vld [tilespmem:s24+$0x740];
	v30 =	vmul.f32 v42, v61;
	v2 =	vadd.f32 v11, v2;
	v42 =	vbroadcast v51, $0xD  }
0x227: {  	v57 =	vld [tilespmem:s24+$0x690];
	v12 =	vmul.f32 v53, v61;
	v3 =	vadd.f32 v9, v3;
	v9 =	vmul.f32 v14, v61  }
0x228: {  	v58 =	vld [tilespmem:s24+$0x6A0];
	v7 =	vadd.f32 v8, v7;
	v8 =	vmul.f32 v46, v61;
	v5 =	vadd.f32 v30, v5  }
0x229: {  	v11 =	vld [tilespmem:s24+$0x700];
	v10 =	vmul.f32 v10, v42;
	v4 =	vadd.f32 v9, v4;
	v9 =	vmul.f32 v49, v61  }
0x22a: {  	v59 =	vld [tilespmem:s24+$0x6B0];
	v47 =	vmul.f32 v60, v42;
	v6 =	vadd.f32 v8, v6;
	v8 =	vmul.f32 v50, v61  }
0x22b: {  	v62 =	vld [tilespmem:s24+$0x6D0];
	v7 =	vadd.f32 v12, v7;
	v0 =	vadd.f32 v9, v0;
	v9 =	vmul.f32 v52, v61  }
0x22c: {  	v63 =	vld [tilespmem:s24+$0x6E0];
	v49 =	vbroadcast v51, $0xE;
	v1 =	vadd.f32 v8, v1;
	v8 =	vmul.f32 v55, v61  }
0x22d: {  	v46 =	vld [tilespmem:s24+$0x750];
	v4 =	vadd.f32 v10, v4;
	v3 =	vadd.f32 v9, v3;
	v9 =	vmul.f32 v57, v42  }
0x22e: {  	v52 =	vld [tilespmem:s24+$0x790];
	v11 =	vmul.f32 v11, v49;
	v2 =	vadd.f32 v8, v2;
	v8 =	vmul.f32 v58, v42  }
0x22f: {  	v54 =	vmul.f32 v43, v49;
	v55 =	vld [tilespmem:s24+$0x7B0];
	v5 =	vadd.f32 v9, v5;
	v9 =	vmul.f32 v59, v42  }
0x230: {  	v10 =	vld [tilespmem:s24+$0x760];
	v4 =	vadd.f32 v11, v4;
	v6 =	vadd.f32 v8, v6;
	v8 =	vmul.f32 v62, v42  }
0x231: {  	v11 =	vld [tilespmem:s24+$0x7C0];
	v57 =	vbroadcast v51, $0xF;
	v0 =	vadd.f32 v9, v0;
	v9 =	vmul.f32 v63, v42  }
0x232: {  	v1 =	vadd.f32 v47, v1;
	v58 =	vld [tilespmem:s24+$0x7E0];
	v3 =	vadd.f32 v8, v3;
	v8 =	vmul.f32 v31, v42  }
0x233: {  	v50 =	vld [tilespmem:s24+$0x780];
	v13 =	vmul.f32 v52, v57;
	v7 =	vadd.f32 v9, v7;
	v9 =	vmul.f32 v32, v49  }
0x234: {  	v53 =	vld [tilespmem:s24+$0x7A0];
	v60 =	vmul.f32 v55, v57;
	v2 =	vadd.f32 v8, v2;
	v8 =	vmul.f32 v44, v49  }
0x235: {  	v59 =	vld [tilespmem:s24+$0x7F0];
	v6 =	vadd.f32 v54, v6;
	v5 =	vadd.f32 v9, v5;
	v9 =	vmul.f32 v45, v49  }
0x236: {  	v56 =	vld [tilespmem:s24+$0x7D0];
	v61 =	vmul.f32 v11, v57;
	v0 =	vadd.f32 v8, v0;
	v8 =	vmul.f32 v46, v49  }
0x237: {  	v62 =	vmul.f32 v58, v57;
	v1 =	vadd.f32 v9, v1;
	v9 =	vmul.f32 v10, v49  }
0x238: {  	v10 =	vmul.f32 v48, v49;
	v3 =	vadd.f32 v8, v3;
	v8 =	vmul.f32 v50, v57  }
0x239: {  	v45 =	vadd.f32 v13, v5;
	v7 =	vadd.f32 v9, v7;
	v9 =	vmul.f32 v53, v57  }
0x23a: {  	v63 =	vmul.f32 v59, v57;
	v46 =	vadd.f32 v60, v0;
	v2 =	vadd.f32 v10, v2  }
0x23b: {  	v49 =	vadd.f32 v8, v4;
	v50 =	vadd.f32 v9, v6;
	v6 =	vmul.f32 v56, v57  }
0x23c: {  	v48 =	vadd.f32 v61, v1;
	v47 =	vadd.f32 v62, v7  }
0x23d: {  	v8 =	vld [tilespmem:$0x1FE00];
	v43 =	vadd.f32 v63, v2;
	v44 =	vadd.f32 v6, v3  }
.LBB2_11:
0x23e: {  	s21 =	sadd.s32 $0x1, s21  }
0x23f: {  	p2 =	sne.s32 s21, $0xA  }
.Ltmp7:
0x240: {  	_ = 	snop;
	(pc) =	sbr.rel @!p2 .LBB2_12-.Ltmp7, $2  }
0x241: {  	_ =	sdelay $0x2  }
0x242: {  	s18 =	sadd.s32 $0x10, s18;
	s26 =	sadd.s32 $0x800, s26  }
.LBB2_6:
0x243: {  	_ =	sdelay $0x2  }
0x244: {  	s19 =	sshll.u32 s21, $0x4  }
0x245: {  	v51 =	vld.idx.msk [tilespmem:v8+s19+$0xA000 ss:$0x1], $0xffff;
	_ =	sdelay $0x4  }
0x246: {  	(v2sf) =	vpush v51, $0x0;
	_ =	sdelay $0x3  }
0x247: {  	(v2sf) =	vpush v51, $0xF;
	_ =	sdelay $0xa  }
0x248: {  	s24 =	smov.u32 s20;
	s20 =	spop (v2sf)  }
0x249: {  	p2 =	seq.s32 s20, s24;
	s24 =	sshll.u32 s24, $0x9  }
0x24a: {  	v57 =	vpsel p2, $0x0, v49;
	s24 =	sshra.s32 s24, $0x2  }
0x24b: {  	v58 =	vpsel p2, $0x0, v45;
	[tilespmem:s24+$0xA180] =	vst.add.f32.msk $0xffff, v57  }
0x24c: {  	s28 =	spop (v2sf);
	v59 =	vpsel p2, $0x0, v50;
	[tilespmem:s24+$0xA190] =	vst.add.f32.msk $0xffff, v58  }
0x24d: {  	v60 =	vpsel p2, $0x0, v46;
	p3 =	sne.s32 s20, s28;
	[tilespmem:s24+$0xA1A0] =	vst.add.f32.msk $0xffff, v59  }
.Ltmp8:
0x24e: {  	v61 =	vpsel p2, $0x0, v48;
	[tilespmem:s24+$0xA1B0] =	vst.add.f32.msk $0xffff, v60;
	(pc) =	sbr.rel @!p3 .LBB2_7-.Ltmp8, $4  }
0x24f: {  	v62 =	vpsel p2, $0x0, v44;
	v52 =	vpsel p2, $0x0, v47;
	[tilespmem:s24+$0xA1C0] =	vst.add.f32.msk $0xffff, v61  }
0x250: {  	v63 =	vpsel p2, $0x0, v43;
	v49 =	vpsel !p2, $0x0, v49;
	v45 =	vpsel !p2, $0x0, v45;
	[tilespmem:s24+$0xA1D0] =	vst.add.f32.msk $0xffff, v62  }
0x251: {  	v50 =	vpsel !p2, $0x0, v50;
	v46 =	vpsel !p2, $0x0, v46;
	v48 =	vpsel !p2, $0x0, v48;
	[tilespmem:s24+$0xA1E0] =	vst.add.f32.msk $0xffff, v52  }
0x252: {  	s19 =	sadd.s32 s16, s19;
	v44 =	vpsel !p2, $0x0, v44;
	v47 =	vpsel !p2, $0x0, v47;
	v43 =	vpsel !p2, $0x0, v43;
	[tilespmem:s24+$0xA1F0] =	vst.add.f32.msk $0xffff, v63  }
0x253: {  	v0 =	vld [tilespmem:s26+$0xFFFFFFC0]  }
0x254: {  	v1 =	vld [tilespmem:s26+$0x10]  }
0x255: {  	v54 =	vld [tilespmem:s26+$0x0]  }
0x256: {  	v51 =	vld [tilespmem:s26+$0xFFFFFFD0]  }
0x257: {  	v53 =	vld [tilespmem:s26+$0x20]  }
0x258: {  	v2 =	vld [tilespmem:s26+$0xFFFFFFE0]  }
0x259: {  	v3 =	vld [tilespmem:s26+$0x30]  }
0x25a: {  	v52 =	vld [tilespmem:s26+$0xFFFFFFF0];
	v4 =	vmul.f32 v1, v38;
	v5 =	vmul.f32 v54, v37  }
0x25b: {  	v6 =	vmul.f32 v0, v33;
	v7 =	vmul.f32 v51, v34  }
0x25c: {  	v60 =	vmul.f32 v53, v39;
	v4 =	vadd.f32 v4, v5  }
0x25d: {  	v6 =	vadd.f32 v7, v6;
	v7 =	vmul.f32 v2, v35  }
0x25e: {  	v4 =	vadd.f32 v60, v4  }
0x25f: {  	v61 =	vadd.f32 v7, v6;
	v6 =	vmul.f32 v52, v36;
	v7 =	vmul.f32 v3, v40;
	_ =	sdelay $0x1  }
0x260: {  	v5 =	vadd.f32 v6, v61;
	v4 =	vadd.f32 v7, v4;
	_ =	sdelay $0x1  }
0x261: {  	v4 =	vadd.f32 v4, v5;
	_ =	sdelay $0x1  }
0x262: {  	(xrf2) =	vadd.scan.msk.f32 $0xffff, v4;
	_ =	sdelay $0x9  }
0x263: {  	v4, _, _ =	vpop (xrf2)  }
0x264: {  	v4 =	vbroadcast v4, $0xF;
	_ =	sdelay $0x1  }
0x265: {  	v4 =	vadd.f32 v4, v41;
	_ =	sdelay $0x1  }
0x266: {  	v4 =	vsub.f32 $0.0e+00, v4;
	_ =	sdelay $0x1  }
0x267: {  	v4 =	vmul.f32 $1.442695020e+00, v4;
	_ =	sdelay $0x1  }
0x268: {  	(erf) = vpow2.f32 v4  }
0x269: {  	s19 =	sadd.s32 $0x0, s18  }
0x26a: {  	v62 =	vld [tilespmem:s19+$0x0];
	_ =	sdelay $0x4  }
0x26b: {  	(v2sf) =	vpush v62, $0x0;
	_ =	sdelay $0x1  }
0x26c: {  	v63 =	vpop (erf)  }
0x26d: {  	v4 =	vadd.f32 $1.000000000e+00, v63;
	_ =	sdelay $0x1  }
0x26e: {  	(erf) = vrcp.f32 v4;
	_ =	sdelay $0x8  }
0x26f: {  	v56 =	vpop (erf)  }
0x270: {  	s28 =	spop (v2sf);
	v0 =	vmul.f32 v56, v0;
	v57 =	vmul.f32 v56, v3  }
0x271: {  	p3 =	seq.s32 s28, s20;
	s19 =	sshll.u32 s28, $0x9;
	v60 =	vmul.f32 v56, v2;
	v59 =	vmul.f32 v56, v1  }
0x272: {  	s24 =	simm.s32 $0x4;
	s29 =	sshra.s32 s19, $0x2;
	s19 =	smov.u32 s26;
	v61 =	vpsel p3, $0x0, v0;
	v58 =	vpsel p3, $0x0, v57;
	v55 =	vpsel !p3, $0x0, v0  }
.LBB2_9:
0x273: {  	p2 =	sne.s32 s24, $0x3C  }
0x274: {  	v0 =	vmul.f32 v56, v54;
	[tilespmem:s29+$0xA180] =	vst.add.f32.msk $0xffff, v61;
	v1 =	vpsel p3, $0x0, v60;
	v2 =	vpsel p3, $0x0, v59;
	s19 =	sadd.s32 $0x80, s19;
	s28 =	smov.u32 s24;
	s24 =	sadd.s32 $0x4, s24  }
0x275: {  	v3 =	vmul.f32 v56, v53;
	v4 =	vpsel !p3, $0x0, v59;
	[tilespmem:s29+$0xA1A0] =	vst.add.f32.msk $0xffff, v1;
	v1 =	vpsel !p3, $0x0, v60  }
0x276: {  	v5 =	vpsel p3, $0x0, v0;
	[tilespmem:s29+$0xA1D0] =	vst.add.f32.msk $0xffff, v2;
	v50 =	vadd.f32 v1, v50;
	v1 =	vpsel !p3, $0x0, v57  }
0x277: {  	v2 =	vmul.f32 v56, v52;
	v0 =	vpsel !p3, $0x0, v0;
	[tilespmem:s29+$0xA1C0] =	vst.add.f32.msk $0xffff, v5;
	v5 =	vpsel !p3, $0x0, v3  }
0x278: {  	v6 =	vmul.f32 v56, v51;
	v3 =	vpsel p3, $0x0, v3;
	[tilespmem:s29+$0xA1F0] =	vst.add.f32.msk $0xffff, v58;
	v47 =	vadd.f32 v5, v47  }
0x279: {  	v44 =	vadd.f32 v4, v44;
	v48 =	vadd.f32 v0, v48;
	[tilespmem:s29+$0xA1E0] =	vst.add.f32.msk $0xffff, v3;
	v3 =	vpsel !p3, $0x0, v2  }
0x27a: {  	v0 =	vpsel p3, $0x0, v6;
	v2 =	vpsel p3, $0x0, v2;
	v46 =	vadd.f32 v3, v46  }
0x27b: {  	v49 =	vadd.f32 v55, v49;
	v43 =	vadd.f32 v1, v43;
	[tilespmem:s29+$0xA190] =	vst.add.f32.msk $0xffff, v0;
	v0 =	vpsel !p3, $0x0, v6  }
0x27c: {  	[tilespmem:s29+$0xA1B0] =	vst.add.f32.msk $0xffff, v2;
	v45 =	vadd.f32 v0, v45  }
0x27d: {  	v0 =	vld [tilespmem:s19+$0xFFFFFFC0]  }
0x27e: {  	v1 =	vld [tilespmem:s19+$0x10]  }
0x27f: {  	v54 =	vld [tilespmem:s19+$0x0]  }
0x280: {  	v51 =	vld [tilespmem:s19+$0xFFFFFFD0]  }
0x281: {  	v53 =	vld [tilespmem:s19+$0x20]  }
0x282: {  	v2 =	vld [tilespmem:s19+$0xFFFFFFE0]  }
0x283: {  	v3 =	vld [tilespmem:s19+$0x30];
	v4 =	vmul.f32 v1, v38  }
0x284: {  	v52 =	vld [tilespmem:s19+$0xFFFFFFF0];
	v5 =	vmul.f32 v54, v37  }
0x285: {  	v6 =	vmul.f32 v0, v33;
	v7 =	vmul.f32 v51, v34  }
0x286: {  	v4 =	vadd.f32 v4, v5;
	v5 =	vmul.f32 v53, v39  }
0x287: {  	v6 =	vadd.f32 v7, v6;
	v7 =	vmul.f32 v2, v35  }
0x288: {  	v4 =	vadd.f32 v5, v4  }
0x289: {  	v5 =	vadd.f32 v7, v6;
	v6 =	vmul.f32 v52, v36;
	v7 =	vmul.f32 v3, v40;
	_ =	sdelay $0x1  }
0x28a: {  	v5 =	vadd.f32 v6, v5;
	v4 =	vadd.f32 v7, v4;
	_ =	sdelay $0x1  }
0x28b: {  	v4 =	vadd.f32 v4, v5;
	_ =	sdelay $0x1  }
0x28c: {  	(xrf2) =	vadd.scan.msk.f32 $0xffff, v4;
	_ =	sdelay $0x9  }
0x28d: {  	v4, _, _ =	vpop (xrf2)  }
0x28e: {  	v4 =	vbroadcast v4, $0xF;
	_ =	sdelay $0x1  }
0x28f: {  	v4 =	vadd.f32 v4, v41;
	_ =	sdelay $0x1  }
0x290: {  	v4 =	vsub.f32 $0.0e+00, v4;
	_ =	sdelay $0x1  }
0x291: {  	v4 =	vmul.f32 $1.442695020e+00, v4;
	_ =	sdelay $0x1  }
0x292: {  	s28 =	sshra.s32 s28, $0x2;
	(erf) = vpow2.f32 v4  }
0x293: {  	s28 =	sadd.s32 s28, s18  }
0x294: {  	v4 =	vld [tilespmem:s28+$0x0];
	_ =	sdelay $0x4  }
0x295: {  	(v2sf) =	vpush v4, $0x0;
	_ =	sdelay $0x1  }
0x296: {  	v4 =	vpop (erf)  }
0x297: {  	v4 =	vadd.f32 $1.000000000e+00, v4;
	_ =	sdelay $0x1  }
0x298: {  	(erf) = vrcp.f32 v4;
	_ =	sdelay $0x7  }
.Ltmp9:
0x299: {  	(pc) =	sbr.rel @p2 .LBB2_9-.Ltmp9, $4  }
0x29a: {  	v56 =	vpop (erf)  }
0x29b: {  	v0 =	vmul.f32 v56, v0;
	v57 =	vmul.f32 v56, v3;
	s28 =	spop (v2sf)  }
0x29c: {  	v60 =	vmul.f32 v56, v2;
	v59 =	vmul.f32 v56, v1;
	p3 =	seq.s32 s28, s20;
	s28 =	sshll.u32 s28, $0x9  }
0x29d: {  	v61 =	vpsel p3, $0x0, v0;
	s29 =	sshra.s32 s28, $0x2;
	v58 =	vpsel p3, $0x0, v57;
	v55 =	vpsel !p3, $0x0, v0  }
0x29e: {  	v0 =	vmul.f32 v56, v54;
	v1 =	vpsel p3, $0x0, v60  }
0x29f: {  	[tilespmem:s29+$0xA180] =	vst.add.f32.msk $0xffff, v61;
	v2 =	vpsel p3, $0x0, v59;
	v3 =	vmul.f32 v56, v53;
	v4 =	vpsel !p3, $0x0, v60  }
0x2a0: {  	v53 =	vpsel !p3, $0x0, v59;
	v54 =	vpsel !p3, $0x0, v57;
	v57 =	vmul.f32 v56, v52;
	[tilespmem:s29+$0xA1F0] =	vst.add.f32.msk $0xffff, v58  }
0x2a1: {  	v6 =	vmul.f32 v56, v51;
	v49 =	vadd.f32 v55, v49;
	[tilespmem:s29+$0xA1A0] =	vst.add.f32.msk $0xffff, v1;
	v50 =	vadd.f32 v4, v50  }
.Ltmp10:
0x2a2: {  	[tilespmem:s29+$0xA1D0] =	vst.add.f32.msk $0xffff, v2;
	v44 =	vadd.f32 v53, v44;
	v43 =	vadd.f32 v54, v43;
	v5 =	vpsel p3, $0x0, v0;
	(pc) =	sbr.rel .LBB2_11-.Ltmp10, $4  }
0x2a3: {  	v0 =	vpsel !p3, $0x0, v0;
	v59 =	vpsel !p3, $0x0, v3;
	v3 =	vpsel p3, $0x0, v3;
	[tilespmem:s29+$0xA1C0] =	vst.add.f32.msk $0xffff, v5  }
0x2a4: {  	v60 =	vpsel !p3, $0x0, v57;
	v61 =	vpsel p3, $0x0, v6;
	v62 =	vpsel p3, $0x0, v57;
	[tilespmem:s29+$0xA1E0] =	vst.add.f32.msk $0xffff, v3  }
0x2a5: {  	v63 =	vpsel !p3, $0x0, v6;
	v47 =	vadd.f32 v59, v47;
	v48 =	vadd.f32 v0, v48;
	[tilespmem:s29+$0xA190] =	vst.add.f32.msk $0xffff, v61  }
0x2a6: {  	v46 =	vadd.f32 v60, v46;
	[tilespmem:s29+$0xA1B0] =	vst.add.f32.msk $0xffff, v62;
	v45 =	vadd.f32 v63, v45  }
.LBB2_15:
0x2a7: {  	_ =	sfence.sel $0x180000  }
0x2a8: {  	[bflag:$0x0] =	sbarrier.arrive $0xFFFF  }
0x2a9: {  	_ =	strace $0x90000047  }
0x2aa: {  	[bflag:$0x2] =	sbarrier.arrive $0xFFFF  }
0x2ab: {  	s0 =	rddreg [dreg:$0x5]  }
0x2ac: {  	s0 =	sadd.s32 @!p0 $0x100000, s0  }
0x2ad: {  	[sflag:s0] =	ssyncadd.tile.s32 @!p0 $0x1;
	_ =	shalt  }
.Lfunc_end2:
_tile_overlayer_lowered:
.L_overlay_start_2:
0x2ae: {  	(tag) =	ssettag $0x2  }
0x2af: {  	s0 =	rddreg [dreg:$0x0];
	s2 =	stileid.u32  }
0x2b0: {  	s1 =	rddreg [dreg:$0x1];
	p0 =	sne.s32 s2, $0x0  }
0x2b1: {  	s3 =	rddreg [dreg:$0x2];
	[bflag:$0x3] =	sbarrier.arrive $0xFFFF;
	s2 =	simm.s32 @!p0 $0x1C05  }
0x2b2: {  	[timem:s3], [sflag:s2] =	dma.local @!p0 [hbm:s0], s1  }
0x2b3: {  	s0 =	simm.s32 @!p0 $0x5  }
0x2b4: {  	_ =	swait.ge @!p0 [sflag:s0], s1  }
0x2b5: {  	s1 =	ssub.s32 @!p0 $0x0, s1;
	[sflag:s0] =	ssyncset.done @!p0 $0x0  }
0x2b6: {  	[sflag:s0] =	ssyncadd.s32 @!p0 s1  }
0x2b7: {  	[bflag:$0x3] =	sbarrier.arrive $0xFFFF  }
0x2b8: {  	_ =	shalt  }

</sc_bundles>
